<compile_context>
chip_gen: v7x
topology: tpu7x:2x2x1
jax: 0.10.2.dev20260603
libtpu: 0.0.44.dev20260713+nightly
codegen_flags: <defaults>
</compile_context>

<pallas_src>
import functools

import jax
import jax.numpy as jnp
from jax import lax
from jax.experimental import pallas as pl
from jax.experimental.pallas import tpu as pltpu
from jax.experimental.pallas import tpu_sc as plsc

N = 10000
D = 128
H = 128
A_OUT = 16
E = 320000

NC = 2
NS = 16
NW = NC * NS
K = 128
CPW = 80
EPW = K * CPW
E_PAD = EPW * NW
NPAD = 10240
DST_PAD = 10100
SLAB = NPAD // NS
NZC = SLAB // K

_mesh = plsc.VectorSubcoreMesh(
    core_axis_name="c", subcore_axis_name="s", num_cores=NC, num_subcores=NS
)


@functools.partial(
    pl.kernel,
    out_type=jax.ShapeDtypeStruct((NC * NPAD,), jnp.float32),
    mesh=_mesh,
    scratch_types=[
        pltpu.VMEM((CPW, K), jnp.int32),
        pltpu.VMEM((K,), jnp.float32),
        pltpu.VMEM((SLAB,), jnp.float32),
        pltpu.VMEM_SHARED((NPAD,), jnp.float32),
        pltpu.SemaphoreType.DMA,
        pltpu.SemaphoreType.DMA,
        pltpu.SemaphoreType.DMA,
        pltpu.SemaphoreType.DMA,
    ],
)
def _sc_degree(dst_hbm, out_hbm, dst_v, ones_v, stage_v, deg_sh,
               sem0, sem1, sem2, sem3):
    c = lax.axis_index("c")
    s = lax.axis_index("s")
    wid = s * NC + c

    def fill(i, _):
        ones_v[pl.ds(i * 16, 16)] = jnp.ones((16,), jnp.float32)
        return 0

    lax.fori_loop(0, K // 16, fill, 0)

    def zfill(i, _):
        stage_v[pl.ds(i * 16, 16)] = jnp.zeros((16,), jnp.float32)
        return 0

    lax.fori_loop(0, SLAB // 16, zfill, 0)
    pltpu.sync_copy(stage_v, deg_sh.at[pl.ds(s * SLAB, SLAB)])
    pltpu.sync_copy(dst_hbm.at[wid], dst_v)
    plsc.subcore_barrier()
    pl.delay(2000)
    plsc.subcore_barrier()

    def step(i, _):
        t = 4 * i
        d0 = pltpu.async_copy(ones_v, deg_sh.at[dst_v.at[t]], sem0, add=True)
        d1 = pltpu.async_copy(ones_v, deg_sh.at[dst_v.at[t + 1]], sem1, add=True)
        d2 = pltpu.async_copy(ones_v, deg_sh.at[dst_v.at[t + 2]], sem2, add=True)
        d3 = pltpu.async_copy(ones_v, deg_sh.at[dst_v.at[t + 3]], sem3, add=True)
        d0.wait()
        d1.wait()
        d2.wait()
        d3.wait()
        return 0

    lax.fori_loop(0, CPW // 4, step, 0)
    plsc.subcore_barrier()
    pl.delay(2000)
    plsc.subcore_barrier()
    pltpu.sync_copy(deg_sh.at[pl.ds(s * SLAB, SLAB)], stage_v)
    pltpu.sync_copy(stage_v, out_hbm.at[pl.ds(c * NPAD + s * SLAB, SLAB)])


@functools.partial(
    pl.kernel,
    out_type=jax.ShapeDtypeStruct((NC, NPAD, D), jnp.float32),
    mesh=_mesh,
    scratch_types=[
        pltpu.VMEM((K,), jnp.int32),
        pltpu.VMEM((K,), jnp.int32),
        pltpu.VMEM((K,), jnp.int32),
        pltpu.VMEM((K,), jnp.int32),
        pltpu.VMEM((K, D), jnp.float32),
        pltpu.VMEM((K, D), jnp.float32),
        pltpu.VMEM_SHARED((NPAD, D), jnp.float32),
        pltpu.SemaphoreType.DMA,
        pltpu.SemaphoreType.DMA,
    ],
)
def _sc_aggregate(g_hbm, src_hbm, dst_hbm, out_hbm, srcv0, srcv1,
                  dstv0, dstv1, rows0, rows1, agg_sh, g0, g1):
    c = lax.axis_index("c")
    s = lax.axis_index("s")
    wid = s * NC + c

    def zfill(i, _):
        rows0[i // 8, pl.ds((i % 8) * 16, 16)] = jnp.zeros((16,), jnp.float32)
        return 0

    lax.fori_loop(0, K * 8, zfill, 0)
    for b in range(NZC):
        pltpu.sync_copy(rows0, agg_sh.at[pl.ds(s * SLAB + b * K, K)])
    plsc.subcore_barrier()
    pl.delay(2000)
    plsc.subcore_barrier()

    def step(i, _):
        base0 = wid * EPW + 2 * i * K
        base1 = base0 + K
        pltpu.sync_copy(src_hbm.at[pl.ds(base0, K)], srcv0)
        pltpu.sync_copy(src_hbm.at[pl.ds(base1, K)], srcv1)
        d0 = pltpu.async_copy(g_hbm.at[srcv0], rows0, g0)
        d1 = pltpu.async_copy(g_hbm.at[srcv1], rows1, g1)
        pltpu.sync_copy(dst_hbm.at[pl.ds(base0, K)], dstv0)
        pltpu.sync_copy(dst_hbm.at[pl.ds(base1, K)], dstv1)
        d0.wait()
        pltpu.sync_copy(rows0, agg_sh.at[dstv0], add=True)
        d1.wait()
        pltpu.sync_copy(rows1, agg_sh.at[dstv1], add=True)
        return 0

    lax.fori_loop(0, CPW // 2, step, 0)
    plsc.subcore_barrier()
    pl.delay(2000)
    plsc.subcore_barrier()
    for b in range(NZC):
        pltpu.sync_copy(agg_sh.at[pl.ds(s * SLAB + b * K, K)], rows0)
        pltpu.sync_copy(rows0, out_hbm.at[c, pl.ds(s * SLAB + b * K, K)])


def _dinv_body(degs_ref, dinv_ref):
    dinv_ref[...] = lax.rsqrt(degs_ref[:NPAD] + degs_ref[NPAD:] + 1.0)


_dinv = pl.pallas_call(
    _dinv_body,
    out_shape=jax.ShapeDtypeStruct((NPAD,), jnp.float32),
)

MB = 1000


def _l1_body(x_ref, w_ref, dinv_ref, g_ref):
    h = jnp.dot(x_ref[...], w_ref[...], preferred_element_type=jnp.float32)
    g_ref[...] = h * dinv_ref[...]


_l1 = pl.pallas_call(
    _l1_body,
    grid=(N // MB,),
    in_specs=[
        pl.BlockSpec((MB, D), lambda i: (i, 0)),
        pl.BlockSpec((D, H), lambda i: (0, 0)),
        pl.BlockSpec((MB, 1), lambda i: (i, 0)),
    ],
    out_specs=pl.BlockSpec((MB, H), lambda i: (i, 0)),
    out_shape=jax.ShapeDtypeStruct((N, H), jnp.float32),
)


def _l2_body(agg_ref, g1_ref, dinv_ref, b1_ref, w2_ref, g2_ref):
    z = jnp.maximum(
        (agg_ref[0] + agg_ref[1] + g1_ref[...]) * dinv_ref[...] + b1_ref[...],
        0.0,
    )
    g2_ref[...] = (
        jnp.dot(z, w2_ref[...], preferred_element_type=jnp.float32)
        * dinv_ref[...]
    )


_l2 = pl.pallas_call(
    _l2_body,
    grid=(N // MB,),
    in_specs=[
        pl.BlockSpec((NC, MB, D), lambda i: (0, i, 0)),
        pl.BlockSpec((MB, H), lambda i: (i, 0)),
        pl.BlockSpec((MB, 1), lambda i: (i, 0)),
        pl.BlockSpec((1, H), lambda i: (0, 0)),
        pl.BlockSpec((H, H), lambda i: (0, 0)),
    ],
    out_specs=pl.BlockSpec((MB, H), lambda i: (i, 0)),
    out_shape=jax.ShapeDtypeStruct((N, H), jnp.float32),
)


def _head_body(agg_ref, g2_ref, dinv_ref, b2_ref, w3_ref, b3_ref, o_ref):
    z = jnp.maximum(
        (agg_ref[0] + agg_ref[1] + g2_ref[...]) * dinv_ref[...] + b2_ref[...],
        0.0,
    )
    o_ref[...] = (
        jnp.dot(z, w3_ref[...], preferred_element_type=jnp.float32)
        + b3_ref[...]
    )


_head = pl.pallas_call(
    _head_body,
    grid=(N // MB,),
    in_specs=[
        pl.BlockSpec((NC, MB, H), lambda i: (0, i, 0)),
        pl.BlockSpec((MB, H), lambda i: (i, 0)),
        pl.BlockSpec((MB, 1), lambda i: (i, 0)),
        pl.BlockSpec((1, H), lambda i: (0, 0)),
        pl.BlockSpec((H, A_OUT), lambda i: (0, 0)),
        pl.BlockSpec((1, A_OUT), lambda i: (0, 0)),
    ],
    out_specs=pl.BlockSpec((MB, A_OUT), lambda i: (i, 0)),
    out_shape=jax.ShapeDtypeStruct((N, A_OUT), jnp.float32),
)


def kernel(x, edge_index, W1, b1, W2, b2, W3, b3):
    src = edge_index[0].astype(jnp.int32)
    dst = edge_index[1].astype(jnp.int32)
    pad = E_PAD - E
    pad_idx = jnp.arange(pad, dtype=jnp.int32)
    src_p = jnp.concatenate([src, pad_idx % 128])
    dst_p = jnp.concatenate([dst, N + (pad_idx % (NPAD - N))])
    dst3 = dst_p.reshape(NW, CPW, K)

    degs = _sc_degree(dst3)
    dinv = _dinv(degs)
    dinv_col = dinv[:N].reshape(N, 1)

    g1 = _l1(x, W1, dinv_col)
    agg1 = _sc_aggregate(g1, src_p, dst_p)
    g2 = _l2(agg1, g1, dinv_col, b1.reshape(1, H), W2)
    agg2 = _sc_aggregate(g2, src_p, dst_p)
    return _head(agg2, g2, dinv_col, b2.reshape(1, H), W3, b3.reshape(1, A_OUT))

# --- scband reference (transcript-rebuilt; emitter-appended) ---
"""Pipeline reference for scband-gnnsenior-45827301048865 (READ-ONLY COPY).

The authoritative reference and input builder live on the scoring server;
editing this copy changes nothing except your own understanding.
"""

import jax, jax.numpy as jnp
import numpy as np

N_NODES = 10000
D_FEAT = 128
HIDDEN = 128
ACTION = 16
N_EDGES = 320000

def setup_inputs(seed: int = 0) -> dict:
    key = jax.random.key(seed)
    ks = jax.random.split(key, 8)
    x = jax.random.normal(ks[0], (N_NODES, D_FEAT), dtype=jnp.float32)
    edge_index = jax.random.randint(ks[1], (2, N_EDGES), 0, N_NODES, dtype=jnp.int64)
    W1 = jax.random.normal(ks[2], (D_FEAT, HIDDEN), dtype=jnp.float32) * (1.0 / np.sqrt(D_FEAT))
    b1 = jnp.zeros((HIDDEN,), dtype=jnp.float32)
    W2 = jax.random.normal(ks[3], (HIDDEN, HIDDEN), dtype=jnp.float32) * (1.0 / np.sqrt(HIDDEN))
    b2 = jnp.zeros((HIDDEN,), dtype=jnp.float32)
    W3 = jax.random.normal(ks[4], (HIDDEN, ACTION), dtype=jnp.float32) * (1.0 / np.sqrt(HIDDEN))
    b3 = jnp.zeros((ACTION,), dtype=jnp.float32)
    return {"x": x, "edge_index": edge_index, "W1": W1, "b1": b1, "W2": W2, "b2": b2, "W3": W3, "b3": b3}

def gcn_conv(x, src, dst, W, b, num_nodes):
    # PyG GCNConv: add self loops, symmetric D^-1/2 (A+I) D^-1/2 normalization
    loop = jnp.arange(num_nodes, dtype=src.dtype)
    s = jnp.concatenate([src, loop])
    d = jnp.concatenate([dst, loop])
    deg = jnp.zeros((num_nodes,), dtype=x.dtype).at[d].add(1.0)
    dinv = jnp.where(deg > 0, deg ** -0.5, 0.0)
    norm = dinv[s] * dinv[d]
    h = x @ W
    msg = h[s] * norm[:, None]
    out = jnp.zeros((num_nodes, W.shape[1]), dtype=x.dtype).at[d].add(msg)
    return out + b

def reference(x, edge_index, W1, b1, W2, b2, W3, b3):
    num_nodes = x.shape[0]
    src = edge_index[0]
    dst = edge_index[1]
    h = jax.nn.relu(gcn_conv(x, src, dst, W1, b1, num_nodes))
    h = jax.nn.relu(gcn_conv(h, src, dst, W2, b2, num_nodes))
    return h @ W3 + b3

if __name__ == "__main__":
    import jax
    _d = setup_inputs()
    print(jax.jit(kernel)(*tuple(_d.values())))

</pallas_src>

<mosaic_0001>
#map = affine_map<(d0, d1) -> (0, 0, 0)>
#map1 = affine_map<(d0, d1) -> (0)>
module attributes {stable_mosaic.version = 14 : i64} {
  func.func @_sc_degree(%arg0: i32, %arg1: i32, %arg2: memref<32x80x128xi32, #tpu.memory_space<hbm>>, %arg3: memref<20480xf32, #tpu.memory_space<hbm>>, %arg4: memref<80x128xi32, #tpu.memory_space<vmem>>, %arg5: memref<128xf32, #tpu.memory_space<vmem>>, %arg6: memref<640xf32, #tpu.memory_space<vmem>>, %arg7: memref<10240xf32, #tpu.memory_space<vmem_shared>>, %arg8: memref<!tpu.dma_semaphore, #tpu.memory_space<semaphore_mem>>, %arg9: memref<!tpu.dma_semaphore, #tpu.memory_space<semaphore_mem>>, %arg10: memref<!tpu.dma_semaphore, #tpu.memory_space<semaphore_mem>>, %arg11: memref<!tpu.dma_semaphore, #tpu.memory_space<semaphore_mem>>) attributes {dimension_semantics = [#tpu.dimension_semantics<core_parallel>, #tpu.dimension_semantics<subcore_parallel>], iteration_bounds = array<i64: 2, 16>, scalar_prefetch = 0 : i64, scratch_operands = 8 : i64, tpu.core_type = #tpu.core_type<sc_vector_subcore>, window_params = [{transform_indices = #map}, {transform_indices = #map1}]} {
    %mul3A = arith.constant 2 : i32
    %mul3A_0 = arith.muli %arg1, %mul3A : i32
    %add3A = arith.addi %mul3A_0, %arg0 : i32
    %scan3A = arith.constant 0 : i32
    %scan3A_1 = arith.constant 0 : i32
    %scan3A_2 = arith.constant 8 : i32
    %scan3A_3 = arith.addi %scan3A_1, %scan3A_2 : i32
    %scan3A_4 = arith.constant 1 : i32
    %scan3A_5 = scf.for %scan3A_34 = %scan3A_1 to %scan3A_3 step %scan3A_4 iter_args(%scan3A_35 = %scan3A) -> (i32)  : i32 {
      %broadcast_in_dim3A = arith.constant 1.000000e+00 : f32
      %broadcast_in_dim3A_36 = vector.broadcast %broadcast_in_dim3A : f32 to vector<16xf32>
      %mul3A_37 = arith.constant 16 : i32
      %mul3A_38 = arith.muli %scan3A_34, %mul3A_37 : i32
      %swap3A = arith.index_cast %mul3A_38 : i32 to index
      %swap3A_39 = tpu.vector_load %arg5[%swap3A] {strides = array<i32>} : memref<128xf32, #tpu.memory_space<vmem>>, vector<16xf32>,
      %swap3A_40 = vector.shape_cast %swap3A_39 : vector<16xf32> to vector<16xf32>
      %swap3A_41 = vector.shape_cast %broadcast_in_dim3A_36 : vector<16xf32> to vector<16xf32>
      tpu.vector_store %arg5[%swap3A], %swap3A_41 {strides = array<i32>} : memref<128xf32, #tpu.memory_space<vmem>>, vector<16xf32>,
      %scan3A_42 = arith.constant 0 : i32
      scf.yield %scan3A_42 : i32
    }
    %scan3A_6 = arith.constant 8 : i32
    %scan3A_7 = arith.constant 0 : i32
    %scan3A_8 = arith.constant 0 : i32
    %scan3A_9 = arith.constant 40 : i32
    %scan3A_10 = arith.addi %scan3A_8, %scan3A_9 : i32
    %scan3A_11 = arith.constant 1 : i32
    %scan3A_12 = scf.for %scan3A_34 = %scan3A_8 to %scan3A_10 step %scan3A_11 iter_args(%scan3A_35 = %scan3A_7) -> (i32)  : i32 {
      %broadcast_in_dim3A = arith.constant 0.000000e+00 : f32
      %broadcast_in_dim3A_36 = vector.broadcast %broadcast_in_dim3A : f32 to vector<16xf32>
      %mul3A_37 = arith.constant 16 : i32
      %mul3A_38 = arith.muli %scan3A_34, %mul3A_37 : i32
      %swap3A = arith.index_cast %mul3A_38 : i32 to index
      %swap3A_39 = tpu.vector_load %arg6[%swap3A] {strides = array<i32>} : memref<640xf32, #tpu.memory_space<vmem>>, vector<16xf32>,
      %swap3A_40 = vector.shape_cast %swap3A_39 : vector<16xf32> to vector<16xf32>
      %swap3A_41 = vector.shape_cast %broadcast_in_dim3A_36 : vector<16xf32> to vector<16xf32>
      tpu.vector_store %arg6[%swap3A], %swap3A_41 {strides = array<i32>} : memref<640xf32, #tpu.memory_space<vmem>>, vector<16xf32>,
      %scan3A_42 = arith.constant 0 : i32
      scf.yield %scan3A_42 : i32
    }
    %scan3A_13 = arith.constant 40 : i32
    %mul3A_14 = arith.constant 640 : i32
    %mul3A_15 = arith.muli %arg1, %mul3A_14 : i32
    "tpu.region"() ({
      %run_scoped3A = tpu.sem_alloc : memref<!tpu.dma_semaphore, #tpu.memory_space<semaphore_mem>>
      %dma_start3A = tpu.memref_slice %arg7[%mul3A_15] : memref<10240xf32, #tpu.memory_space<vmem_shared>> -> memref<640xf32, #tpu.memory_space<vmem_shared>>
      %dma_start3A_34 = tpu.memref_slice %arg7[%mul3A_15] : memref<10240xf32, #tpu.memory_space<vmem_shared>> -> memref<640xf32, #tpu.memory_space<vmem_shared>>
      tpu.enqueue_dma source(%arg6 : memref<640xf32, #tpu.memory_space<vmem>>) target(%dma_start3A_34 : memref<640xf32, #tpu.memory_space<vmem_shared>>) target_semaphore(%run_scoped3A : memref<!tpu.dma_semaphore, #tpu.memory_space<semaphore_mem>>)
      %dma_wait3A = tpu.memref_slice %arg7[%mul3A_15] : memref<10240xf32, #tpu.memory_space<vmem_shared>> -> memref<640xf32, #tpu.memory_space<vmem_shared>>
      %dma_wait3A_35 = tpu.memref_slice %arg7[%mul3A_15] : memref<10240xf32, #tpu.memory_space<vmem_shared>> -> memref<640xf32, #tpu.memory_space<vmem_shared>>
      tpu.wait_dma2 semaphore(%run_scoped3A : memref<!tpu.dma_semaphore, #tpu.memory_space<semaphore_mem>>) src(%arg6 : memref<640xf32, #tpu.memory_space<vmem>>) dst(%dma_wait3A_35 : memref<640xf32, #tpu.memory_space<vmem_shared>>)
      tpu.yield
    }) : () -> ()
    "tpu.region"() ({
      %run_scoped3A = tpu.sem_alloc : memref<!tpu.dma_semaphore, #tpu.memory_space<semaphore_mem>>
      %dma_start3A = arith.constant 0 : i32
      %dma_start3A_34 = arith.constant 0 : i32
      %dma_start3A_35 = tpu.memref_slice %arg2[%add3A, %dma_start3A, %dma_start3A_34] : memref<32x80x128xi32, #tpu.memory_space<hbm>> -> memref<1x80x128xi32, #tpu.memory_space<hbm>>
      %dma_start3A_36 = tpu.memref_squeeze %dma_start3A_35 : memref<1x80x128xi32, #tpu.memory_space<hbm>> -> memref<80x128xi32, #tpu.memory_space<hbm>>
      %dma_start3A_37 = arith.constant 0 : i32
      %dma_start3A_38 = arith.constant 0 : i32
      %dma_start3A_39 = tpu.memref_slice %arg2[%add3A, %dma_start3A_37, %dma_start3A_38] : memref<32x80x128xi32, #tpu.memory_space<hbm>> -> memref<1x80x128xi32, #tpu.memory_space<hbm>>
      %dma_start3A_40 = tpu.memref_squeeze %dma_start3A_39 : memref<1x80x128xi32, #tpu.memory_space<hbm>> -> memref<80x128xi32, #tpu.memory_space<hbm>>
      tpu.enqueue_dma source(%dma_start3A_40 : memref<80x128xi32, #tpu.memory_space<hbm>>) target(%arg4 : memref<80x128xi32, #tpu.memory_space<vmem>>) target_semaphore(%run_scoped3A : memref<!tpu.dma_semaphore, #tpu.memory_space<semaphore_mem>>)
      %dma_wait3A = arith.constant 0 : i32
      %dma_wait3A_41 = arith.constant 0 : i32
      %dma_wait3A_42 = tpu.memref_slice %arg2[%add3A, %dma_wait3A, %dma_wait3A_41] : memref<32x80x128xi32, #tpu.memory_space<hbm>> -> memref<1x80x128xi32, #tpu.memory_space<hbm>>
      %dma_wait3A_43 = tpu.memref_squeeze %dma_wait3A_42 : memref<1x80x128xi32, #tpu.memory_space<hbm>> -> memref<80x128xi32, #tpu.memory_space<hbm>>
      %dma_wait3A_44 = arith.constant 0 : i32
      %dma_wait3A_45 = arith.constant 0 : i32
      %dma_wait3A_46 = tpu.memref_slice %arg2[%add3A, %dma_wait3A_44, %dma_wait3A_45] : memref<32x80x128xi32, #tpu.memory_space<hbm>> -> memref<1x80x128xi32, #tpu.memory_space<hbm>>
      %dma_wait3A_47 = tpu.memref_squeeze %dma_wait3A_46 : memref<1x80x128xi32, #tpu.memory_space<hbm>> -> memref<80x128xi32, #tpu.memory_space<hbm>>
      tpu.wait_dma2 semaphore(%run_scoped3A : memref<!tpu.dma_semaphore, #tpu.memory_space<semaphore_mem>>) src(%dma_wait3A_47 : memref<80x128xi32, #tpu.memory_space<hbm>>) dst(%arg4 : memref<80x128xi32, #tpu.memory_space<vmem>>)
      tpu.yield
    }) : () -> ()
    %barrier3A = arith.constant 0 : index
    tpu.barrier barrier_id(%barrier3A)
    %delay3A = arith.constant 2000 : i32
    tpu.delay %delay3A
    %barrier3A_16 = arith.constant 0 : index
    tpu.barrier barrier_id(%barrier3A_16)
    %scan3A_17 = arith.constant 0 : i32
    %scan3A_18 = arith.constant 0 : i32
    %scan3A_19 = arith.constant 20 : i32
    %scan3A_20 = arith.addi %scan3A_18, %scan3A_19 : i32
    %scan3A_21 = arith.constant 1 : i32
    %scan3A_22 = scf.for %scan3A_34 = %scan3A_18 to %scan3A_20 step %scan3A_21 iter_args(%scan3A_35 = %scan3A_17) -> (i32)  : i32 {
      %mul3A_36 = arith.constant 4 : i32
      %mul3A_37 = arith.muli %mul3A_36, %scan3A_34 : i32
      %dma_start3A = arith.constant 0 : i32
      %dma_start3A_38 = tpu.memref_slice %arg4[%mul3A_37, %dma_start3A] : memref<80x128xi32, #tpu.memory_space<vmem>> -> memref<1x128xi32, #tpu.memory_space<vmem>>
      %dma_start3A_39 = tpu.memref_squeeze %dma_start3A_38 : memref<1x128xi32, #tpu.memory_space<vmem>> -> memref<128xi32, #tpu.memory_space<vmem>>
      %dma_start3A_40 = arith.constant 0 : i32
      %dma_start3A_41 = tpu.memref_slice %arg7[%dma_start3A_40] : memref<10240xf32, #tpu.memory_space<vmem_shared>> -> memref<10240xf32, #tpu.memory_space<vmem_shared>>
      tpu.enqueue_indirect_dma source(%arg5 : memref<128xf32, #tpu.memory_space<vmem>>) target(%dma_start3A_41 : memref<10240xf32, #tpu.memory_space<vmem_shared>>) offsets(%dma_start3A_39 : memref<128xi32, #tpu.memory_space<vmem>>) semaphore(%arg8 : memref<!tpu.dma_semaphore, #tpu.memory_space<semaphore_mem>>) {add = true}
      %add3A_42 = arith.constant 1 : i32
      %add3A_43 = arith.addi %mul3A_37, %add3A_42 : i32
      %dma_start3A_44 = arith.constant 0 : i32
      %dma_start3A_45 = tpu.memref_slice %arg4[%add3A_43, %dma_start3A_44] : memref<80x128xi32, #tpu.memory_space<vmem>> -> memref<1x128xi32, #tpu.memory_space<vmem>>
      %dma_start3A_46 = tpu.memref_squeeze %dma_start3A_45 : memref<1x128xi32, #tpu.memory_space<vmem>> -> memref<128xi32, #tpu.memory_space<vmem>>
      %dma_start3A_47 = arith.constant 0 : i32
      %dma_start3A_48 = tpu.memref_slice %arg7[%dma_start3A_47] : memref<10240xf32, #tpu.memory_space<vmem_shared>> -> memref<10240xf32, #tpu.memory_space<vmem_shared>>
      tpu.enqueue_indirect_dma source(%arg5 : memref<128xf32, #tpu.memory_space<vmem>>) target(%dma_start3A_48 : memref<10240xf32, #tpu.memory_space<vmem_shared>>) offsets(%dma_start3A_46 : memref<128xi32, #tpu.memory_space<vmem>>) semaphore(%arg9 : memref<!tpu.dma_semaphore, #tpu.memory_space<semaphore_mem>>) {add = true}
      %add3A_49 = arith.constant 2 : i32
      %add3A_50 = arith.addi %mul3A_37, %add3A_49 : i32
      %dma_start3A_51 = arith.constant 0 : i32
      %dma_start3A_52 = tpu.memref_slice %arg4[%add3A_50, %dma_start3A_51] : memref<80x128xi32, #tpu.memory_space<vmem>> -> memref<1x128xi32, #tpu.memory_space<vmem>>
      %dma_start3A_53 = tpu.memref_squeeze %dma_start3A_52 : memref<1x128xi32, #tpu.memory_space<vmem>> -> memref<128xi32, #tpu.memory_space<vmem>>
      %dma_start3A_54 = arith.constant 0 : i32
      %dma_start3A_55 = tpu.memref_slice %arg7[%dma_start3A_54] : memref<10240xf32, #tpu.memory_space<vmem_shared>> -> memref<10240xf32, #tpu.memory_space<vmem_shared>>
      tpu.enqueue_indirect_dma source(%arg5 : memref<128xf32, #tpu.memory_space<vmem>>) target(%dma_start3A_55 : memref<10240xf32, #tpu.memory_space<vmem_shared>>) offsets(%dma_start3A_53 : memref<128xi32, #tpu.memory_space<vmem>>) semaphore(%arg10 : memref<!tpu.dma_semaphore, #tpu.memory_space<semaphore_mem>>) {add = true}
      %add3A_56 = arith.constant 3 : i32
      %add3A_57 = arith.addi %mul3A_37, %add3A_56 : i32
      %dma_start3A_58 = arith.constant 0 : i32
      %dma_start3A_59 = tpu.memref_slice %arg4[%add3A_57, %dma_start3A_58] : memref<80x128xi32, #tpu.memory_space<vmem>> -> memref<1x128xi32, #tpu.memory_space<vmem>>
      %dma_start3A_60 = tpu.memref_squeeze %dma_start3A_59 : memref<1x128xi32, #tpu.memory_space<vmem>> -> memref<128xi32, #tpu.memory_space<vmem>>
      %dma_start3A_61 = arith.constant 0 : i32
      %dma_start3A_62 = tpu.memref_slice %arg7[%dma_start3A_61] : memref<10240xf32, #tpu.memory_space<vmem_shared>> -> memref<10240xf32, #tpu.memory_space<vmem_shared>>
      tpu.enqueue_indirect_dma source(%arg5 : memref<128xf32, #tpu.memory_space<vmem>>) target(%dma_start3A_62 : memref<10240xf32, #tpu.memory_space<vmem_shared>>) offsets(%dma_start3A_60 : memref<128xi32, #tpu.memory_space<vmem>>) semaphore(%arg11 : memref<!tpu.dma_semaphore, #tpu.memory_space<semaphore_mem>>) {add = true}
      %dma_wait3A = arith.constant 0 : i32
      %dma_wait3A_63 = tpu.memref_slice %arg4[%mul3A_37, %dma_wait3A] : memref<80x128xi32, #tpu.memory_space<vmem>> -> memref<1x128xi32, #tpu.memory_space<vmem>>
      %dma_wait3A_64 = tpu.memref_squeeze %dma_wait3A_63 : memref<1x128xi32, #tpu.memory_space<vmem>> -> memref<128xi32, #tpu.memory_space<vmem>>
      %dma_wait3A_65 = arith.constant 0 : i32
      %dma_wait3A_66 = tpu.memref_slice %arg7[%dma_wait3A_65] : memref<10240xf32, #tpu.memory_space<vmem_shared>> -> memref<10240xf32, #tpu.memory_space<vmem_shared>>
      tpu.wait_indirect_dma semaphore(%arg8 : memref<!tpu.dma_semaphore, #tpu.memory_space<semaphore_mem>>) src(%arg5 : memref<128xf32, #tpu.memory_space<vmem>>) dst(%dma_wait3A_66 : memref<10240xf32, #tpu.memory_space<vmem_shared>>)
      %dma_wait3A_67 = arith.constant 0 : i32
      %dma_wait3A_68 = tpu.memref_slice %arg4[%add3A_43, %dma_wait3A_67] : memref<80x128xi32, #tpu.memory_space<vmem>> -> memref<1x128xi32, #tpu.memory_space<vmem>>
      %dma_wait3A_69 = tpu.memref_squeeze %dma_wait3A_68 : memref<1x128xi32, #tpu.memory_space<vmem>> -> memref<128xi32, #tpu.memory_space<vmem>>
      %dma_wait3A_70 = arith.constant 0 : i32
      %dma_wait3A_71 = tpu.memref_slice %arg7[%dma_wait3A_70] : memref<10240xf32, #tpu.memory_space<vmem_shared>> -> memref<10240xf32, #tpu.memory_space<vmem_shared>>
      tpu.wait_indirect_dma semaphore(%arg9 : memref<!tpu.dma_semaphore, #tpu.memory_space<semaphore_mem>>) src(%arg5 : memref<128xf32, #tpu.memory_space<vmem>>) dst(%dma_wait3A_71 : memref<10240xf32, #tpu.memory_space<vmem_shared>>)
      %dma_wait3A_72 = arith.constant 0 : i32
      %dma_wait3A_73 = tpu.memref_slice %arg4[%add3A_50, %dma_wait3A_72] : memref<80x128xi32, #tpu.memory_space<vmem>> -> memref<1x128xi32, #tpu.memory_space<vmem>>
      %dma_wait3A_74 = tpu.memref_squeeze %dma_wait3A_73 : memref<1x128xi32, #tpu.memory_space<vmem>> -> memref<128xi32, #tpu.memory_space<vmem>>
      %dma_wait3A_75 = arith.constant 0 : i32
      %dma_wait3A_76 = tpu.memref_slice %arg7[%dma_wait3A_75] : memref<10240xf32, #tpu.memory_space<vmem_shared>> -> memref<10240xf32, #tpu.memory_space<vmem_shared>>
      tpu.wait_indirect_dma semaphore(%arg10 : memref<!tpu.dma_semaphore, #tpu.memory_space<semaphore_mem>>) src(%arg5 : memref<128xf32, #tpu.memory_space<vmem>>) dst(%dma_wait3A_76 : memref<10240xf32, #tpu.memory_space<vmem_shared>>)
      %dma_wait3A_77 = arith.constant 0 : i32
      %dma_wait3A_78 = tpu.memref_slice %arg4[%add3A_57, %dma_wait3A_77] : memref<80x128xi32, #tpu.memory_space<vmem>> -> memref<1x128xi32, #tpu.memory_space<vmem>>
      %dma_wait3A_79 = tpu.memref_squeeze %dma_wait3A_78 : memref<1x128xi32, #tpu.memory_space<vmem>> -> memref<128xi32, #tpu.memory_space<vmem>>
      %dma_wait3A_80 = arith.constant 0 : i32
      %dma_wait3A_81 = tpu.memref_slice %arg7[%dma_wait3A_80] : memref<10240xf32, #tpu.memory_space<vmem_shared>> -> memref<10240xf32, #tpu.memory_space<vmem_shared>>
      tpu.wait_indirect_dma semaphore(%arg11 : memref<!tpu.dma_semaphore, #tpu.memory_space<semaphore_mem>>) src(%arg5 : memref<128xf32, #tpu.memory_space<vmem>>) dst(%dma_wait3A_81 : memref<10240xf32, #tpu.memory_space<vmem_shared>>)
      %scan3A_82 = arith.constant 0 : i32
      scf.yield %scan3A_82 : i32
    }
    %scan3A_23 = arith.constant 20 : i32
    %barrier3A_24 = arith.constant 0 : index
    tpu.barrier barrier_id(%barrier3A_24)
    %delay3A_25 = arith.constant 2000 : i32
    tpu.delay %delay3A_25
    %barrier3A_26 = arith.constant 0 : index
    tpu.barrier barrier_id(%barrier3A_26)
    %mul3A_27 = arith.constant 640 : i32
    %mul3A_28 = arith.muli %arg1, %mul3A_27 : i32
    "tpu.region"() ({
      %run_scoped3A = tpu.sem_alloc : memref<!tpu.dma_semaphore, #tpu.memory_space<semaphore_mem>>
      %dma_start3A = tpu.memref_slice %arg7[%mul3A_28] : memref<10240xf32, #tpu.memory_space<vmem_shared>> -> memref<640xf32, #tpu.memory_space<vmem_shared>>
      %dma_start3A_34 = tpu.memref_slice %arg7[%mul3A_28] : memref<10240xf32, #tpu.memory_space<vmem_shared>> -> memref<640xf32, #tpu.memory_space<vmem_shared>>
      tpu.enqueue_dma source(%dma_start3A_34 : memref<640xf32, #tpu.memory_space<vmem_shared>>) target(%arg6 : memref<640xf32, #tpu.memory_space<vmem>>) target_semaphore(%run_scoped3A : memref<!tpu.dma_semaphore, #tpu.memory_space<semaphore_mem>>)
      %dma_wait3A = tpu.memref_slice %arg7[%mul3A_28] : memref<10240xf32, #tpu.memory_space<vmem_shared>> -> memref<640xf32, #tpu.memory_space<vmem_shared>>
      %dma_wait3A_35 = tpu.memref_slice %arg7[%mul3A_28] : memref<10240xf32, #tpu.memory_space<vmem_shared>> -> memref<640xf32, #tpu.memory_space<vmem_shared>>
      tpu.wait_dma2 semaphore(%run_scoped3A : memref<!tpu.dma_semaphore, #tpu.memory_space<semaphore_mem>>) src(%dma_wait3A_35 : memref<640xf32, #tpu.memory_space<vmem_shared>>) dst(%arg6 : memref<640xf32, #tpu.memory_space<vmem>>)
      tpu.yield
    }) : () -> ()
    %mul3A_29 = arith.constant 10240 : i32
    %mul3A_30 = arith.muli %arg0, %mul3A_29 : i32
    %mul3A_31 = arith.constant 640 : i32
    %mul3A_32 = arith.muli %arg1, %mul3A_31 : i32
    %add3A_33 = arith.addi %mul3A_30, %mul3A_32 : i32
    "tpu.region"() ({
      %run_scoped3A = tpu.sem_alloc : memref<!tpu.dma_semaphore, #tpu.memory_space<semaphore_mem>>
      %dma_start3A = tpu.memref_slice %arg3[%add3A_33] : memref<20480xf32, #tpu.memory_space<hbm>> -> memref<640xf32, #tpu.memory_space<hbm>>
      %dma_start3A_34 = tpu.memref_slice %arg3[%add3A_33] : memref<20480xf32, #tpu.memory_space<hbm>> -> memref<640xf32, #tpu.memory_space<hbm>>
      tpu.enqueue_dma source(%arg6 : memref<640xf32, #tpu.memory_space<vmem>>) target(%dma_start3A_34 : memref<640xf32, #tpu.memory_space<hbm>>) target_semaphore(%run_scoped3A : memref<!tpu.dma_semaphore, #tpu.memory_space<semaphore_mem>>)
      %dma_wait3A = tpu.memref_slice %arg3[%add3A_33] : memref<20480xf32, #tpu.memory_space<hbm>> -> memref<640xf32, #tpu.memory_space<hbm>>
      %dma_wait3A_35 = tpu.memref_slice %arg3[%add3A_33] : memref<20480xf32, #tpu.memory_space<hbm>> -> memref<640xf32, #tpu.memory_space<hbm>>
      tpu.wait_dma2 semaphore(%run_scoped3A : memref<!tpu.dma_semaphore, #tpu.memory_space<semaphore_mem>>) src(%arg6 : memref<640xf32, #tpu.memory_space<vmem>>) dst(%dma_wait3A_35 : memref<640xf32, #tpu.memory_space<hbm>>)
      tpu.yield
    }) : () -> ()
    return
  }
}

#map = affine_map<(d0, d1) -> (0, 0)>
#map1 = affine_map<(d0, d1) -> (0)>
#map2 = affine_map<(d0, d1) -> (0, 0, 0)>
module attributes {stable_mosaic.version = 14 : i64} {
  func.func @_sc_aggregate(%arg0: i32, %arg1: i32, %arg2: memref<10000x128xf32, #tpu.memory_space<hbm>>, %arg3: memref<327680xi32, #tpu.memory_space<hbm>>, %arg4: memref<327680xi32, #tpu.memory_space<hbm>>, %arg5: memref<2x10240x128xf32, #tpu.memory_space<hbm>>, %arg6: memref<128xi32, #tpu.memory_space<vmem>>, %arg7: memref<128xi32, #tpu.memory_space<vmem>>, %arg8: memref<128xi32, #tpu.memory_space<vmem>>, %arg9: memref<128xi32, #tpu.memory_space<vmem>>, %arg10: memref<128x128xf32, #tpu.memory_space<vmem>>, %arg11: memref<128x128xf32, #tpu.memory_space<vmem>>, %arg12: memref<10240x128xf32, #tpu.memory_space<vmem_shared>>, %arg13: memref<!tpu.dma_semaphore, #tpu.memory_space<semaphore_mem>>, %arg14: memref<!tpu.dma_semaphore, #tpu.memory_space<semaphore_mem>>) attributes {dimension_semantics = [#tpu.dimension_semantics<core_parallel>, #tpu.dimension_semantics<subcore_parallel>], iteration_bounds = array<i64: 2, 16>, scalar_prefetch = 0 : i64, scratch_operands = 9 : i64, tpu.core_type = #tpu.core_type<sc_vector_subcore>, window_params = [{transform_indices = #map}, {transform_indices = #map1}, {transform_indices = #map1}, {transform_indices = #map2}]} {
    %mul3A = arith.constant 2 : i32
    %mul3A_0 = arith.muli %arg1, %mul3A : i32
    %add3A = arith.addi %mul3A_0, %arg0 : i32
    %scan3A = arith.constant 0 : i32
    %scan3A_1 = arith.constant 0 : i32
    %scan3A_2 = arith.constant 1024 : i32
    %scan3A_3 = arith.addi %scan3A_1, %scan3A_2 : i32
    %scan3A_4 = arith.constant 1 : i32
    %scan3A_5 = scf.for %scan3A_78 = %scan3A_1 to %scan3A_3 step %scan3A_4 iter_args(%scan3A_79 = %scan3A) -> (i32)  : i32 {
      %broadcast_in_dim3A = arith.constant 0.000000e+00 : f32
      %broadcast_in_dim3A_80 = vector.broadcast %broadcast_in_dim3A : f32 to vector<16xf32>
      %jit3A = arith.constant 8 : i32
      %div3A = arith.divsi %scan3A_78, %jit3A : i32
      %sign3A = arith.constant 0 : i32
      %sign3A_81 = arith.cmpi sgt, %scan3A_78, %sign3A : i32
      %sign3A_82 = arith.extui %sign3A_81 : i1 to i32
      %sign3A_83 = arith.constant 0 : i32
      %sign3A_84 = arith.cmpi slt, %scan3A_78, %sign3A_83 : i32
      %sign3A_85 = arith.extui %sign3A_84 : i1 to i32
      %sign3A_86 = arith.subi %sign3A_82, %sign3A_85 : i32
      %sign3A_87 = arith.constant 0 : i32
      %sign3A_88 = arith.cmpi sgt, %jit3A, %sign3A_87 : i32
      %sign3A_89 = arith.extui %sign3A_88 : i1 to i32
      %sign3A_90 = arith.constant 0 : i32
      %sign3A_91 = arith.cmpi slt, %jit3A, %sign3A_90 : i32
      %sign3A_92 = arith.extui %sign3A_91 : i1 to i32
      %sign3A_93 = arith.subi %sign3A_89, %sign3A_92 : i32
      %ne3A = arith.cmpi ne, %sign3A_86, %sign3A_93 : i32
      %rem3A = arith.remsi %scan3A_78, %jit3A : i32
      %ne3A_94 = arith.constant 0 : i32
      %ne3A_95 = arith.cmpi ne, %rem3A, %ne3A_94 : i32
      %and3A = arith.andi %ne3A, %ne3A_95 : i1
      %sub3A = arith.constant 1 : i32
      %sub3A_96 = arith.subi %div3A, %sub3A : i32
      %select_n3A = arith.select %and3A, %sub3A_96, %div3A : i32
      %jit3A_97 = arith.constant 8 : i32
      %eq3A = arith.constant 0 : i32
      %eq3A_98 = arith.cmpi eq, %jit3A_97, %eq3A : i32
      %jit3A_99 = arith.constant 1 : i32
      %select_n3A_100 = arith.select %eq3A_98, %jit3A_99, %jit3A_97 : i32
      %rem3A_101 = arith.remsi %scan3A_78, %select_n3A_100 : i32
      %ne3A_102 = arith.constant 0 : i32
      %ne3A_103 = arith.cmpi ne, %rem3A_101, %ne3A_102 : i32
      %lt3A = arith.constant 0 : i32
      %lt3A_104 = arith.cmpi slt, %rem3A_101, %lt3A : i32
      %lt3A_105 = arith.constant 0 : i32
      %lt3A_106 = arith.cmpi slt, %select_n3A_100, %lt3A_105 : i32
      %ne3A_107 = arith.xori %lt3A_104, %lt3A_106 : i1
      %and3A_108 = arith.andi %ne3A_107, %ne3A_103 : i1
      %add3A_109 = arith.addi %rem3A_101, %select_n3A_100 : i32
      %select_n3A_110 = arith.select %and3A_108, %add3A_109, %rem3A_101 : i32
      %mul3A_111 = arith.constant 16 : i32
      %mul3A_112 = arith.muli %select_n3A_110, %mul3A_111 : i32
      %swap3A = arith.index_cast %select_n3A : i32 to index
      %swap3A_113 = arith.index_cast %mul3A_112 : i32 to index
      %swap3A_114 = tpu.vector_load %arg10[%swap3A, %swap3A_113] {strides = array<i32>} : memref<128x128xf32, #tpu.memory_space<vmem>>, vector<1x16xf32>,
      %swap3A_115 = vector.shape_cast %swap3A_114 : vector<1x16xf32> to vector<16xf32>
      %swap3A_116 = vector.shape_cast %broadcast_in_dim3A_80 : vector<16xf32> to vector<1x16xf32>
      tpu.vector_store %arg10[%swap3A, %swap3A_113], %swap3A_116 {strides = array<i32>} : memref<128x128xf32, #tpu.memory_space<vmem>>, vector<1x16xf32>,
      %scan3A_117 = arith.constant 0 : i32
      scf.yield %scan3A_117 : i32
    }
    %scan3A_6 = arith.constant 1024 : i32
    %mul3A_7 = arith.constant 640 : i32
    %mul3A_8 = arith.muli %arg1, %mul3A_7 : i32
    %add3A_9 = arith.constant 0 : i32
    %add3A_10 = arith.addi %mul3A_8, %add3A_9 : i32
    "tpu.region"() ({
      %run_scoped3A = tpu.sem_alloc : memref<!tpu.dma_semaphore, #tpu.memory_space<semaphore_mem>>
      %dma_start3A = arith.constant 0 : i32
      %dma_start3A_78 = tpu.memref_slice %arg12[%add3A_10, %dma_start3A] : memref<10240x128xf32, #tpu.memory_space<vmem_shared>> -> memref<128x128xf32, #tpu.memory_space<vmem_shared>>
      %dma_start3A_79 = arith.constant 0 : i32
      %dma_start3A_80 = tpu.memref_slice %arg12[%add3A_10, %dma_start3A_79] : memref<10240x128xf32, #tpu.memory_space<vmem_shared>> -> memref<128x128xf32, #tpu.memory_space<vmem_shared>>
      tpu.enqueue_dma source(%arg10 : memref<128x128xf32, #tpu.memory_space<vmem>>) target(%dma_start3A_80 : memref<128x128xf32, #tpu.memory_space<vmem_shared>>) target_semaphore(%run_scoped3A : memref<!tpu.dma_semaphore, #tpu.memory_space<semaphore_mem>>)
      %dma_wait3A = arith.constant 0 : i32
      %dma_wait3A_81 = tpu.memref_slice %arg12[%add3A_10, %dma_wait3A] : memref<10240x128xf32, #tpu.memory_space<vmem_shared>> -> memref<128x128xf32, #tpu.memory_space<vmem_shared>>
      %dma_wait3A_82 = arith.constant 0 : i32
      %dma_wait3A_83 = tpu.memref_slice %arg12[%add3A_10, %dma_wait3A_82] : memref<10240x128xf32, #tpu.memory_space<vmem_shared>> -> memref<128x128xf32, #tpu.memory_space<vmem_shared>>
      tpu.wait_dma2 semaphore(%run_scoped3A : memref<!tpu.dma_semaphore, #tpu.memory_space<semaphore_mem>>) src(%arg10 : memref<128x128xf32, #tpu.memory_space<vmem>>) dst(%dma_wait3A_83 : memref<128x128xf32, #tpu.memory_space<vmem_shared>>)
      tpu.yield
    }) : () -> ()
    %mul3A_11 = arith.constant 640 : i32
    %mul3A_12 = arith.muli %arg1, %mul3A_11 : i32
    %add3A_13 = arith.constant 128 : i32
    %add3A_14 = arith.addi %mul3A_12, %add3A_13 : i32
    "tpu.region"() ({
      %run_scoped3A = tpu.sem_alloc : memref<!tpu.dma_semaphore, #tpu.memory_space<semaphore_mem>>
      %dma_start3A = arith.constant 0 : i32
      %dma_start3A_78 = tpu.memref_slice %arg12[%add3A_14, %dma_start3A] : memref<10240x128xf32, #tpu.memory_space<vmem_shared>> -> memref<128x128xf32, #tpu.memory_space<vmem_shared>>
      %dma_start3A_79 = arith.constant 0 : i32
      %dma_start3A_80 = tpu.memref_slice %arg12[%add3A_14, %dma_start3A_79] : memref<10240x128xf32, #tpu.memory_space<vmem_shared>> -> memref<128x128xf32, #tpu.memory_space<vmem_shared>>
      tpu.enqueue_dma source(%arg10 : memref<128x128xf32, #tpu.memory_space<vmem>>) target(%dma_start3A_80 : memref<128x128xf32, #tpu.memory_space<vmem_shared>>) target_semaphore(%run_scoped3A : memref<!tpu.dma_semaphore, #tpu.memory_space<semaphore_mem>>)
      %dma_wait3A = arith.constant 0 : i32
      %dma_wait3A_81 = tpu.memref_slice %arg12[%add3A_14, %dma_wait3A] : memref<10240x128xf32, #tpu.memory_space<vmem_shared>> -> memref<128x128xf32, #tpu.memory_space<vmem_shared>>
      %dma_wait3A_82 = arith.constant 0 : i32
      %dma_wait3A_83 = tpu.memref_slice %arg12[%add3A_14, %dma_wait3A_82] : memref<10240x128xf32, #tpu.memory_space<vmem_shared>> -> memref<128x128xf32, #tpu.memory_space<vmem_shared>>
      tpu.wait_dma2 semaphore(%run_scoped3A : memref<!tpu.dma_semaphore, #tpu.memory_space<semaphore_mem>>) src(%arg10 : memref<128x128xf32, #tpu.memory_space<vmem>>) dst(%dma_wait3A_83 : memref<128x128xf32, #tpu.memory_space<vmem_shared>>)
      tpu.yield
    }) : () -> ()
    %mul3A_15 = arith.constant 640 : i32
    %mul3A_16 = arith.muli %arg1, %mul3A_15 : i32
    %add3A_17 = arith.constant 256 : i32
    %add3A_18 = arith.addi %mul3A_16, %add3A_17 : i32
    "tpu.region"() ({
      %run_scoped3A = tpu.sem_alloc : memref<!tpu.dma_semaphore, #tpu.memory_space<semaphore_mem>>
      %dma_start3A = arith.constant 0 : i32
      %dma_start3A_78 = tpu.memref_slice %arg12[%add3A_18, %dma_start3A] : memref<10240x128xf32, #tpu.memory_space<vmem_shared>> -> memref<128x128xf32, #tpu.memory_space<vmem_shared>>
      %dma_start3A_79 = arith.constant 0 : i32
      %dma_start3A_80 = tpu.memref_slice %arg12[%add3A_18, %dma_start3A_79] : memref<10240x128xf32, #tpu.memory_space<vmem_shared>> -> memref<128x128xf32, #tpu.memory_space<vmem_shared>>
      tpu.enqueue_dma source(%arg10 : memref<128x128xf32, #tpu.memory_space<vmem>>) target(%dma_start3A_80 : memref<128x128xf32, #tpu.memory_space<vmem_shared>>) target_semaphore(%run_scoped3A : memref<!tpu.dma_semaphore, #tpu.memory_space<semaphore_mem>>)
      %dma_wait3A = arith.constant 0 : i32
      %dma_wait3A_81 = tpu.memref_slice %arg12[%add3A_18, %dma_wait3A] : memref<10240x128xf32, #tpu.memory_space<vmem_shared>> -> memref<128x128xf32, #tpu.memory_space<vmem_shared>>
      %dma_wait3A_82 = arith.constant 0 : i32
      %dma_wait3A_83 = tpu.memref_slice %arg12[%add3A_18, %dma_wait3A_82] : memref<10240x128xf32, #tpu.memory_space<vmem_shared>> -> memref<128x128xf32, #tpu.memory_space<vmem_shared>>
      tpu.wait_dma2 semaphore(%run_scoped3A : memref<!tpu.dma_semaphore, #tpu.memory_space<semaphore_mem>>) src(%arg10 : memref<128x128xf32, #tpu.memory_space<vmem>>) dst(%dma_wait3A_83 : memref<128x128xf32, #tpu.memory_space<vmem_shared>>)
      tpu.yield
    }) : () -> ()
    %mul3A_19 = arith.constant 640 : i32
    %mul3A_20 = arith.muli %arg1, %mul3A_19 : i32
    %add3A_21 = arith.constant 384 : i32
    %add3A_22 = arith.addi %mul3A_20, %add3A_21 : i32
    "tpu.region"() ({
      %run_scoped3A = tpu.sem_alloc : memref<!tpu.dma_semaphore, #tpu.memory_space<semaphore_mem>>
      %dma_start3A = arith.constant 0 : i32
      %dma_start3A_78 = tpu.memref_slice %arg12[%add3A_22, %dma_start3A] : memref<10240x128xf32, #tpu.memory_space<vmem_shared>> -> memref<128x128xf32, #tpu.memory_space<vmem_shared>>
      %dma_start3A_79 = arith.constant 0 : i32
      %dma_start3A_80 = tpu.memref_slice %arg12[%add3A_22, %dma_start3A_79] : memref<10240x128xf32, #tpu.memory_space<vmem_shared>> -> memref<128x128xf32, #tpu.memory_space<vmem_shared>>
      tpu.enqueue_dma source(%arg10 : memref<128x128xf32, #tpu.memory_space<vmem>>) target(%dma_start3A_80 : memref<128x128xf32, #tpu.memory_space<vmem_shared>>) target_semaphore(%run_scoped3A : memref<!tpu.dma_semaphore, #tpu.memory_space<semaphore_mem>>)
      %dma_wait3A = arith.constant 0 : i32
      %dma_wait3A_81 = tpu.memref_slice %arg12[%add3A_22, %dma_wait3A] : memref<10240x128xf32, #tpu.memory_space<vmem_shared>> -> memref<128x128xf32, #tpu.memory_space<vmem_shared>>
      %dma_wait3A_82 = arith.constant 0 : i32
      %dma_wait3A_83 = tpu.memref_slice %arg12[%add3A_22, %dma_wait3A_82] : memref<10240x128xf32, #tpu.memory_space<vmem_shared>> -> memref<128x128xf32, #tpu.memory_space<vmem_shared>>
      tpu.wait_dma2 semaphore(%run_scoped3A : memref<!tpu.dma_semaphore, #tpu.memory_space<semaphore_mem>>) src(%arg10 : memref<128x128xf32, #tpu.memory_space<vmem>>) dst(%dma_wait3A_83 : memref<128x128xf32, #tpu.memory_space<vmem_shared>>)
      tpu.yield
    }) : () -> ()
    %mul3A_23 = arith.constant 640 : i32
    %mul3A_24 = arith.muli %arg1, %mul3A_23 : i32
    %add3A_25 = arith.constant 512 : i32
    %add3A_26 = arith.addi %mul3A_24, %add3A_25 : i32
    "tpu.region"() ({
      %run_scoped3A = tpu.sem_alloc : memref<!tpu.dma_semaphore, #tpu.memory_space<semaphore_mem>>
      %dma_start3A = arith.constant 0 : i32
      %dma_start3A_78 = tpu.memref_slice %arg12[%add3A_26, %dma_start3A] : memref<10240x128xf32, #tpu.memory_space<vmem_shared>> -> memref<128x128xf32, #tpu.memory_space<vmem_shared>>
      %dma_start3A_79 = arith.constant 0 : i32
      %dma_start3A_80 = tpu.memref_slice %arg12[%add3A_26, %dma_start3A_79] : memref<10240x128xf32, #tpu.memory_space<vmem_shared>> -> memref<128x128xf32, #tpu.memory_space<vmem_shared>>
      tpu.enqueue_dma source(%arg10 : memref<128x128xf32, #tpu.memory_space<vmem>>) target(%dma_start3A_80 : memref<128x128xf32, #tpu.memory_space<vmem_shared>>) target_semaphore(%run_scoped3A : memref<!tpu.dma_semaphore, #tpu.memory_space<semaphore_mem>>)
      %dma_wait3A = arith.constant 0 : i32
      %dma_wait3A_81 = tpu.memref_slice %arg12[%add3A_26, %dma_wait3A] : memref<10240x128xf32, #tpu.memory_space<vmem_shared>> -> memref<128x128xf32, #tpu.memory_space<vmem_shared>>
      %dma_wait3A_82 = arith.constant 0 : i32
      %dma_wait3A_83 = tpu.memref_slice %arg12[%add3A_26, %dma_wait3A_82] : memref<10240x128xf32, #tpu.memory_space<vmem_shared>> -> memref<128x128xf32, #tpu.memory_space<vmem_shared>>
      tpu.wait_dma2 semaphore(%run_scoped3A : memref<!tpu.dma_semaphore, #tpu.memory_space<semaphore_mem>>) src(%arg10 : memref<128x128xf32, #tpu.memory_space<vmem>>) dst(%dma_wait3A_83 : memref<128x128xf32, #tpu.memory_space<vmem_shared>>)
      tpu.yield
    }) : () -> ()
    %barrier3A = arith.constant 0 : index
    tpu.barrier barrier_id(%barrier3A)
    %delay3A = arith.constant 2000 : i32
    tpu.delay %delay3A
    %barrier3A_27 = arith.constant 0 : index
    tpu.barrier barrier_id(%barrier3A_27)
    %scan3A_28 = arith.constant 0 : i32
    %scan3A_29 = arith.constant 0 : i32
    %scan3A_30 = arith.constant 40 : i32
    %scan3A_31 = arith.addi %scan3A_29, %scan3A_30 : i32
    %scan3A_32 = arith.constant 1 : i32
    %scan3A_33 = scf.for %scan3A_78 = %scan3A_29 to %scan3A_31 step %scan3A_32 iter_args(%scan3A_79 = %scan3A_28) -> (i32)  : i32 {
      %mul3A_80 = arith.constant 10240 : i32
      %mul3A_81 = arith.muli %add3A, %mul3A_80 : i32
      %mul3A_82 = arith.constant 2 : i32
      %mul3A_83 = arith.muli %mul3A_82, %scan3A_78 : i32
      %mul3A_84 = arith.constant 128 : i32
      %mul3A_85 = arith.muli %mul3A_83, %mul3A_84 : i32
      %add3A_86 = arith.addi %mul3A_81, %mul3A_85 : i32
      %add3A_87 = arith.constant 128 : i32
      %add3A_88 = arith.addi %add3A_86, %add3A_87 : i32
      "tpu.region"() ({
        %run_scoped3A = tpu.sem_alloc : memref<!tpu.dma_semaphore, #tpu.memory_space<semaphore_mem>>
        %dma_start3A_100 = tpu.memref_slice %arg3[%add3A_86] : memref<327680xi32, #tpu.memory_space<hbm>> -> memref<128xi32, #tpu.memory_space<hbm>>
        %dma_start3A_101 = tpu.memref_slice %arg3[%add3A_86] : memref<327680xi32, #tpu.memory_space<hbm>> -> memref<128xi32, #tpu.memory_space<hbm>>
        tpu.enqueue_dma source(%dma_start3A_101 : memref<128xi32, #tpu.memory_space<hbm>>) target(%arg6 : memref<128xi32, #tpu.memory_space<vmem>>) target_semaphore(%run_scoped3A : memref<!tpu.dma_semaphore, #tpu.memory_space<semaphore_mem>>)
        %dma_wait3A_102 = tpu.memref_slice %arg3[%add3A_86] : memref<327680xi32, #tpu.memory_space<hbm>> -> memref<128xi32, #tpu.memory_space<hbm>>
        %dma_wait3A_103 = tpu.memref_slice %arg3[%add3A_86] : memref<327680xi32, #tpu.memory_space<hbm>> -> memref<128xi32, #tpu.memory_space<hbm>>
        tpu.wait_dma2 semaphore(%run_scoped3A : memref<!tpu.dma_semaphore, #tpu.memory_space<semaphore_mem>>) src(%dma_wait3A_103 : memref<128xi32, #tpu.memory_space<hbm>>) dst(%arg6 : memref<128xi32, #tpu.memory_space<vmem>>)
        tpu.yield
      }) : () -> ()
      "tpu.region"() ({
        %run_scoped3A = tpu.sem_alloc : memref<!tpu.dma_semaphore, #tpu.memory_space<semaphore_mem>>
        %dma_start3A_100 = tpu.memref_slice %arg3[%add3A_88] : memref<327680xi32, #tpu.memory_space<hbm>> -> memref<128xi32, #tpu.memory_space<hbm>>
        %dma_start3A_101 = tpu.memref_slice %arg3[%add3A_88] : memref<327680xi32, #tpu.memory_space<hbm>> -> memref<128xi32, #tpu.memory_space<hbm>>
        tpu.enqueue_dma source(%dma_start3A_101 : memref<128xi32, #tpu.memory_space<hbm>>) target(%arg7 : memref<128xi32, #tpu.memory_space<vmem>>) target_semaphore(%run_scoped3A : memref<!tpu.dma_semaphore, #tpu.memory_space<semaphore_mem>>)
        %dma_wait3A_102 = tpu.memref_slice %arg3[%add3A_88] : memref<327680xi32, #tpu.memory_space<hbm>> -> memref<128xi32, #tpu.memory_space<hbm>>
        %dma_wait3A_103 = tpu.memref_slice %arg3[%add3A_88] : memref<327680xi32, #tpu.memory_space<hbm>> -> memref<128xi32, #tpu.memory_space<hbm>>
        tpu.wait_dma2 semaphore(%run_scoped3A : memref<!tpu.dma_semaphore, #tpu.memory_space<semaphore_mem>>) src(%dma_wait3A_103 : memref<128xi32, #tpu.memory_space<hbm>>) dst(%arg7 : memref<128xi32, #tpu.memory_space<vmem>>)
        tpu.yield
      }) : () -> ()
      %dma_start3A = arith.constant 0 : i32
      %dma_start3A_89 = arith.constant 0 : i32
      %dma_start3A_90 = tpu.memref_slice %arg2[%dma_start3A, %dma_start3A_89] : memref<10000x128xf32, #tpu.memory_space<hbm>> -> memref<10000x128xf32, #tpu.memory_space<hbm>>
      tpu.enqueue_indirect_dma source(%dma_start3A_90 : memref<10000x128xf32, #tpu.memory_space<hbm>>) target(%arg10 : memref<128x128xf32, #tpu.memory_space<vmem>>) offsets(%arg6 : memref<128xi32, #tpu.memory_space<vmem>>) semaphore(%arg13 : memref<!tpu.dma_semaphore, #tpu.memory_space<semaphore_mem>>)
      %dma_start3A_91 = arith.constant 0 : i32
      %dma_start3A_92 = arith.constant 0 : i32
      %dma_start3A_93 = tpu.memref_slice %arg2[%dma_start3A_91, %dma_start3A_92] : memref<10000x128xf32, #tpu.memory_space<hbm>> -> memref<10000x128xf32, #tpu.memory_space<hbm>>
      tpu.enqueue_indirect_dma source(%dma_start3A_93 : memref<10000x128xf32, #tpu.memory_space<hbm>>) target(%arg11 : memref<128x128xf32, #tpu.memory_space<vmem>>) offsets(%arg7 : memref<128xi32, #tpu.memory_space<vmem>>) semaphore(%arg14 : memref<!tpu.dma_semaphore, #tpu.memory_space<semaphore_mem>>)
      "tpu.region"() ({
        %run_scoped3A = tpu.sem_alloc : memref<!tpu.dma_semaphore, #tpu.memory_space<semaphore_mem>>
        %dma_start3A_100 = tpu.memref_slice %arg4[%add3A_86] : memref<327680xi32, #tpu.memory_space<hbm>> -> memref<128xi32, #tpu.memory_space<hbm>>
        %dma_start3A_101 = tpu.memref_slice %arg4[%add3A_86] : memref<327680xi32, #tpu.memory_space<hbm>> -> memref<128xi32, #tpu.memory_space<hbm>>
        tpu.enqueue_dma source(%dma_start3A_101 : memref<128xi32, #tpu.memory_space<hbm>>) target(%arg8 : memref<128xi32, #tpu.memory_space<vmem>>) target_semaphore(%run_scoped3A : memref<!tpu.dma_semaphore, #tpu.memory_space<semaphore_mem>>)
        %dma_wait3A_102 = tpu.memref_slice %arg4[%add3A_86] : memref<327680xi32, #tpu.memory_space<hbm>> -> memref<128xi32, #tpu.memory_space<hbm>>
        %dma_wait3A_103 = tpu.memref_slice %arg4[%add3A_86] : memref<327680xi32, #tpu.memory_space<hbm>> -> memref<128xi32, #tpu.memory_space<hbm>>
        tpu.wait_dma2 semaphore(%run_scoped3A : memref<!tpu.dma_semaphore, #tpu.memory_space<semaphore_mem>>) src(%dma_wait3A_103 : memref<128xi32, #tpu.memory_space<hbm>>) dst(%arg8 : memref<128xi32, #tpu.memory_space<vmem>>)
        tpu.yield
      }) : () -> ()
      "tpu.region"() ({
        %run_scoped3A = tpu.sem_alloc : memref<!tpu.dma_semaphore, #tpu.memory_space<semaphore_mem>>
        %dma_start3A_100 = tpu.memref_slice %arg4[%add3A_88] : memref<327680xi32, #tpu.memory_space<hbm>> -> memref<128xi32, #tpu.memory_space<hbm>>
        %dma_start3A_101 = tpu.memref_slice %arg4[%add3A_88] : memref<327680xi32, #tpu.memory_space<hbm>> -> memref<128xi32, #tpu.memory_space<hbm>>
        tpu.enqueue_dma source(%dma_start3A_101 : memref<128xi32, #tpu.memory_space<hbm>>) target(%arg9 : memref<128xi32, #tpu.memory_space<vmem>>) target_semaphore(%run_scoped3A : memref<!tpu.dma_semaphore, #tpu.memory_space<semaphore_mem>>)
        %dma_wait3A_102 = tpu.memref_slice %arg4[%add3A_88] : memref<327680xi32, #tpu.memory_space<hbm>> -> memref<128xi32, #tpu.memory_space<hbm>>
        %dma_wait3A_103 = tpu.memref_slice %arg4[%add3A_88] : memref<327680xi32, #tpu.memory_space<hbm>> -> memref<128xi32, #tpu.memory_space<hbm>>
        tpu.wait_dma2 semaphore(%run_scoped3A : memref<!tpu.dma_semaphore, #tpu.memory_space<semaphore_mem>>) src(%dma_wait3A_103 : memref<128xi32, #tpu.memory_space<hbm>>) dst(%arg9 : memref<128xi32, #tpu.memory_space<vmem>>)
        tpu.yield
      }) : () -> ()
      %dma_wait3A = arith.constant 0 : i32
      %dma_wait3A_94 = arith.constant 0 : i32
      %dma_wait3A_95 = tpu.memref_slice %arg2[%dma_wait3A, %dma_wait3A_94] : memref<10000x128xf32, #tpu.memory_space<hbm>> -> memref<10000x128xf32, #tpu.memory_space<hbm>>
      tpu.wait_indirect_dma semaphore(%arg13 : memref<!tpu.dma_semaphore, #tpu.memory_space<semaphore_mem>>) src(%dma_wait3A_95 : memref<10000x128xf32, #tpu.memory_space<hbm>>) dst(%arg10 : memref<128x128xf32, #tpu.memory_space<vmem>>)
      "tpu.region"() ({
        %run_scoped3A = tpu.sem_alloc : memref<!tpu.dma_semaphore, #tpu.memory_space<semaphore_mem>>
        %dma_start3A_100 = arith.constant 0 : i32
        %dma_start3A_101 = arith.constant 0 : i32
        %dma_start3A_102 = tpu.memref_slice %arg12[%dma_start3A_100, %dma_start3A_101] : memref<10240x128xf32, #tpu.memory_space<vmem_shared>> -> memref<10240x128xf32, #tpu.memory_space<vmem_shared>>
        tpu.enqueue_indirect_dma source(%arg10 : memref<128x128xf32, #tpu.memory_space<vmem>>) target(%dma_start3A_102 : memref<10240x128xf32, #tpu.memory_space<vmem_shared>>) offsets(%arg8 : memref<128xi32, #tpu.memory_space<vmem>>) semaphore(%run_scoped3A : memref<!tpu.dma_semaphore, #tpu.memory_space<semaphore_mem>>) {add = true}
        %dma_wait3A_103 = arith.constant 0 : i32
        %dma_wait3A_104 = arith.constant 0 : i32
        %dma_wait3A_105 = tpu.memref_slice %arg12[%dma_wait3A_103, %dma_wait3A_104] : memref<10240x128xf32, #tpu.memory_space<vmem_shared>> -> memref<10240x128xf32, #tpu.memory_space<vmem_shared>>
        tpu.wait_indirect_dma semaphore(%run_scoped3A : memref<!tpu.dma_semaphore, #tpu.memory_space<semaphore_mem>>) src(%arg10 : memref<128x128xf32, #tpu.memory_space<vmem>>) dst(%dma_wait3A_105 : memref<10240x128xf32, #tpu.memory_space<vmem_shared>>)
        tpu.yield
      }) : () -> ()
      %dma_wait3A_96 = arith.constant 0 : i32
      %dma_wait3A_97 = arith.constant 0 : i32
      %dma_wait3A_98 = tpu.memref_slice %arg2[%dma_wait3A_96, %dma_wait3A_97] : memref<10000x128xf32, #tpu.memory_space<hbm>> -> memref<10000x128xf32, #tpu.memory_space<hbm>>
      tpu.wait_indirect_dma semaphore(%arg14 : memref<!tpu.dma_semaphore, #tpu.memory_space<semaphore_mem>>) src(%dma_wait3A_98 : memref<10000x128xf32, #tpu.memory_space<hbm>>) dst(%arg11 : memref<128x128xf32, #tpu.memory_space<vmem>>)
      "tpu.region"() ({
        %run_scoped3A = tpu.sem_alloc : memref<!tpu.dma_semaphore, #tpu.memory_space<semaphore_mem>>
        %dma_start3A_100 = arith.constant 0 : i32
        %dma_start3A_101 = arith.constant 0 : i32
        %dma_start3A_102 = tpu.memref_slice %arg12[%dma_start3A_100, %dma_start3A_101] : memref<10240x128xf32, #tpu.memory_space<vmem_shared>> -> memref<10240x128xf32, #tpu.memory_space<vmem_shared>>
        tpu.enqueue_indirect_dma source(%arg11 : memref<128x128xf32, #tpu.memory_space<vmem>>) target(%dma_start3A_102 : memref<10240x128xf32, #tpu.memory_space<vmem_shared>>) offsets(%arg9 : memref<128xi32, #tpu.memory_space<vmem>>) semaphore(%run_scoped3A : memref<!tpu.dma_semaphore, #tpu.memory_space<semaphore_mem>>) {add = true}
        %dma_wait3A_103 = arith.constant 0 : i32
        %dma_wait3A_104 = arith.constant 0 : i32
        %dma_wait3A_105 = tpu.memref_slice %arg12[%dma_wait3A_103, %dma_wait3A_104] : memref<10240x128xf32, #tpu.memory_space<vmem_shared>> -> memref<10240x128xf32, #tpu.memory_space<vmem_shared>>
        tpu.wait_indirect_dma semaphore(%run_scoped3A : memref<!tpu.dma_semaphore, #tpu.memory_space<semaphore_mem>>) src(%arg11 : memref<128x128xf32, #tpu.memory_space<vmem>>) dst(%dma_wait3A_105 : memref<10240x128xf32, #tpu.memory_space<vmem_shared>>)
        tpu.yield
      }) : () -> ()
      %scan3A_99 = arith.constant 0 : i32
      scf.yield %scan3A_99 : i32
    }
    %scan3A_34 = arith.constant 40 : i32
    %barrier3A_35 = arith.constant 0 : index
    tpu.barrier barrier_id(%barrier3A_35)
    %delay3A_36 = arith.constant 2000 : i32
    tpu.delay %delay3A_36
    %barrier3A_37 = arith.constant 0 : index
    tpu.barrier barrier_id(%barrier3A_37)
    %mul3A_38 = arith.constant 640 : i32
    %mul3A_39 = arith.muli %arg1, %mul3A_38 : i32
    %add3A_40 = arith.constant 0 : i32
    %add3A_41 = arith.addi %mul3A_39, %add3A_40 : i32
    "tpu.region"() ({
      %run_scoped3A = tpu.sem_alloc : memref<!tpu.dma_semaphore, #tpu.memory_space<semaphore_mem>>
      %dma_start3A = arith.constant 0 : i32
      %dma_start3A_78 = tpu.memref_slice %arg12[%add3A_41, %dma_start3A] : memref<10240x128xf32, #tpu.memory_space<vmem_shared>> -> memref<128x128xf32, #tpu.memory_space<vmem_shared>>
      %dma_start3A_79 = arith.constant 0 : i32
      %dma_start3A_80 = tpu.memref_slice %arg12[%add3A_41, %dma_start3A_79] : memref<10240x128xf32, #tpu.memory_space<vmem_shared>> -> memref<128x128xf32, #tpu.memory_space<vmem_shared>>
      tpu.enqueue_dma source(%dma_start3A_80 : memref<128x128xf32, #tpu.memory_space<vmem_shared>>) target(%arg10 : memref<128x128xf32, #tpu.memory_space<vmem>>) target_semaphore(%run_scoped3A : memref<!tpu.dma_semaphore, #tpu.memory_space<semaphore_mem>>)
      %dma_wait3A = arith.constant 0 : i32
      %dma_wait3A_81 = tpu.memref_slice %arg12[%add3A_41, %dma_wait3A] : memref<10240x128xf32, #tpu.memory_space<vmem_shared>> -> memref<128x128xf32, #tpu.memory_space<vmem_shared>>
      %dma_wait3A_82 = arith.constant 0 : i32
      %dma_wait3A_83 = tpu.memref_slice %arg12[%add3A_41, %dma_wait3A_82] : memref<10240x128xf32, #tpu.memory_space<vmem_shared>> -> memref<128x128xf32, #tpu.memory_space<vmem_shared>>
      tpu.wait_dma2 semaphore(%run_scoped3A : memref<!tpu.dma_semaphore, #tpu.memory_space<semaphore_mem>>) src(%dma_wait3A_83 : memref<128x128xf32, #tpu.memory_space<vmem_shared>>) dst(%arg10 : memref<128x128xf32, #tpu.memory_space<vmem>>)
      tpu.yield
    }) : () -> ()
    %mul3A_42 = arith.constant 640 : i32
    %mul3A_43 = arith.muli %arg1, %mul3A_42 : i32
    %add3A_44 = arith.constant 0 : i32
    %add3A_45 = arith.addi %mul3A_43, %add3A_44 : i32
    "tpu.region"() ({
      %run_scoped3A = tpu.sem_alloc : memref<!tpu.dma_semaphore, #tpu.memory_space<semaphore_mem>>
      %dma_start3A = arith.constant 0 : i32
      %dma_start3A_78 = tpu.memref_slice %arg5[%arg0, %add3A_45, %dma_start3A] : memref<2x10240x128xf32, #tpu.memory_space<hbm>> -> memref<1x128x128xf32, #tpu.memory_space<hbm>>
      %dma_start3A_79 = tpu.memref_squeeze %dma_start3A_78 : memref<1x128x128xf32, #tpu.memory_space<hbm>> -> memref<128x128xf32, #tpu.memory_space<hbm>>
      %dma_start3A_80 = arith.constant 0 : i32
      %dma_start3A_81 = tpu.memref_slice %arg5[%arg0, %add3A_45, %dma_start3A_80] : memref<2x10240x128xf32, #tpu.memory_space<hbm>> -> memref<1x128x128xf32, #tpu.memory_space<hbm>>
      %dma_start3A_82 = tpu.memref_squeeze %dma_start3A_81 : memref<1x128x128xf32, #tpu.memory_space<hbm>> -> memref<128x128xf32, #tpu.memory_space<hbm>>
      tpu.enqueue_dma source(%arg10 : memref<128x128xf32, #tpu.memory_space<vmem>>) target(%dma_start3A_82 : memref<128x128xf32, #tpu.memory_space<hbm>>) target_semaphore(%run_scoped3A : memref<!tpu.dma_semaphore, #tpu.memory_space<semaphore_mem>>)
      %dma_wait3A = arith.constant 0 : i32
      %dma_wait3A_83 = tpu.memref_slice %arg5[%arg0, %add3A_45, %dma_wait3A] : memref<2x10240x128xf32, #tpu.memory_space<hbm>> -> memref<1x128x128xf32, #tpu.memory_space<hbm>>
      %dma_wait3A_84 = tpu.memref_squeeze %dma_wait3A_83 : memref<1x128x128xf32, #tpu.memory_space<hbm>> -> memref<128x128xf32, #tpu.memory_space<hbm>>
      %dma_wait3A_85 = arith.constant 0 : i32
      %dma_wait3A_86 = tpu.memref_slice %arg5[%arg0, %add3A_45, %dma_wait3A_85] : memref<2x10240x128xf32, #tpu.memory_space<hbm>> -> memref<1x128x128xf32, #tpu.memory_space<hbm>>
      %dma_wait3A_87 = tpu.memref_squeeze %dma_wait3A_86 : memref<1x128x128xf32, #tpu.memory_space<hbm>> -> memref<128x128xf32, #tpu.memory_space<hbm>>
      tpu.wait_dma2 semaphore(%run_scoped3A : memref<!tpu.dma_semaphore, #tpu.memory_space<semaphore_mem>>) src(%arg10 : memref<128x128xf32, #tpu.memory_space<vmem>>) dst(%dma_wait3A_87 : memref<128x128xf32, #tpu.memory_space<hbm>>)
      tpu.yield
    }) : () -> ()
    %mul3A_46 = arith.constant 640 : i32
    %mul3A_47 = arith.muli %arg1, %mul3A_46 : i32
    %add3A_48 = arith.constant 128 : i32
    %add3A_49 = arith.addi %mul3A_47, %add3A_48 : i32
    "tpu.region"() ({
      %run_scoped3A = tpu.sem_alloc : memref<!tpu.dma_semaphore, #tpu.memory_space<semaphore_mem>>
      %dma_start3A = arith.constant 0 : i32
      %dma_start3A_78 = tpu.memref_slice %arg12[%add3A_49, %dma_start3A] : memref<10240x128xf32, #tpu.memory_space<vmem_shared>> -> memref<128x128xf32, #tpu.memory_space<vmem_shared>>
      %dma_start3A_79 = arith.constant 0 : i32
      %dma_start3A_80 = tpu.memref_slice %arg12[%add3A_49, %dma_start3A_79] : memref<10240x128xf32, #tpu.memory_space<vmem_shared>> -> memref<128x128xf32, #tpu.memory_space<vmem_shared>>
      tpu.enqueue_dma source(%dma_start3A_80 : memref<128x128xf32, #tpu.memory_space<vmem_shared>>) target(%arg10 : memref<128x128xf32, #tpu.memory_space<vmem>>) target_semaphore(%run_scoped3A : memref<!tpu.dma_semaphore, #tpu.memory_space<semaphore_mem>>)
      %dma_wait3A = arith.constant 0 : i32
      %dma_wait3A_81 = tpu.memref_slice %arg12[%add3A_49, %dma_wait3A] : memref<10240x128xf32, #tpu.memory_space<vmem_shared>> -> memref<128x128xf32, #tpu.memory_space<vmem_shared>>
      %dma_wait3A_82 = arith.constant 0 : i32
      %dma_wait3A_83 = tpu.memref_slice %arg12[%add3A_49, %dma_wait3A_82] : memref<10240x128xf32, #tpu.memory_space<vmem_shared>> -> memref<128x128xf32, #tpu.memory_space<vmem_shared>>
      tpu.wait_dma2 semaphore(%run_scoped3A : memref<!tpu.dma_semaphore, #tpu.memory_space<semaphore_mem>>) src(%dma_wait3A_83 : memref<128x128xf32, #tpu.memory_space<vmem_shared>>) dst(%arg10 : memref<128x128xf32, #tpu.memory_space<vmem>>)
      tpu.yield
    }) : () -> ()
    %mul3A_50 = arith.constant 640 : i32
    %mul3A_51 = arith.muli %arg1, %mul3A_50 : i32
    %add3A_52 = arith.constant 128 : i32
    %add3A_53 = arith.addi %mul3A_51, %add3A_52 : i32
    "tpu.region"() ({
      %run_scoped3A = tpu.sem_alloc : memref<!tpu.dma_semaphore, #tpu.memory_space<semaphore_mem>>
      %dma_start3A = arith.constant 0 : i32
      %dma_start3A_78 = tpu.memref_slice %arg5[%arg0, %add3A_53, %dma_start3A] : memref<2x10240x128xf32, #tpu.memory_space<hbm>> -> memref<1x128x128xf32, #tpu.memory_space<hbm>>
      %dma_start3A_79 = tpu.memref_squeeze %dma_start3A_78 : memref<1x128x128xf32, #tpu.memory_space<hbm>> -> memref<128x128xf32, #tpu.memory_space<hbm>>
      %dma_start3A_80 = arith.constant 0 : i32
      %dma_start3A_81 = tpu.memref_slice %arg5[%arg0, %add3A_53, %dma_start3A_80] : memref<2x10240x128xf32, #tpu.memory_space<hbm>> -> memref<1x128x128xf32, #tpu.memory_space<hbm>>
      %dma_start3A_82 = tpu.memref_squeeze %dma_start3A_81 : memref<1x128x128xf32, #tpu.memory_space<hbm>> -> memref<128x128xf32, #tpu.memory_space<hbm>>
      tpu.enqueue_dma source(%arg10 : memref<128x128xf32, #tpu.memory_space<vmem>>) target(%dma_start3A_82 : memref<128x128xf32, #tpu.memory_space<hbm>>) target_semaphore(%run_scoped3A : memref<!tpu.dma_semaphore, #tpu.memory_space<semaphore_mem>>)
      %dma_wait3A = arith.constant 0 : i32
      %dma_wait3A_83 = tpu.memref_slice %arg5[%arg0, %add3A_53, %dma_wait3A] : memref<2x10240x128xf32, #tpu.memory_space<hbm>> -> memref<1x128x128xf32, #tpu.memory_space<hbm>>
      %dma_wait3A_84 = tpu.memref_squeeze %dma_wait3A_83 : memref<1x128x128xf32, #tpu.memory_space<hbm>> -> memref<128x128xf32, #tpu.memory_space<hbm>>
      %dma_wait3A_85 = arith.constant 0 : i32
      %dma_wait3A_86 = tpu.memref_slice %arg5[%arg0, %add3A_53, %dma_wait3A_85] : memref<2x10240x128xf32, #tpu.memory_space<hbm>> -> memref<1x128x128xf32, #tpu.memory_space<hbm>>
      %dma_wait3A_87 = tpu.memref_squeeze %dma_wait3A_86 : memref<1x128x128xf32, #tpu.memory_space<hbm>> -> memref<128x128xf32, #tpu.memory_space<hbm>>
      tpu.wait_dma2 semaphore(%run_scoped3A : memref<!tpu.dma_semaphore, #tpu.memory_space<semaphore_mem>>) src(%arg10 : memref<128x128xf32, #tpu.memory_space<vmem>>) dst(%dma_wait3A_87 : memref<128x128xf32, #tpu.memory_space<hbm>>)
      tpu.yield
    }) : () -> ()
    %mul3A_54 = arith.constant 640 : i32
    %mul3A_55 = arith.muli %arg1, %mul3A_54 : i32
    %add3A_56 = arith.constant 256 : i32
    %add3A_57 = arith.addi %mul3A_55, %add3A_56 : i32
    "tpu.region"() ({
      %run_scoped3A = tpu.sem_alloc : memref<!tpu.dma_semaphore, #tpu.memory_space<semaphore_mem>>
      %dma_start3A = arith.constant 0 : i32
      %dma_start3A_78 = tpu.memref_slice %arg12[%add3A_57, %dma_start3A] : memref<10240x128xf32, #tpu.memory_space<vmem_shared>> -> memref<128x128xf32, #tpu.memory_space<vmem_shared>>
      %dma_start3A_79 = arith.constant 0 : i32
      %dma_start3A_80 = tpu.memref_slice %arg12[%add3A_57, %dma_start3A_79] : memref<10240x128xf32, #tpu.memory_space<vmem_shared>> -> memref<128x128xf32, #tpu.memory_space<vmem_shared>>
      tpu.enqueue_dma source(%dma_start3A_80 : memref<128x128xf32, #tpu.memory_space<vmem_shared>>) target(%arg10 : memref<128x128xf32, #tpu.memory_space<vmem>>) target_semaphore(%run_scoped3A : memref<!tpu.dma_semaphore, #tpu.memory_space<semaphore_mem>>)
      %dma_wait3A = arith.constant 0 : i32
      %dma_wait3A_81 = tpu.memref_slice %arg12[%add3A_57, %dma_wait3A] : memref<10240x128xf32, #tpu.memory_space<vmem_shared>> -> memref<128x128xf32, #tpu.memory_space<vmem_shared>>
      %dma_wait3A_82 = arith.constant 0 : i32
      %dma_wait3A_83 = tpu.memref_slice %arg12[%add3A_57, %dma_wait3A_82] : memref<10240x128xf32, #tpu.memory_space<vmem_shared>> -> memref<128x128xf32, #tpu.memory_space<vmem_shared>>
      tpu.wait_dma2 semaphore(%run_scoped3A : memref<!tpu.dma_semaphore, #tpu.memory_space<semaphore_mem>>) src(%dma_wait3A_83 : memref<128x128xf32, #tpu.memory_space<vmem_shared>>) dst(%arg10 : memref<128x128xf32, #tpu.memory_space<vmem>>)
      tpu.yield
    }) : () -> ()
    %mul3A_58 = arith.constant 640 : i32
    %mul3A_59 = arith.muli %arg1, %mul3A_58 : i32
    %add3A_60 = arith.constant 256 : i32
    %add3A_61 = arith.addi %mul3A_59, %add3A_60 : i32
    "tpu.region"() ({
      %run_scoped3A = tpu.sem_alloc : memref<!tpu.dma_semaphore, #tpu.memory_space<semaphore_mem>>
      %dma_start3A = arith.constant 0 : i32
      %dma_start3A_78 = tpu.memref_slice %arg5[%arg0, %add3A_61, %dma_start3A] : memref<2x10240x128xf32, #tpu.memory_space<hbm>> -> memref<1x128x128xf32, #tpu.memory_space<hbm>>
      %dma_start3A_79 = tpu.memref_squeeze %dma_start3A_78 : memref<1x128x128xf32, #tpu.memory_space<hbm>> -> memref<128x128xf32, #tpu.memory_space<hbm>>
      %dma_start3A_80 = arith.constant 0 : i32
      %dma_start3A_81 = tpu.memref_slice %arg5[%arg0, %add3A_61, %dma_start3A_80] : memref<2x10240x128xf32, #tpu.memory_space<hbm>> -> memref<1x128x128xf32, #tpu.memory_space<hbm>>
      %dma_start3A_82 = tpu.memref_squeeze %dma_start3A_81 : memref<1x128x128xf32, #tpu.memory_space<hbm>> -> memref<128x128xf32, #tpu.memory_space<hbm>>
      tpu.enqueue_dma source(%arg10 : memref<128x128xf32, #tpu.memory_space<vmem>>) target(%dma_start3A_82 : memref<128x128xf32, #tpu.memory_space<hbm>>) target_semaphore(%run_scoped3A : memref<!tpu.dma_semaphore, #tpu.memory_space<semaphore_mem>>)
      %dma_wait3A = arith.constant 0 : i32
      %dma_wait3A_83 = tpu.memref_slice %arg5[%arg0, %add3A_61, %dma_wait3A] : memref<2x10240x128xf32, #tpu.memory_space<hbm>> -> memref<1x128x128xf32, #tpu.memory_space<hbm>>
      %dma_wait3A_84 = tpu.memref_squeeze %dma_wait3A_83 : memref<1x128x128xf32, #tpu.memory_space<hbm>> -> memref<128x128xf32, #tpu.memory_space<hbm>>
      %dma_wait3A_85 = arith.constant 0 : i32
      %dma_wait3A_86 = tpu.memref_slice %arg5[%arg0, %add3A_61, %dma_wait3A_85] : memref<2x10240x128xf32, #tpu.memory_space<hbm>> -> memref<1x128x128xf32, #tpu.memory_space<hbm>>
      %dma_wait3A_87 = tpu.memref_squeeze %dma_wait3A_86 : memref<1x128x128xf32, #tpu.memory_space<hbm>> -> memref<128x128xf32, #tpu.memory_space<hbm>>
      tpu.wait_dma2 semaphore(%run_scoped3A : memref<!tpu.dma_semaphore, #tpu.memory_space<semaphore_mem>>) src(%arg10 : memref<128x128xf32, #tpu.memory_space<vmem>>) dst(%dma_wait3A_87 : memref<128x128xf32, #tpu.memory_space<hbm>>)
      tpu.yield
    }) : () -> ()
    %mul3A_62 = arith.constant 640 : i32
    %mul3A_63 = arith.muli %arg1, %mul3A_62 : i32
    %add3A_64 = arith.constant 384 : i32
    %add3A_65 = arith.addi %mul3A_63, %add3A_64 : i32
    "tpu.region"() ({
      %run_scoped3A = tpu.sem_alloc : memref<!tpu.dma_semaphore, #tpu.memory_space<semaphore_mem>>
      %dma_start3A = arith.constant 0 : i32
      %dma_start3A_78 = tpu.memref_slice %arg12[%add3A_65, %dma_start3A] : memref<10240x128xf32, #tpu.memory_space<vmem_shared>> -> memref<128x128xf32, #tpu.memory_space<vmem_shared>>
      %dma_start3A_79 = arith.constant 0 : i32
      %dma_start3A_80 = tpu.memref_slice %arg12[%add3A_65, %dma_start3A_79] : memref<10240x128xf32, #tpu.memory_space<vmem_shared>> -> memref<128x128xf32, #tpu.memory_space<vmem_shared>>
      tpu.enqueue_dma source(%dma_start3A_80 : memref<128x128xf32, #tpu.memory_space<vmem_shared>>) target(%arg10 : memref<128x128xf32, #tpu.memory_space<vmem>>) target_semaphore(%run_scoped3A : memref<!tpu.dma_semaphore, #tpu.memory_space<semaphore_mem>>)
      %dma_wait3A = arith.constant 0 : i32
      %dma_wait3A_81 = tpu.memref_slice %arg12[%add3A_65, %dma_wait3A] : memref<10240x128xf32, #tpu.memory_space<vmem_shared>> -> memref<128x128xf32, #tpu.memory_space<vmem_shared>>
      %dma_wait3A_82 = arith.constant 0 : i32
      %dma_wait3A_83 = tpu.memref_slice %arg12[%add3A_65, %dma_wait3A_82] : memref<10240x128xf32, #tpu.memory_space<vmem_shared>> -> memref<128x128xf32, #tpu.memory_space<vmem_shared>>
      tpu.wait_dma2 semaphore(%run_scoped3A : memref<!tpu.dma_semaphore, #tpu.memory_space<semaphore_mem>>) src(%dma_wait3A_83 : memref<128x128xf32, #tpu.memory_space<vmem_shared>>) dst(%arg10 : memref<128x128xf32, #tpu.memory_space<vmem>>)
      tpu.yield
    }) : () -> ()
    %mul3A_66 = arith.constant 640 : i32
    %mul3A_67 = arith.muli %arg1, %mul3A_66 : i32
    %add3A_68 = arith.constant 384 : i32
    %add3A_69 = arith.addi %mul3A_67, %add3A_68 : i32
    "tpu.region"() ({
      %run_scoped3A = tpu.sem_alloc : memref<!tpu.dma_semaphore, #tpu.memory_space<semaphore_mem>>
      %dma_start3A = arith.constant 0 : i32
      %dma_start3A_78 = tpu.memref_slice %arg5[%arg0, %add3A_69, %dma_start3A] : memref<2x10240x128xf32, #tpu.memory_space<hbm>> -> memref<1x128x128xf32, #tpu.memory_space<hbm>>
      %dma_start3A_79 = tpu.memref_squeeze %dma_start3A_78 : memref<1x128x128xf32, #tpu.memory_space<hbm>> -> memref<128x128xf32, #tpu.memory_space<hbm>>
      %dma_start3A_80 = arith.constant 0 : i32
      %dma_start3A_81 = tpu.memref_slice %arg5[%arg0, %add3A_69, %dma_start3A_80] : memref<2x10240x128xf32, #tpu.memory_space<hbm>> -> memref<1x128x128xf32, #tpu.memory_space<hbm>>
      %dma_start3A_82 = tpu.memref_squeeze %dma_start3A_81 : memref<1x128x128xf32, #tpu.memory_space<hbm>> -> memref<128x128xf32, #tpu.memory_space<hbm>>
      tpu.enqueue_dma source(%arg10 : memref<128x128xf32, #tpu.memory_space<vmem>>) target(%dma_start3A_82 : memref<128x128xf32, #tpu.memory_space<hbm>>) target_semaphore(%run_scoped3A : memref<!tpu.dma_semaphore, #tpu.memory_space<semaphore_mem>>)
      %dma_wait3A = arith.constant 0 : i32
      %dma_wait3A_83 = tpu.memref_slice %arg5[%arg0, %add3A_69, %dma_wait3A] : memref<2x10240x128xf32, #tpu.memory_space<hbm>> -> memref<1x128x128xf32, #tpu.memory_space<hbm>>
      %dma_wait3A_84 = tpu.memref_squeeze %dma_wait3A_83 : memref<1x128x128xf32, #tpu.memory_space<hbm>> -> memref<128x128xf32, #tpu.memory_space<hbm>>
      %dma_wait3A_85 = arith.constant 0 : i32
      %dma_wait3A_86 = tpu.memref_slice %arg5[%arg0, %add3A_69, %dma_wait3A_85] : memref<2x10240x128xf32, #tpu.memory_space<hbm>> -> memref<1x128x128xf32, #tpu.memory_space<hbm>>
      %dma_wait3A_87 = tpu.memref_squeeze %dma_wait3A_86 : memref<1x128x128xf32, #tpu.memory_space<hbm>> -> memref<128x128xf32, #tpu.memory_space<hbm>>
      tpu.wait_dma2 semaphore(%run_scoped3A : memref<!tpu.dma_semaphore, #tpu.memory_space<semaphore_mem>>) src(%arg10 : memref<128x128xf32, #tpu.memory_space<vmem>>) dst(%dma_wait3A_87 : memref<128x128xf32, #tpu.memory_space<hbm>>)
      tpu.yield
    }) : () -> ()
    %mul3A_70 = arith.constant 640 : i32
    %mul3A_71 = arith.muli %arg1, %mul3A_70 : i32
    %add3A_72 = arith.constant 512 : i32
    %add3A_73 = arith.addi %mul3A_71, %add3A_72 : i32
    "tpu.region"() ({
      %run_scoped3A = tpu.sem_alloc : memref<!tpu.dma_semaphore, #tpu.memory_space<semaphore_mem>>
      %dma_start3A = arith.constant 0 : i32
      %dma_start3A_78 = tpu.memref_slice %arg12[%add3A_73, %dma_start3A] : memref<10240x128xf32, #tpu.memory_space<vmem_shared>> -> memref<128x128xf32, #tpu.memory_space<vmem_shared>>
      %dma_start3A_79 = arith.constant 0 : i32
      %dma_start3A_80 = tpu.memref_slice %arg12[%add3A_73, %dma_start3A_79] : memref<10240x128xf32, #tpu.memory_space<vmem_shared>> -> memref<128x128xf32, #tpu.memory_space<vmem_shared>>
      tpu.enqueue_dma source(%dma_start3A_80 : memref<128x128xf32, #tpu.memory_space<vmem_shared>>) target(%arg10 : memref<128x128xf32, #tpu.memory_space<vmem>>) target_semaphore(%run_scoped3A : memref<!tpu.dma_semaphore, #tpu.memory_space<semaphore_mem>>)
      %dma_wait3A = arith.constant 0 : i32
      %dma_wait3A_81 = tpu.memref_slice %arg12[%add3A_73, %dma_wait3A] : memref<10240x128xf32, #tpu.memory_space<vmem_shared>> -> memref<128x128xf32, #tpu.memory_space<vmem_shared>>
      %dma_wait3A_82 = arith.constant 0 : i32
      %dma_wait3A_83 = tpu.memref_slice %arg12[%add3A_73, %dma_wait3A_82] : memref<10240x128xf32, #tpu.memory_space<vmem_shared>> -> memref<128x128xf32, #tpu.memory_space<vmem_shared>>
      tpu.wait_dma2 semaphore(%run_scoped3A : memref<!tpu.dma_semaphore, #tpu.memory_space<semaphore_mem>>) src(%dma_wait3A_83 : memref<128x128xf32, #tpu.memory_space<vmem_shared>>) dst(%arg10 : memref<128x128xf32, #tpu.memory_space<vmem>>)
      tpu.yield
    }) : () -> ()
    %mul3A_74 = arith.constant 640 : i32
    %mul3A_75 = arith.muli %arg1, %mul3A_74 : i32
    %add3A_76 = arith.constant 512 : i32
    %add3A_77 = arith.addi %mul3A_75, %add3A_76 : i32
    "tpu.region"() ({
      %run_scoped3A = tpu.sem_alloc : memref<!tpu.dma_semaphore, #tpu.memory_space<semaphore_mem>>
      %dma_start3A = arith.constant 0 : i32
      %dma_start3A_78 = tpu.memref_slice %arg5[%arg0, %add3A_77, %dma_start3A] : memref<2x10240x128xf32, #tpu.memory_space<hbm>> -> memref<1x128x128xf32, #tpu.memory_space<hbm>>
      %dma_start3A_79 = tpu.memref_squeeze %dma_start3A_78 : memref<1x128x128xf32, #tpu.memory_space<hbm>> -> memref<128x128xf32, #tpu.memory_space<hbm>>
      %dma_start3A_80 = arith.constant 0 : i32
      %dma_start3A_81 = tpu.memref_slice %arg5[%arg0, %add3A_77, %dma_start3A_80] : memref<2x10240x128xf32, #tpu.memory_space<hbm>> -> memref<1x128x128xf32, #tpu.memory_space<hbm>>
      %dma_start3A_82 = tpu.memref_squeeze %dma_start3A_81 : memref<1x128x128xf32, #tpu.memory_space<hbm>> -> memref<128x128xf32, #tpu.memory_space<hbm>>
      tpu.enqueue_dma source(%arg10 : memref<128x128xf32, #tpu.memory_space<vmem>>) target(%dma_start3A_82 : memref<128x128xf32, #tpu.memory_space<hbm>>) target_semaphore(%run_scoped3A : memref<!tpu.dma_semaphore, #tpu.memory_space<semaphore_mem>>)
      %dma_wait3A = arith.constant 0 : i32
      %dma_wait3A_83 = tpu.memref_slice %arg5[%arg0, %add3A_77, %dma_wait3A] : memref<2x10240x128xf32, #tpu.memory_space<hbm>> -> memref<1x128x128xf32, #tpu.memory_space<hbm>>
      %dma_wait3A_84 = tpu.memref_squeeze %dma_wait3A_83 : memref<1x128x128xf32, #tpu.memory_space<hbm>> -> memref<128x128xf32, #tpu.memory_space<hbm>>
      %dma_wait3A_85 = arith.constant 0 : i32
      %dma_wait3A_86 = tpu.memref_slice %arg5[%arg0, %add3A_77, %dma_wait3A_85] : memref<2x10240x128xf32, #tpu.memory_space<hbm>> -> memref<1x128x128xf32, #tpu.memory_space<hbm>>
      %dma_wait3A_87 = tpu.memref_squeeze %dma_wait3A_86 : memref<1x128x128xf32, #tpu.memory_space<hbm>> -> memref<128x128xf32, #tpu.memory_space<hbm>>
      tpu.wait_dma2 semaphore(%run_scoped3A : memref<!tpu.dma_semaphore, #tpu.memory_space<semaphore_mem>>) src(%arg10 : memref<128x128xf32, #tpu.memory_space<vmem>>) dst(%dma_wait3A_87 : memref<128x128xf32, #tpu.memory_space<hbm>>)
      tpu.yield
    }) : () -> ()
    return
  }
}

#map = affine_map<(d0, d1) -> (0, 0)>
#map1 = affine_map<(d0, d1) -> (0)>
#map2 = affine_map<(d0, d1) -> (0, 0, 0)>
module attributes {stable_mosaic.version = 14 : i64} {
  func.func @_sc_aggregate(%arg0: i32, %arg1: i32, %arg2: memref<10000x128xf32, #tpu.memory_space<hbm>>, %arg3: memref<327680xi32, #tpu.memory_space<hbm>>, %arg4: memref<327680xi32, #tpu.memory_space<hbm>>, %arg5: memref<2x10240x128xf32, #tpu.memory_space<hbm>>, %arg6: memref<128xi32, #tpu.memory_space<vmem>>, %arg7: memref<128xi32, #tpu.memory_space<vmem>>, %arg8: memref<128xi32, #tpu.memory_space<vmem>>, %arg9: memref<128xi32, #tpu.memory_space<vmem>>, %arg10: memref<128x128xf32, #tpu.memory_space<vmem>>, %arg11: memref<128x128xf32, #tpu.memory_space<vmem>>, %arg12: memref<10240x128xf32, #tpu.memory_space<vmem_shared>>, %arg13: memref<!tpu.dma_semaphore, #tpu.memory_space<semaphore_mem>>, %arg14: memref<!tpu.dma_semaphore, #tpu.memory_space<semaphore_mem>>) attributes {dimension_semantics = [#tpu.dimension_semantics<core_parallel>, #tpu.dimension_semantics<subcore_parallel>], iteration_bounds = array<i64: 2, 16>, scalar_prefetch = 0 : i64, scratch_operands = 9 : i64, tpu.core_type = #tpu.core_type<sc_vector_subcore>, window_params = [{transform_indices = #map}, {transform_indices = #map1}, {transform_indices = #map1}, {transform_indices = #map2}]} {
    %mul3A = arith.constant 2 : i32
    %mul3A_0 = arith.muli %arg1, %mul3A : i32
    %add3A = arith.addi %mul3A_0, %arg0 : i32
    %scan3A = arith.constant 0 : i32
    %scan3A_1 = arith.constant 0 : i32
    %scan3A_2 = arith.constant 1024 : i32
    %scan3A_3 = arith.addi %scan3A_1, %scan3A_2 : i32
    %scan3A_4 = arith.constant 1 : i32
    %scan3A_5 = scf.for %scan3A_78 = %scan3A_1 to %scan3A_3 step %scan3A_4 iter_args(%scan3A_79 = %scan3A) -> (i32)  : i32 {
      %broadcast_in_dim3A = arith.constant 0.000000e+00 : f32
      %broadcast_in_dim3A_80 = vector.broadcast %broadcast_in_dim3A : f32 to vector<16xf32>
      %jit3A = arith.constant 8 : i32
      %div3A = arith.divsi %scan3A_78, %jit3A : i32
      %sign3A = arith.constant 0 : i32
      %sign3A_81 = arith.cmpi sgt, %scan3A_78, %sign3A : i32
      %sign3A_82 = arith.extui %sign3A_81 : i1 to i32
      %sign3A_83 = arith.constant 0 : i32
      %sign3A_84 = arith.cmpi slt, %scan3A_78, %sign3A_83 : i32
      %sign3A_85 = arith.extui %sign3A_84 : i1 to i32
      %sign3A_86 = arith.subi %sign3A_82, %sign3A_85 : i32
      %sign3A_87 = arith.constant 0 : i32
      %sign3A_88 = arith.cmpi sgt, %jit3A, %sign3A_87 : i32
      %sign3A_89 = arith.extui %sign3A_88 : i1 to i32
      %sign3A_90 = arith.constant 0 : i32
      %sign3A_91 = arith.cmpi slt, %jit3A, %sign3A_90 : i32
      %sign3A_92 = arith.extui %sign3A_91 : i1 to i32
      %sign3A_93 = arith.subi %sign3A_89, %sign3A_92 : i32
      %ne3A = arith.cmpi ne, %sign3A_86, %sign3A_93 : i32
      %rem3A = arith.remsi %scan3A_78, %jit3A : i32
      %ne3A_94 = arith.constant 0 : i32
      %ne3A_95 = arith.cmpi ne, %rem3A, %ne3A_94 : i32
      %and3A = arith.andi %ne3A, %ne3A_95 : i1
      %sub3A = arith.constant 1 : i32
      %sub3A_96 = arith.subi %div3A, %sub3A : i32
      %select_n3A = arith.select %and3A, %sub3A_96, %div3A : i32
      %jit3A_97 = arith.constant 8 : i32
      %eq3A = arith.constant 0 : i32
      %eq3A_98 = arith.cmpi eq, %jit3A_97, %eq3A : i32
      %jit3A_99 = arith.constant 1 : i32
      %select_n3A_100 = arith.select %eq3A_98, %jit3A_99, %jit3A_97 : i32
      %rem3A_101 = arith.remsi %scan3A_78, %select_n3A_100 : i32
      %ne3A_102 = arith.constant 0 : i32
      %ne3A_103 = arith.cmpi ne, %rem3A_101, %ne3A_102 : i32
      %lt3A = arith.constant 0 : i32
      %lt3A_104 = arith.cmpi slt, %rem3A_101, %lt3A : i32
      %lt3A_105 = arith.constant 0 : i32
      %lt3A_106 = arith.cmpi slt, %select_n3A_100, %lt3A_105 : i32
      %ne3A_107 = arith.xori %lt3A_104, %lt3A_106 : i1
      %and3A_108 = arith.andi %ne3A_107, %ne3A_103 : i1
      %add3A_109 = arith.addi %rem3A_101, %select_n3A_100 : i32
      %select_n3A_110 = arith.select %and3A_108, %add3A_109, %rem3A_101 : i32
      %mul3A_111 = arith.constant 16 : i32
      %mul3A_112 = arith.muli %select_n3A_110, %mul3A_111 : i32
      %swap3A = arith.index_cast %select_n3A : i32 to index
      %swap3A_113 = arith.index_cast %mul3A_112 : i32 to index
      %swap3A_114 = tpu.vector_load %arg10[%swap3A, %swap3A_113] {strides = array<i32>} : memref<128x128xf32, #tpu.memory_space<vmem>>, vector<1x16xf32>,
      %swap3A_115 = vector.shape_cast %swap3A_114 : vector<1x16xf32> to vector<16xf32>
      %swap3A_116 = vector.shape_cast %broadcast_in_dim3A_80 : vector<16xf32> to vector<1x16xf32>
      tpu.vector_store %arg10[%swap3A, %swap3A_113], %swap3A_116 {strides = array<i32>} : memref<128x128xf32, #tpu.memory_space<vmem>>, vector<1x16xf32>,
      %scan3A_117 = arith.constant 0 : i32
      scf.yield %scan3A_117 : i32
    }
    %scan3A_6 = arith.constant 1024 : i32
    %mul3A_7 = arith.constant 640 : i32
    %mul3A_8 = arith.muli %arg1, %mul3A_7 : i32
    %add3A_9 = arith.constant 0 : i32
    %add3A_10 = arith.addi %mul3A_8, %add3A_9 : i32
    "tpu.region"() ({
      %run_scoped3A = tpu.sem_alloc : memref<!tpu.dma_semaphore, #tpu.memory_space<semaphore_mem>>
      %dma_start3A = arith.constant 0 : i32
      %dma_start3A_78 = tpu.memref_slice %arg12[%add3A_10, %dma_start3A] : memref<10240x128xf32, #tpu.memory_space<vmem_shared>> -> memref<128x128xf32, #tpu.memory_space<vmem_shared>>
      %dma_start3A_79 = arith.constant 0 : i32
      %dma_start3A_80 = tpu.memref_slice %arg12[%add3A_10, %dma_start3A_79] : memref<10240x128xf32, #tpu.memory_space<vmem_shared>> -> memref<128x128xf32, #tpu.memory_space<vmem_shared>>
      tpu.enqueue_dma source(%arg10 : memref<128x128xf32, #tpu.memory_space<vmem>>) target(%dma_start3A_80 : memref<128x128xf32, #tpu.memory_space<vmem_shared>>) target_semaphore(%run_scoped3A : memref<!tpu.dma_semaphore, #tpu.memory_space<semaphore_mem>>)
      %dma_wait3A = arith.constant 0 : i32
      %dma_wait3A_81 = tpu.memref_slice %arg12[%add3A_10, %dma_wait3A] : memref<10240x128xf32, #tpu.memory_space<vmem_shared>> -> memref<128x128xf32, #tpu.memory_space<vmem_shared>>
      %dma_wait3A_82 = arith.constant 0 : i32
      %dma_wait3A_83 = tpu.memref_slice %arg12[%add3A_10, %dma_wait3A_82] : memref<10240x128xf32, #tpu.memory_space<vmem_shared>> -> memref<128x128xf32, #tpu.memory_space<vmem_shared>>
      tpu.wait_dma2 semaphore(%run_scoped3A : memref<!tpu.dma_semaphore, #tpu.memory_space<semaphore_mem>>) src(%arg10 : memref<128x128xf32, #tpu.memory_space<vmem>>) dst(%dma_wait3A_83 : memref<128x128xf32, #tpu.memory_space<vmem_shared>>)
      tpu.yield
    }) : () -> ()
    %mul3A_11 = arith.constant 640 : i32
    %mul3A_12 = arith.muli %arg1, %mul3A_11 : i32
    %add3A_13 = arith.constant 128 : i32
    %add3A_14 = arith.addi %mul3A_12, %add3A_13 : i32
    "tpu.region"() ({
      %run_scoped3A = tpu.sem_alloc : memref<!tpu.dma_semaphore, #tpu.memory_space<semaphore_mem>>
      %dma_start3A = arith.constant 0 : i32
      %dma_start3A_78 = tpu.memref_slice %arg12[%add3A_14, %dma_start3A] : memref<10240x128xf32, #tpu.memory_space<vmem_shared>> -> memref<128x128xf32, #tpu.memory_space<vmem_shared>>
      %dma_start3A_79 = arith.constant 0 : i32
      %dma_start3A_80 = tpu.memref_slice %arg12[%add3A_14, %dma_start3A_79] : memref<10240x128xf32, #tpu.memory_space<vmem_shared>> -> memref<128x128xf32, #tpu.memory_space<vmem_shared>>
      tpu.enqueue_dma source(%arg10 : memref<128x128xf32, #tpu.memory_space<vmem>>) target(%dma_start3A_80 : memref<128x128xf32, #tpu.memory_space<vmem_shared>>) target_semaphore(%run_scoped3A : memref<!tpu.dma_semaphore, #tpu.memory_space<semaphore_mem>>)
      %dma_wait3A = arith.constant 0 : i32
      %dma_wait3A_81 = tpu.memref_slice %arg12[%add3A_14, %dma_wait3A] : memref<10240x128xf32, #tpu.memory_space<vmem_shared>> -> memref<128x128xf32, #tpu.memory_space<vmem_shared>>
      %dma_wait3A_82 = arith.constant 0 : i32
      %dma_wait3A_83 = tpu.memref_slice %arg12[%add3A_14, %dma_wait3A_82] : memref<10240x128xf32, #tpu.memory_space<vmem_shared>> -> memref<128x128xf32, #tpu.memory_space<vmem_shared>>
      tpu.wait_dma2 semaphore(%run_scoped3A : memref<!tpu.dma_semaphore, #tpu.memory_space<semaphore_mem>>) src(%arg10 : memref<128x128xf32, #tpu.memory_space<vmem>>) dst(%dma_wait3A_83 : memref<128x128xf32, #tpu.memory_space<vmem_shared>>)
      tpu.yield
    }) : () -> ()
    %mul3A_15 = arith.constant 640 : i32
    %mul3A_16 = arith.muli %arg1, %mul3A_15 : i32
    %add3A_17 = arith.constant 256 : i32
    %add3A_18 = arith.addi %mul3A_16, %add3A_17 : i32
    "tpu.region"() ({
      %run_scoped3A = tpu.sem_alloc : memref<!tpu.dma_semaphore, #tpu.memory_space<semaphore_mem>>
      %dma_start3A = arith.constant 0 : i32
      %dma_start3A_78 = tpu.memref_slice %arg12[%add3A_18, %dma_start3A] : memref<10240x128xf32, #tpu.memory_space<vmem_shared>> -> memref<128x128xf32, #tpu.memory_space<vmem_shared>>
      %dma_start3A_79 = arith.constant 0 : i32
      %dma_start3A_80 = tpu.memref_slice %arg12[%add3A_18, %dma_start3A_79] : memref<10240x128xf32, #tpu.memory_space<vmem_shared>> -> memref<128x128xf32, #tpu.memory_space<vmem_shared>>
      tpu.enqueue_dma source(%arg10 : memref<128x128xf32, #tpu.memory_space<vmem>>) target(%dma_start3A_80 : memref<128x128xf32, #tpu.memory_space<vmem_shared>>) target_semaphore(%run_scoped3A : memref<!tpu.dma_semaphore, #tpu.memory_space<semaphore_mem>>)
      %dma_wait3A = arith.constant 0 : i32
      %dma_wait3A_81 = tpu.memref_slice %arg12[%add3A_18, %dma_wait3A] : memref<10240x128xf32, #tpu.memory_space<vmem_shared>> -> memref<128x128xf32, #tpu.memory_space<vmem_shared>>
      %dma_wait3A_82 = arith.constant 0 : i32
      %dma_wait3A_83 = tpu.memref_slice %arg12[%add3A_18, %dma_wait3A_82] : memref<10240x128xf32, #tpu.memory_space<vmem_shared>> -> memref<128x128xf32, #tpu.memory_space<vmem_shared>>
      tpu.wait_dma2 semaphore(%run_scoped3A : memref<!tpu.dma_semaphore, #tpu.memory_space<semaphore_mem>>) src(%arg10 : memref<128x128xf32, #tpu.memory_space<vmem>>) dst(%dma_wait3A_83 : memref<128x128xf32, #tpu.memory_space<vmem_shared>>)
      tpu.yield
    }) : () -> ()
    %mul3A_19 = arith.constant 640 : i32
    %mul3A_20 = arith.muli %arg1, %mul3A_19 : i32
    %add3A_21 = arith.constant 384 : i32
    %add3A_22 = arith.addi %mul3A_20, %add3A_21 : i32
    "tpu.region"() ({
      %run_scoped3A = tpu.sem_alloc : memref<!tpu.dma_semaphore, #tpu.memory_space<semaphore_mem>>
      %dma_start3A = arith.constant 0 : i32
      %dma_start3A_78 = tpu.memref_slice %arg12[%add3A_22, %dma_start3A] : memref<10240x128xf32, #tpu.memory_space<vmem_shared>> -> memref<128x128xf32, #tpu.memory_space<vmem_shared>>
      %dma_start3A_79 = arith.constant 0 : i32
      %dma_start3A_80 = tpu.memref_slice %arg12[%add3A_22, %dma_start3A_79] : memref<10240x128xf32, #tpu.memory_space<vmem_shared>> -> memref<128x128xf32, #tpu.memory_space<vmem_shared>>
      tpu.enqueue_dma source(%arg10 : memref<128x128xf32, #tpu.memory_space<vmem>>) target(%dma_start3A_80 : memref<128x128xf32, #tpu.memory_space<vmem_shared>>) target_semaphore(%run_scoped3A : memref<!tpu.dma_semaphore, #tpu.memory_space<semaphore_mem>>)
      %dma_wait3A = arith.constant 0 : i32
      %dma_wait3A_81 = tpu.memref_slice %arg12[%add3A_22, %dma_wait3A] : memref<10240x128xf32, #tpu.memory_space<vmem_shared>> -> memref<128x128xf32, #tpu.memory_space<vmem_shared>>
      %dma_wait3A_82 = arith.constant 0 : i32
      %dma_wait3A_83 = tpu.memref_slice %arg12[%add3A_22, %dma_wait3A_82] : memref<10240x128xf32, #tpu.memory_space<vmem_shared>> -> memref<128x128xf32, #tpu.memory_space<vmem_shared>>
      tpu.wait_dma2 semaphore(%run_scoped3A : memref<!tpu.dma_semaphore, #tpu.memory_space<semaphore_mem>>) src(%arg10 : memref<128x128xf32, #tpu.memory_space<vmem>>) dst(%dma_wait3A_83 : memref<128x128xf32, #tpu.memory_space<vmem_shared>>)
      tpu.yield
    }) : () -> ()
    %mul3A_23 = arith.constant 640 : i32
    %mul3A_24 = arith.muli %arg1, %mul3A_23 : i32
    %add3A_25 = arith.constant 512 : i32
    %add3A_26 = arith.addi %mul3A_24, %add3A_25 : i32
    "tpu.region"() ({
      %run_scoped3A = tpu.sem_alloc : memref<!tpu.dma_semaphore, #tpu.memory_space<semaphore_mem>>
      %dma_start3A = arith.constant 0 : i32
      %dma_start3A_78 = tpu.memref_slice %arg12[%add3A_26, %dma_start3A] : memref<10240x128xf32, #tpu.memory_space<vmem_shared>> -> memref<128x128xf32, #tpu.memory_space<vmem_shared>>
      %dma_start3A_79 = arith.constant 0 : i32
      %dma_start3A_80 = tpu.memref_slice %arg12[%add3A_26, %dma_start3A_79] : memref<10240x128xf32, #tpu.memory_space<vmem_shared>> -> memref<128x128xf32, #tpu.memory_space<vmem_shared>>
      tpu.enqueue_dma source(%arg10 : memref<128x128xf32, #tpu.memory_space<vmem>>) target(%dma_start3A_80 : memref<128x128xf32, #tpu.memory_space<vmem_shared>>) target_semaphore(%run_scoped3A : memref<!tpu.dma_semaphore, #tpu.memory_space<semaphore_mem>>)
      %dma_wait3A = arith.constant 0 : i32
      %dma_wait3A_81 = tpu.memref_slice %arg12[%add3A_26, %dma_wait3A] : memref<10240x128xf32, #tpu.memory_space<vmem_shared>> -> memref<128x128xf32, #tpu.memory_space<vmem_shared>>
      %dma_wait3A_82 = arith.constant 0 : i32
      %dma_wait3A_83 = tpu.memref_slice %arg12[%add3A_26, %dma_wait3A_82] : memref<10240x128xf32, #tpu.memory_space<vmem_shared>> -> memref<128x128xf32, #tpu.memory_space<vmem_shared>>
      tpu.wait_dma2 semaphore(%run_scoped3A : memref<!tpu.dma_semaphore, #tpu.memory_space<semaphore_mem>>) src(%arg10 : memref<128x128xf32, #tpu.memory_space<vmem>>) dst(%dma_wait3A_83 : memref<128x128xf32, #tpu.memory_space<vmem_shared>>)
      tpu.yield
    }) : () -> ()
    %barrier3A = arith.constant 0 : index
    tpu.barrier barrier_id(%barrier3A)
    %delay3A = arith.constant 2000 : i32
    tpu.delay %delay3A
    %barrier3A_27 = arith.constant 0 : index
    tpu.barrier barrier_id(%barrier3A_27)
    %scan3A_28 = arith.constant 0 : i32
    %scan3A_29 = arith.constant 0 : i32
    %scan3A_30 = arith.constant 40 : i32
    %scan3A_31 = arith.addi %scan3A_29, %scan3A_30 : i32
    %scan3A_32 = arith.constant 1 : i32
    %scan3A_33 = scf.for %scan3A_78 = %scan3A_29 to %scan3A_31 step %scan3A_32 iter_args(%scan3A_79 = %scan3A_28) -> (i32)  : i32 {
      %mul3A_80 = arith.constant 10240 : i32
      %mul3A_81 = arith.muli %add3A, %mul3A_80 : i32
      %mul3A_82 = arith.constant 2 : i32
      %mul3A_83 = arith.muli %mul3A_82, %scan3A_78 : i32
      %mul3A_84 = arith.constant 128 : i32
      %mul3A_85 = arith.muli %mul3A_83, %mul3A_84 : i32
      %add3A_86 = arith.addi %mul3A_81, %mul3A_85 : i32
      %add3A_87 = arith.constant 128 : i32
      %add3A_88 = arith.addi %add3A_86, %add3A_87 : i32
      "tpu.region"() ({
        %run_scoped3A = tpu.sem_alloc : memref<!tpu.dma_semaphore, #tpu.memory_space<semaphore_mem>>
        %dma_start3A_100 = tpu.memref_slice %arg3[%add3A_86] : memref<327680xi32, #tpu.memory_space<hbm>> -> memref<128xi32, #tpu.memory_space<hbm>>
        %dma_start3A_101 = tpu.memref_slice %arg3[%add3A_86] : memref<327680xi32, #tpu.memory_space<hbm>> -> memref<128xi32, #tpu.memory_space<hbm>>
        tpu.enqueue_dma source(%dma_start3A_101 : memref<128xi32, #tpu.memory_space<hbm>>) target(%arg6 : memref<128xi32, #tpu.memory_space<vmem>>) target_semaphore(%run_scoped3A : memref<!tpu.dma_semaphore, #tpu.memory_space<semaphore_mem>>)
        %dma_wait3A_102 = tpu.memref_slice %arg3[%add3A_86] : memref<327680xi32, #tpu.memory_space<hbm>> -> memref<128xi32, #tpu.memory_space<hbm>>
        %dma_wait3A_103 = tpu.memref_slice %arg3[%add3A_86] : memref<327680xi32, #tpu.memory_space<hbm>> -> memref<128xi32, #tpu.memory_space<hbm>>
        tpu.wait_dma2 semaphore(%run_scoped3A : memref<!tpu.dma_semaphore, #tpu.memory_space<semaphore_mem>>) src(%dma_wait3A_103 : memref<128xi32, #tpu.memory_space<hbm>>) dst(%arg6 : memref<128xi32, #tpu.memory_space<vmem>>)
        tpu.yield
      }) : () -> ()
      "tpu.region"() ({
        %run_scoped3A = tpu.sem_alloc : memref<!tpu.dma_semaphore, #tpu.memory_space<semaphore_mem>>
        %dma_start3A_100 = tpu.memref_slice %arg3[%add3A_88] : memref<327680xi32, #tpu.memory_space<hbm>> -> memref<128xi32, #tpu.memory_space<hbm>>
        %dma_start3A_101 = tpu.memref_slice %arg3[%add3A_88] : memref<327680xi32, #tpu.memory_space<hbm>> -> memref<128xi32, #tpu.memory_space<hbm>>
        tpu.enqueue_dma source(%dma_start3A_101 : memref<128xi32, #tpu.memory_space<hbm>>) target(%arg7 : memref<128xi32, #tpu.memory_space<vmem>>) target_semaphore(%run_scoped3A : memref<!tpu.dma_semaphore, #tpu.memory_space<semaphore_mem>>)
        %dma_wait3A_102 = tpu.memref_slice %arg3[%add3A_88] : memref<327680xi32, #tpu.memory_space<hbm>> -> memref<128xi32, #tpu.memory_space<hbm>>
        %dma_wait3A_103 = tpu.memref_slice %arg3[%add3A_88] : memref<327680xi32, #tpu.memory_space<hbm>> -> memref<128xi32, #tpu.memory_space<hbm>>
        tpu.wait_dma2 semaphore(%run_scoped3A : memref<!tpu.dma_semaphore, #tpu.memory_space<semaphore_mem>>) src(%dma_wait3A_103 : memref<128xi32, #tpu.memory_space<hbm>>) dst(%arg7 : memref<128xi32, #tpu.memory_space<vmem>>)
        tpu.yield
      }) : () -> ()
      %dma_start3A = arith.constant 0 : i32
      %dma_start3A_89 = arith.constant 0 : i32
      %dma_start3A_90 = tpu.memref_slice %arg2[%dma_start3A, %dma_start3A_89] : memref<10000x128xf32, #tpu.memory_space<hbm>> -> memref<10000x128xf32, #tpu.memory_space<hbm>>
      tpu.enqueue_indirect_dma source(%dma_start3A_90 : memref<10000x128xf32, #tpu.memory_space<hbm>>) target(%arg10 : memref<128x128xf32, #tpu.memory_space<vmem>>) offsets(%arg6 : memref<128xi32, #tpu.memory_space<vmem>>) semaphore(%arg13 : memref<!tpu.dma_semaphore, #tpu.memory_space<semaphore_mem>>)
      %dma_start3A_91 = arith.constant 0 : i32
      %dma_start3A_92 = arith.constant 0 : i32
      %dma_start3A_93 = tpu.memref_slice %arg2[%dma_start3A_91, %dma_start3A_92] : memref<10000x128xf32, #tpu.memory_space<hbm>> -> memref<10000x128xf32, #tpu.memory_space<hbm>>
      tpu.enqueue_indirect_dma source(%dma_start3A_93 : memref<10000x128xf32, #tpu.memory_space<hbm>>) target(%arg11 : memref<128x128xf32, #tpu.memory_space<vmem>>) offsets(%arg7 : memref<128xi32, #tpu.memory_space<vmem>>) semaphore(%arg14 : memref<!tpu.dma_semaphore, #tpu.memory_space<semaphore_mem>>)
      "tpu.region"() ({
        %run_scoped3A = tpu.sem_alloc : memref<!tpu.dma_semaphore, #tpu.memory_space<semaphore_mem>>
        %dma_start3A_100 = tpu.memref_slice %arg4[%add3A_86] : memref<327680xi32, #tpu.memory_space<hbm>> -> memref<128xi32, #tpu.memory_space<hbm>>
        %dma_start3A_101 = tpu.memref_slice %arg4[%add3A_86] : memref<327680xi32, #tpu.memory_space<hbm>> -> memref<128xi32, #tpu.memory_space<hbm>>
        tpu.enqueue_dma source(%dma_start3A_101 : memref<128xi32, #tpu.memory_space<hbm>>) target(%arg8 : memref<128xi32, #tpu.memory_space<vmem>>) target_semaphore(%run_scoped3A : memref<!tpu.dma_semaphore, #tpu.memory_space<semaphore_mem>>)
        %dma_wait3A_102 = tpu.memref_slice %arg4[%add3A_86] : memref<327680xi32, #tpu.memory_space<hbm>> -> memref<128xi32, #tpu.memory_space<hbm>>
        %dma_wait3A_103 = tpu.memref_slice %arg4[%add3A_86] : memref<327680xi32, #tpu.memory_space<hbm>> -> memref<128xi32, #tpu.memory_space<hbm>>
        tpu.wait_dma2 semaphore(%run_scoped3A : memref<!tpu.dma_semaphore, #tpu.memory_space<semaphore_mem>>) src(%dma_wait3A_103 : memref<128xi32, #tpu.memory_space<hbm>>) dst(%arg8 : memref<128xi32, #tpu.memory_space<vmem>>)
        tpu.yield
      }) : () -> ()
      "tpu.region"() ({
        %run_scoped3A = tpu.sem_alloc : memref<!tpu.dma_semaphore, #tpu.memory_space<semaphore_mem>>
        %dma_start3A_100 = tpu.memref_slice %arg4[%add3A_88] : memref<327680xi32, #tpu.memory_space<hbm>> -> memref<128xi32, #tpu.memory_space<hbm>>
        %dma_start3A_101 = tpu.memref_slice %arg4[%add3A_88] : memref<327680xi32, #tpu.memory_space<hbm>> -> memref<128xi32, #tpu.memory_space<hbm>>
        tpu.enqueue_dma source(%dma_start3A_101 : memref<128xi32, #tpu.memory_space<hbm>>) target(%arg9 : memref<128xi32, #tpu.memory_space<vmem>>) target_semaphore(%run_scoped3A : memref<!tpu.dma_semaphore, #tpu.memory_space<semaphore_mem>>)
        %dma_wait3A_102 = tpu.memref_slice %arg4[%add3A_88] : memref<327680xi32, #tpu.memory_space<hbm>> -> memref<128xi32, #tpu.memory_space<hbm>>
        %dma_wait3A_103 = tpu.memref_slice %arg4[%add3A_88] : memref<327680xi32, #tpu.memory_space<hbm>> -> memref<128xi32, #tpu.memory_space<hbm>>
        tpu.wait_dma2 semaphore(%run_scoped3A : memref<!tpu.dma_semaphore, #tpu.memory_space<semaphore_mem>>) src(%dma_wait3A_103 : memref<128xi32, #tpu.memory_space<hbm>>) dst(%arg9 : memref<128xi32, #tpu.memory_space<vmem>>)
        tpu.yield
      }) : () -> ()
      %dma_wait3A = arith.constant 0 : i32
      %dma_wait3A_94 = arith.constant 0 : i32
      %dma_wait3A_95 = tpu.memref_slice %arg2[%dma_wait3A, %dma_wait3A_94] : memref<10000x128xf32, #tpu.memory_space<hbm>> -> memref<10000x128xf32, #tpu.memory_space<hbm>>
      tpu.wait_indirect_dma semaphore(%arg13 : memref<!tpu.dma_semaphore, #tpu.memory_space<semaphore_mem>>) src(%dma_wait3A_95 : memref<10000x128xf32, #tpu.memory_space<hbm>>) dst(%arg10 : memref<128x128xf32, #tpu.memory_space<vmem>>)
      "tpu.region"() ({
        %run_scoped3A = tpu.sem_alloc : memref<!tpu.dma_semaphore, #tpu.memory_space<semaphore_mem>>
        %dma_start3A_100 = arith.constant 0 : i32
        %dma_start3A_101 = arith.constant 0 : i32
        %dma_start3A_102 = tpu.memref_slice %arg12[%dma_start3A_100, %dma_start3A_101] : memref<10240x128xf32, #tpu.memory_space<vmem_shared>> -> memref<10240x128xf32, #tpu.memory_space<vmem_shared>>
        tpu.enqueue_indirect_dma source(%arg10 : memref<128x128xf32, #tpu.memory_space<vmem>>) target(%dma_start3A_102 : memref<10240x128xf32, #tpu.memory_space<vmem_shared>>) offsets(%arg8 : memref<128xi32, #tpu.memory_space<vmem>>) semaphore(%run_scoped3A : memref<!tpu.dma_semaphore, #tpu.memory_space<semaphore_mem>>) {add = true}
        %dma_wait3A_103 = arith.constant 0 : i32
        %dma_wait3A_104 = arith.constant 0 : i32
        %dma_wait3A_105 = tpu.memref_slice %arg12[%dma_wait3A_103, %dma_wait3A_104] : memref<10240x128xf32, #tpu.memory_space<vmem_shared>> -> memref<10240x128xf32, #tpu.memory_space<vmem_shared>>
        tpu.wait_indirect_dma semaphore(%run_scoped3A : memref<!tpu.dma_semaphore, #tpu.memory_space<semaphore_mem>>) src(%arg10 : memref<128x128xf32, #tpu.memory_space<vmem>>) dst(%dma_wait3A_105 : memref<10240x128xf32, #tpu.memory_space<vmem_shared>>)
        tpu.yield
      }) : () -> ()
      %dma_wait3A_96 = arith.constant 0 : i32
      %dma_wait3A_97 = arith.constant 0 : i32
      %dma_wait3A_98 = tpu.memref_slice %arg2[%dma_wait3A_96, %dma_wait3A_97] : memref<10000x128xf32, #tpu.memory_space<hbm>> -> memref<10000x128xf32, #tpu.memory_space<hbm>>
      tpu.wait_indirect_dma semaphore(%arg14 : memref<!tpu.dma_semaphore, #tpu.memory_space<semaphore_mem>>) src(%dma_wait3A_98 : memref<10000x128xf32, #tpu.memory_space<hbm>>) dst(%arg11 : memref<128x128xf32, #tpu.memory_space<vmem>>)
      "tpu.region"() ({
        %run_scoped3A = tpu.sem_alloc : memref<!tpu.dma_semaphore, #tpu.memory_space<semaphore_mem>>
        %dma_start3A_100 = arith.constant 0 : i32
        %dma_start3A_101 = arith.constant 0 : i32
        %dma_start3A_102 = tpu.memref_slice %arg12[%dma_start3A_100, %dma_start3A_101] : memref<10240x128xf32, #tpu.memory_space<vmem_shared>> -> memref<10240x128xf32, #tpu.memory_space<vmem_shared>>
        tpu.enqueue_indirect_dma source(%arg11 : memref<128x128xf32, #tpu.memory_space<vmem>>) target(%dma_start3A_102 : memref<10240x128xf32, #tpu.memory_space<vmem_shared>>) offsets(%arg9 : memref<128xi32, #tpu.memory_space<vmem>>) semaphore(%run_scoped3A : memref<!tpu.dma_semaphore, #tpu.memory_space<semaphore_mem>>) {add = true}
        %dma_wait3A_103 = arith.constant 0 : i32
        %dma_wait3A_104 = arith.constant 0 : i32
        %dma_wait3A_105 = tpu.memref_slice %arg12[%dma_wait3A_103, %dma_wait3A_104] : memref<10240x128xf32, #tpu.memory_space<vmem_shared>> -> memref<10240x128xf32, #tpu.memory_space<vmem_shared>>
        tpu.wait_indirect_dma semaphore(%run_scoped3A : memref<!tpu.dma_semaphore, #tpu.memory_space<semaphore_mem>>) src(%arg11 : memref<128x128xf32, #tpu.memory_space<vmem>>) dst(%dma_wait3A_105 : memref<10240x128xf32, #tpu.memory_space<vmem_shared>>)
        tpu.yield
      }) : () -> ()
      %scan3A_99 = arith.constant 0 : i32
      scf.yield %scan3A_99 : i32
    }
    %scan3A_34 = arith.constant 40 : i32
    %barrier3A_35 = arith.constant 0 : index
    tpu.barrier barrier_id(%barrier3A_35)
    %delay3A_36 = arith.constant 2000 : i32
    tpu.delay %delay3A_36
    %barrier3A_37 = arith.constant 0 : index
    tpu.barrier barrier_id(%barrier3A_37)
    %mul3A_38 = arith.constant 640 : i32
    %mul3A_39 = arith.muli %arg1, %mul3A_38 : i32
    %add3A_40 = arith.constant 0 : i32
    %add3A_41 = arith.addi %mul3A_39, %add3A_40 : i32
    "tpu.region"() ({
      %run_scoped3A = tpu.sem_alloc : memref<!tpu.dma_semaphore, #tpu.memory_space<semaphore_mem>>
      %dma_start3A = arith.constant 0 : i32
      %dma_start3A_78 = tpu.memref_slice %arg12[%add3A_41, %dma_start3A] : memref<10240x128xf32, #tpu.memory_space<vmem_shared>> -> memref<128x128xf32, #tpu.memory_space<vmem_shared>>
      %dma_start3A_79 = arith.constant 0 : i32
      %dma_start3A_80 = tpu.memref_slice %arg12[%add3A_41, %dma_start3A_79] : memref<10240x128xf32, #tpu.memory_space<vmem_shared>> -> memref<128x128xf32, #tpu.memory_space<vmem_shared>>
      tpu.enqueue_dma source(%dma_start3A_80 : memref<128x128xf32, #tpu.memory_space<vmem_shared>>) target(%arg10 : memref<128x128xf32, #tpu.memory_space<vmem>>) target_semaphore(%run_scoped3A : memref<!tpu.dma_semaphore, #tpu.memory_space<semaphore_mem>>)
      %dma_wait3A = arith.constant 0 : i32
      %dma_wait3A_81 = tpu.memref_slice %arg12[%add3A_41, %dma_wait3A] : memref<10240x128xf32, #tpu.memory_space<vmem_shared>> -> memref<128x128xf32, #tpu.memory_space<vmem_shared>>
      %dma_wait3A_82 = arith.constant 0 : i32
      %dma_wait3A_83 = tpu.memref_slice %arg12[%add3A_41, %dma_wait3A_82] : memref<10240x128xf32, #tpu.memory_space<vmem_shared>> -> memref<128x128xf32, #tpu.memory_space<vmem_shared>>
      tpu.wait_dma2 semaphore(%run_scoped3A : memref<!tpu.dma_semaphore, #tpu.memory_space<semaphore_mem>>) src(%dma_wait3A_83 : memref<128x128xf32, #tpu.memory_space<vmem_shared>>) dst(%arg10 : memref<128x128xf32, #tpu.memory_space<vmem>>)
      tpu.yield
    }) : () -> ()
    %mul3A_42 = arith.constant 640 : i32
    %mul3A_43 = arith.muli %arg1, %mul3A_42 : i32
    %add3A_44 = arith.constant 0 : i32
    %add3A_45 = arith.addi %mul3A_43, %add3A_44 : i32
    "tpu.region"() ({
      %run_scoped3A = tpu.sem_alloc : memref<!tpu.dma_semaphore, #tpu.memory_space<semaphore_mem>>
      %dma_start3A = arith.constant 0 : i32
      %dma_start3A_78 = tpu.memref_slice %arg5[%arg0, %add3A_45, %dma_start3A] : memref<2x10240x128xf32, #tpu.memory_space<hbm>> -> memref<1x128x128xf32, #tpu.memory_space<hbm>>
      %dma_start3A_79 = tpu.memref_squeeze %dma_start3A_78 : memref<1x128x128xf32, #tpu.memory_space<hbm>> -> memref<128x128xf32, #tpu.memory_space<hbm>>
      %dma_start3A_80 = arith.constant 0 : i32
      %dma_start3A_81 = tpu.memref_slice %arg5[%arg0, %add3A_45, %dma_start3A_80] : memref<2x10240x128xf32, #tpu.memory_space<hbm>> -> memref<1x128x128xf32, #tpu.memory_space<hbm>>
      %dma_start3A_82 = tpu.memref_squeeze %dma_start3A_81 : memref<1x128x128xf32, #tpu.memory_space<hbm>> -> memref<128x128xf32, #tpu.memory_space<hbm>>
      tpu.enqueue_dma source(%arg10 : memref<128x128xf32, #tpu.memory_space<vmem>>) target(%dma_start3A_82 : memref<128x128xf32, #tpu.memory_space<hbm>>) target_semaphore(%run_scoped3A : memref<!tpu.dma_semaphore, #tpu.memory_space<semaphore_mem>>)
      %dma_wait3A = arith.constant 0 : i32
      %dma_wait3A_83 = tpu.memref_slice %arg5[%arg0, %add3A_45, %dma_wait3A] : memref<2x10240x128xf32, #tpu.memory_space<hbm>> -> memref<1x128x128xf32, #tpu.memory_space<hbm>>
      %dma_wait3A_84 = tpu.memref_squeeze %dma_wait3A_83 : memref<1x128x128xf32, #tpu.memory_space<hbm>> -> memref<128x128xf32, #tpu.memory_space<hbm>>
      %dma_wait3A_85 = arith.constant 0 : i32
      %dma_wait3A_86 = tpu.memref_slice %arg5[%arg0, %add3A_45, %dma_wait3A_85] : memref<2x10240x128xf32, #tpu.memory_space<hbm>> -> memref<1x128x128xf32, #tpu.memory_space<hbm>>
      %dma_wait3A_87 = tpu.memref_squeeze %dma_wait3A_86 : memref<1x128x128xf32, #tpu.memory_space<hbm>> -> memref<128x128xf32, #tpu.memory_space<hbm>>
      tpu.wait_dma2 semaphore(%run_scoped3A : memref<!tpu.dma_semaphore, #tpu.memory_space<semaphore_mem>>) src(%arg10 : memref<128x128xf32, #tpu.memory_space<vmem>>) dst(%dma_wait3A_87 : memref<128x128xf32, #tpu.memory_space<hbm>>)
      tpu.yield
    }) : () -> ()
    %mul3A_46 = arith.constant 640 : i32
    %mul3A_47 = arith.muli %arg1, %mul3A_46 : i32
    %add3A_48 = arith.constant 128 : i32
    %add3A_49 = arith.addi %mul3A_47, %add3A_48 : i32
    "tpu.region"() ({
      %run_scoped3A = tpu.sem_alloc : memref<!tpu.dma_semaphore, #tpu.memory_space<semaphore_mem>>
      %dma_start3A = arith.constant 0 : i32
      %dma_start3A_78 = tpu.memref_slice %arg12[%add3A_49, %dma_start3A] : memref<10240x128xf32, #tpu.memory_space<vmem_shared>> -> memref<128x128xf32, #tpu.memory_space<vmem_shared>>
      %dma_start3A_79 = arith.constant 0 : i32
      %dma_start3A_80 = tpu.memref_slice %arg12[%add3A_49, %dma_start3A_79] : memref<10240x128xf32, #tpu.memory_space<vmem_shared>> -> memref<128x128xf32, #tpu.memory_space<vmem_shared>>
      tpu.enqueue_dma source(%dma_start3A_80 : memref<128x128xf32, #tpu.memory_space<vmem_shared>>) target(%arg10 : memref<128x128xf32, #tpu.memory_space<vmem>>) target_semaphore(%run_scoped3A : memref<!tpu.dma_semaphore, #tpu.memory_space<semaphore_mem>>)
      %dma_wait3A = arith.constant 0 : i32
      %dma_wait3A_81 = tpu.memref_slice %arg12[%add3A_49, %dma_wait3A] : memref<10240x128xf32, #tpu.memory_space<vmem_shared>> -> memref<128x128xf32, #tpu.memory_space<vmem_shared>>
      %dma_wait3A_82 = arith.constant 0 : i32
      %dma_wait3A_83 = tpu.memref_slice %arg12[%add3A_49, %dma_wait3A_82] : memref<10240x128xf32, #tpu.memory_space<vmem_shared>> -> memref<128x128xf32, #tpu.memory_space<vmem_shared>>
      tpu.wait_dma2 semaphore(%run_scoped3A : memref<!tpu.dma_semaphore, #tpu.memory_space<semaphore_mem>>) src(%dma_wait3A_83 : memref<128x128xf32, #tpu.memory_space<vmem_shared>>) dst(%arg10 : memref<128x128xf32, #tpu.memory_space<vmem>>)
      tpu.yield
    }) : () -> ()
    %mul3A_50 = arith.constant 640 : i32
    %mul3A_51 = arith.muli %arg1, %mul3A_50 : i32
    %add3A_52 = arith.constant 128 : i32
    %add3A_53 = arith.addi %mul3A_51, %add3A_52 : i32
    "tpu.region"() ({
      %run_scoped3A = tpu.sem_alloc : memref<!tpu.dma_semaphore, #tpu.memory_space<semaphore_mem>>
      %dma_start3A = arith.constant 0 : i32
      %dma_start3A_78 = tpu.memref_slice %arg5[%arg0, %add3A_53, %dma_start3A] : memref<2x10240x128xf32, #tpu.memory_space<hbm>> -> memref<1x128x128xf32, #tpu.memory_space<hbm>>
      %dma_start3A_79 = tpu.memref_squeeze %dma_start3A_78 : memref<1x128x128xf32, #tpu.memory_space<hbm>> -> memref<128x128xf32, #tpu.memory_space<hbm>>
      %dma_start3A_80 = arith.constant 0 : i32
      %dma_start3A_81 = tpu.memref_slice %arg5[%arg0, %add3A_53, %dma_start3A_80] : memref<2x10240x128xf32, #tpu.memory_space<hbm>> -> memref<1x128x128xf32, #tpu.memory_space<hbm>>
      %dma_start3A_82 = tpu.memref_squeeze %dma_start3A_81 : memref<1x128x128xf32, #tpu.memory_space<hbm>> -> memref<128x128xf32, #tpu.memory_space<hbm>>
      tpu.enqueue_dma source(%arg10 : memref<128x128xf32, #tpu.memory_space<vmem>>) target(%dma_start3A_82 : memref<128x128xf32, #tpu.memory_space<hbm>>) target_semaphore(%run_scoped3A : memref<!tpu.dma_semaphore, #tpu.memory_space<semaphore_mem>>)
      %dma_wait3A = arith.constant 0 : i32
      %dma_wait3A_83 = tpu.memref_slice %arg5[%arg0, %add3A_53, %dma_wait3A] : memref<2x10240x128xf32, #tpu.memory_space<hbm>> -> memref<1x128x128xf32, #tpu.memory_space<hbm>>
      %dma_wait3A_84 = tpu.memref_squeeze %dma_wait3A_83 : memref<1x128x128xf32, #tpu.memory_space<hbm>> -> memref<128x128xf32, #tpu.memory_space<hbm>>
      %dma_wait3A_85 = arith.constant 0 : i32
      %dma_wait3A_86 = tpu.memref_slice %arg5[%arg0, %add3A_53, %dma_wait3A_85] : memref<2x10240x128xf32, #tpu.memory_space<hbm>> -> memref<1x128x128xf32, #tpu.memory_space<hbm>>
      %dma_wait3A_87 = tpu.memref_squeeze %dma_wait3A_86 : memref<1x128x128xf32, #tpu.memory_space<hbm>> -> memref<128x128xf32, #tpu.memory_space<hbm>>
      tpu.wait_dma2 semaphore(%run_scoped3A : memref<!tpu.dma_semaphore, #tpu.memory_space<semaphore_mem>>) src(%arg10 : memref<128x128xf32, #tpu.memory_space<vmem>>) dst(%dma_wait3A_87 : memref<128x128xf32, #tpu.memory_space<hbm>>)
      tpu.yield
    }) : () -> ()
    %mul3A_54 = arith.constant 640 : i32
    %mul3A_55 = arith.muli %arg1, %mul3A_54 : i32
    %add3A_56 = arith.constant 256 : i32
    %add3A_57 = arith.addi %mul3A_55, %add3A_56 : i32
    "tpu.region"() ({
      %run_scoped3A = tpu.sem_alloc : memref<!tpu.dma_semaphore, #tpu.memory_space<semaphore_mem>>
      %dma_start3A = arith.constant 0 : i32
      %dma_start3A_78 = tpu.memref_slice %arg12[%add3A_57, %dma_start3A] : memref<10240x128xf32, #tpu.memory_space<vmem_shared>> -> memref<128x128xf32, #tpu.memory_space<vmem_shared>>
      %dma_start3A_79 = arith.constant 0 : i32
      %dma_start3A_80 = tpu.memref_slice %arg12[%add3A_57, %dma_start3A_79] : memref<10240x128xf32, #tpu.memory_space<vmem_shared>> -> memref<128x128xf32, #tpu.memory_space<vmem_shared>>
      tpu.enqueue_dma source(%dma_start3A_80 : memref<128x128xf32, #tpu.memory_space<vmem_shared>>) target(%arg10 : memref<128x128xf32, #tpu.memory_space<vmem>>) target_semaphore(%run_scoped3A : memref<!tpu.dma_semaphore, #tpu.memory_space<semaphore_mem>>)
      %dma_wait3A = arith.constant 0 : i32
      %dma_wait3A_81 = tpu.memref_slice %arg12[%add3A_57, %dma_wait3A] : memref<10240x128xf32, #tpu.memory_space<vmem_shared>> -> memref<128x128xf32, #tpu.memory_space<vmem_shared>>
      %dma_wait3A_82 = arith.constant 0 : i32
      %dma_wait3A_83 = tpu.memref_slice %arg12[%add3A_57, %dma_wait3A_82] : memref<10240x128xf32, #tpu.memory_space<vmem_shared>> -> memref<128x128xf32, #tpu.memory_space<vmem_shared>>
      tpu.wait_dma2 semaphore(%run_scoped3A : memref<!tpu.dma_semaphore, #tpu.memory_space<semaphore_mem>>) src(%dma_wait3A_83 : memref<128x128xf32, #tpu.memory_space<vmem_shared>>) dst(%arg10 : memref<128x128xf32, #tpu.memory_space<vmem>>)
      tpu.yield
    }) : () -> ()
    %mul3A_58 = arith.constant 640 : i32
    %mul3A_59 = arith.muli %arg1, %mul3A_58 : i32
    %add3A_60 = arith.constant 256 : i32
    %add3A_61 = arith.addi %mul3A_59, %add3A_60 : i32
    "tpu.region"() ({
      %run_scoped3A = tpu.sem_alloc : memref<!tpu.dma_semaphore, #tpu.memory_space<semaphore_mem>>
      %dma_start3A = arith.constant 0 : i32
      %dma_start3A_78 = tpu.memref_slice %arg5[%arg0, %add3A_61, %dma_start3A] : memref<2x10240x128xf32, #tpu.memory_space<hbm>> -> memref<1x128x128xf32, #tpu.memory_space<hbm>>
      %dma_start3A_79 = tpu.memref_squeeze %dma_start3A_78 : memref<1x128x128xf32, #tpu.memory_space<hbm>> -> memref<128x128xf32, #tpu.memory_space<hbm>>
      %dma_start3A_80 = arith.constant 0 : i32
      %dma_start3A_81 = tpu.memref_slice %arg5[%arg0, %add3A_61, %dma_start3A_80] : memref<2x10240x128xf32, #tpu.memory_space<hbm>> -> memref<1x128x128xf32, #tpu.memory_space<hbm>>
      %dma_start3A_82 = tpu.memref_squeeze %dma_start3A_81 : memref<1x128x128xf32, #tpu.memory_space<hbm>> -> memref<128x128xf32, #tpu.memory_space<hbm>>
      tpu.enqueue_dma source(%arg10 : memref<128x128xf32, #tpu.memory_space<vmem>>) target(%dma_start3A_82 : memref<128x128xf32, #tpu.memory_space<hbm>>) target_semaphore(%run_scoped3A : memref<!tpu.dma_semaphore, #tpu.memory_space<semaphore_mem>>)
      %dma_wait3A = arith.constant 0 : i32
      %dma_wait3A_83 = tpu.memref_slice %arg5[%arg0, %add3A_61, %dma_wait3A] : memref<2x10240x128xf32, #tpu.memory_space<hbm>> -> memref<1x128x128xf32, #tpu.memory_space<hbm>>
      %dma_wait3A_84 = tpu.memref_squeeze %dma_wait3A_83 : memref<1x128x128xf32, #tpu.memory_space<hbm>> -> memref<128x128xf32, #tpu.memory_space<hbm>>
      %dma_wait3A_85 = arith.constant 0 : i32
      %dma_wait3A_86 = tpu.memref_slice %arg5[%arg0, %add3A_61, %dma_wait3A_85] : memref<2x10240x128xf32, #tpu.memory_space<hbm>> -> memref<1x128x128xf32, #tpu.memory_space<hbm>>
      %dma_wait3A_87 = tpu.memref_squeeze %dma_wait3A_86 : memref<1x128x128xf32, #tpu.memory_space<hbm>> -> memref<128x128xf32, #tpu.memory_space<hbm>>
      tpu.wait_dma2 semaphore(%run_scoped3A : memref<!tpu.dma_semaphore, #tpu.memory_space<semaphore_mem>>) src(%arg10 : memref<128x128xf32, #tpu.memory_space<vmem>>) dst(%dma_wait3A_87 : memref<128x128xf32, #tpu.memory_space<hbm>>)
      tpu.yield
    }) : () -> ()
    %mul3A_62 = arith.constant 640 : i32
    %mul3A_63 = arith.muli %arg1, %mul3A_62 : i32
    %add3A_64 = arith.constant 384 : i32
    %add3A_65 = arith.addi %mul3A_63, %add3A_64 : i32
    "tpu.region"() ({
      %run_scoped3A = tpu.sem_alloc : memref<!tpu.dma_semaphore, #tpu.memory_space<semaphore_mem>>
      %dma_start3A = arith.constant 0 : i32
      %dma_start3A_78 = tpu.memref_slice %arg12[%add3A_65, %dma_start3A] : memref<10240x128xf32, #tpu.memory_space<vmem_shared>> -> memref<128x128xf32, #tpu.memory_space<vmem_shared>>
      %dma_start3A_79 = arith.constant 0 : i32
      %dma_start3A_80 = tpu.memref_slice %arg12[%add3A_65, %dma_start3A_79] : memref<10240x128xf32, #tpu.memory_space<vmem_shared>> -> memref<128x128xf32, #tpu.memory_space<vmem_shared>>
      tpu.enqueue_dma source(%dma_start3A_80 : memref<128x128xf32, #tpu.memory_space<vmem_shared>>) target(%arg10 : memref<128x128xf32, #tpu.memory_space<vmem>>) target_semaphore(%run_scoped3A : memref<!tpu.dma_semaphore, #tpu.memory_space<semaphore_mem>>)
      %dma_wait3A = arith.constant 0 : i32
      %dma_wait3A_81 = tpu.memref_slice %arg12[%add3A_65, %dma_wait3A] : memref<10240x128xf32, #tpu.memory_space<vmem_shared>> -> memref<128x128xf32, #tpu.memory_space<vmem_shared>>
      %dma_wait3A_82 = arith.constant 0 : i32
      %dma_wait3A_83 = tpu.memref_slice %arg12[%add3A_65, %dma_wait3A_82] : memref<10240x128xf32, #tpu.memory_space<vmem_shared>> -> memref<128x128xf32, #tpu.memory_space<vmem_shared>>
      tpu.wait_dma2 semaphore(%run_scoped3A : memref<!tpu.dma_semaphore, #tpu.memory_space<semaphore_mem>>) src(%dma_wait3A_83 : memref<128x128xf32, #tpu.memory_space<vmem_shared>>) dst(%arg10 : memref<128x128xf32, #tpu.memory_space<vmem>>)
      tpu.yield
    }) : () -> ()
    %mul3A_66 = arith.constant 640 : i32
    %mul3A_67 = arith.muli %arg1, %mul3A_66 : i32
    %add3A_68 = arith.constant 384 : i32
    %add3A_69 = arith.addi %mul3A_67, %add3A_68 : i32
    "tpu.region"() ({
      %run_scoped3A = tpu.sem_alloc : memref<!tpu.dma_semaphore, #tpu.memory_space<semaphore_mem>>
      %dma_start3A = arith.constant 0 : i32
      %dma_start3A_78 = tpu.memref_slice %arg5[%arg0, %add3A_69, %dma_start3A] : memref<2x10240x128xf32, #tpu.memory_space<hbm>> -> memref<1x128x128xf32, #tpu.memory_space<hbm>>
      %dma_start3A_79 = tpu.memref_squeeze %dma_start3A_78 : memref<1x128x128xf32, #tpu.memory_space<hbm>> -> memref<128x128xf32, #tpu.memory_space<hbm>>
      %dma_start3A_80 = arith.constant 0 : i32
      %dma_start3A_81 = tpu.memref_slice %arg5[%arg0, %add3A_69, %dma_start3A_80] : memref<2x10240x128xf32, #tpu.memory_space<hbm>> -> memref<1x128x128xf32, #tpu.memory_space<hbm>>
      %dma_start3A_82 = tpu.memref_squeeze %dma_start3A_81 : memref<1x128x128xf32, #tpu.memory_space<hbm>> -> memref<128x128xf32, #tpu.memory_space<hbm>>
      tpu.enqueue_dma source(%arg10 : memref<128x128xf32, #tpu.memory_space<vmem>>) target(%dma_start3A_82 : memref<128x128xf32, #tpu.memory_space<hbm>>) target_semaphore(%run_scoped3A : memref<!tpu.dma_semaphore, #tpu.memory_space<semaphore_mem>>)
      %dma_wait3A = arith.constant 0 : i32
      %dma_wait3A_83 = tpu.memref_slice %arg5[%arg0, %add3A_69, %dma_wait3A] : memref<2x10240x128xf32, #tpu.memory_space<hbm>> -> memref<1x128x128xf32, #tpu.memory_space<hbm>>
      %dma_wait3A_84 = tpu.memref_squeeze %dma_wait3A_83 : memref<1x128x128xf32, #tpu.memory_space<hbm>> -> memref<128x128xf32, #tpu.memory_space<hbm>>
      %dma_wait3A_85 = arith.constant 0 : i32
      %dma_wait3A_86 = tpu.memref_slice %arg5[%arg0, %add3A_69, %dma_wait3A_85] : memref<2x10240x128xf32, #tpu.memory_space<hbm>> -> memref<1x128x128xf32, #tpu.memory_space<hbm>>
      %dma_wait3A_87 = tpu.memref_squeeze %dma_wait3A_86 : memref<1x128x128xf32, #tpu.memory_space<hbm>> -> memref<128x128xf32, #tpu.memory_space<hbm>>
      tpu.wait_dma2 semaphore(%run_scoped3A : memref<!tpu.dma_semaphore, #tpu.memory_space<semaphore_mem>>) src(%arg10 : memref<128x128xf32, #tpu.memory_space<vmem>>) dst(%dma_wait3A_87 : memref<128x128xf32, #tpu.memory_space<hbm>>)
      tpu.yield
    }) : () -> ()
    %mul3A_70 = arith.constant 640 : i32
    %mul3A_71 = arith.muli %arg1, %mul3A_70 : i32
    %add3A_72 = arith.constant 512 : i32
    %add3A_73 = arith.addi %mul3A_71, %add3A_72 : i32
    "tpu.region"() ({
      %run_scoped3A = tpu.sem_alloc : memref<!tpu.dma_semaphore, #tpu.memory_space<semaphore_mem>>
      %dma_start3A = arith.constant 0 : i32
      %dma_start3A_78 = tpu.memref_slice %arg12[%add3A_73, %dma_start3A] : memref<10240x128xf32, #tpu.memory_space<vmem_shared>> -> memref<128x128xf32, #tpu.memory_space<vmem_shared>>
      %dma_start3A_79 = arith.constant 0 : i32
      %dma_start3A_80 = tpu.memref_slice %arg12[%add3A_73, %dma_start3A_79] : memref<10240x128xf32, #tpu.memory_space<vmem_shared>> -> memref<128x128xf32, #tpu.memory_space<vmem_shared>>
      tpu.enqueue_dma source(%dma_start3A_80 : memref<128x128xf32, #tpu.memory_space<vmem_shared>>) target(%arg10 : memref<128x128xf32, #tpu.memory_space<vmem>>) target_semaphore(%run_scoped3A : memref<!tpu.dma_semaphore, #tpu.memory_space<semaphore_mem>>)
      %dma_wait3A = arith.constant 0 : i32
      %dma_wait3A_81 = tpu.memref_slice %arg12[%add3A_73, %dma_wait3A] : memref<10240x128xf32, #tpu.memory_space<vmem_shared>> -> memref<128x128xf32, #tpu.memory_space<vmem_shared>>
      %dma_wait3A_82 = arith.constant 0 : i32
      %dma_wait3A_83 = tpu.memref_slice %arg12[%add3A_73, %dma_wait3A_82] : memref<10240x128xf32, #tpu.memory_space<vmem_shared>> -> memref<128x128xf32, #tpu.memory_space<vmem_shared>>
      tpu.wait_dma2 semaphore(%run_scoped3A : memref<!tpu.dma_semaphore, #tpu.memory_space<semaphore_mem>>) src(%dma_wait3A_83 : memref<128x128xf32, #tpu.memory_space<vmem_shared>>) dst(%arg10 : memref<128x128xf32, #tpu.memory_space<vmem>>)
      tpu.yield
    }) : () -> ()
    %mul3A_74 = arith.constant 640 : i32
    %mul3A_75 = arith.muli %arg1, %mul3A_74 : i32
    %add3A_76 = arith.constant 512 : i32
    %add3A_77 = arith.addi %mul3A_75, %add3A_76 : i32
    "tpu.region"() ({
      %run_scoped3A = tpu.sem_alloc : memref<!tpu.dma_semaphore, #tpu.memory_space<semaphore_mem>>
      %dma_start3A = arith.constant 0 : i32
      %dma_start3A_78 = tpu.memref_slice %arg5[%arg0, %add3A_77, %dma_start3A] : memref<2x10240x128xf32, #tpu.memory_space<hbm>> -> memref<1x128x128xf32, #tpu.memory_space<hbm>>
      %dma_start3A_79 = tpu.memref_squeeze %dma_start3A_78 : memref<1x128x128xf32, #tpu.memory_space<hbm>> -> memref<128x128xf32, #tpu.memory_space<hbm>>
      %dma_start3A_80 = arith.constant 0 : i32
      %dma_start3A_81 = tpu.memref_slice %arg5[%arg0, %add3A_77, %dma_start3A_80] : memref<2x10240x128xf32, #tpu.memory_space<hbm>> -> memref<1x128x128xf32, #tpu.memory_space<hbm>>
      %dma_start3A_82 = tpu.memref_squeeze %dma_start3A_81 : memref<1x128x128xf32, #tpu.memory_space<hbm>> -> memref<128x128xf32, #tpu.memory_space<hbm>>
      tpu.enqueue_dma source(%arg10 : memref<128x128xf32, #tpu.memory_space<vmem>>) target(%dma_start3A_82 : memref<128x128xf32, #tpu.memory_space<hbm>>) target_semaphore(%run_scoped3A : memref<!tpu.dma_semaphore, #tpu.memory_space<semaphore_mem>>)
      %dma_wait3A = arith.constant 0 : i32
      %dma_wait3A_83 = tpu.memref_slice %arg5[%arg0, %add3A_77, %dma_wait3A] : memref<2x10240x128xf32, #tpu.memory_space<hbm>> -> memref<1x128x128xf32, #tpu.memory_space<hbm>>
      %dma_wait3A_84 = tpu.memref_squeeze %dma_wait3A_83 : memref<1x128x128xf32, #tpu.memory_space<hbm>> -> memref<128x128xf32, #tpu.memory_space<hbm>>
      %dma_wait3A_85 = arith.constant 0 : i32
      %dma_wait3A_86 = tpu.memref_slice %arg5[%arg0, %add3A_77, %dma_wait3A_85] : memref<2x10240x128xf32, #tpu.memory_space<hbm>> -> memref<1x128x128xf32, #tpu.memory_space<hbm>>
      %dma_wait3A_87 = tpu.memref_squeeze %dma_wait3A_86 : memref<1x128x128xf32, #tpu.memory_space<hbm>> -> memref<128x128xf32, #tpu.memory_space<hbm>>
      tpu.wait_dma2 semaphore(%run_scoped3A : memref<!tpu.dma_semaphore, #tpu.memory_space<semaphore_mem>>) src(%arg10 : memref<128x128xf32, #tpu.memory_space<vmem>>) dst(%dma_wait3A_87 : memref<128x128xf32, #tpu.memory_space<hbm>>)
      tpu.yield
    }) : () -> ()
    return
  }
}

module attributes {stable_mosaic.version = 14 : i64} {
  func.func @_dinv_body(%arg0: memref<20480xf32, #tpu.memory_space<vmem>>, %arg1: memref<10240xf32, #tpu.memory_space<vmem>>) attributes {dimension_semantics = [], scalar_prefetch = 0 : i64, scratch_operands = 0 : i64, tpu.core_type = #tpu.core_type<tc>} {
    %get3A = arith.constant 0 : index
    %get3A_0 = vector.load %arg0[%get3A] : memref<20480xf32, #tpu.memory_space<vmem>>, vector<10240xf32>
    %get3A_1 = arith.constant 10240 : index
    %get3A_2 = vector.load %arg0[%get3A_1] : memref<20480xf32, #tpu.memory_space<vmem>>, vector<10240xf32>
    %add3A = arith.addf %get3A_0, %get3A_2 : vector<10240xf32>
    %add3A_3 = arith.constant 1.000000e+00 : f32
    %add3A_4 = vector.broadcast %add3A_3 : f32 to vector<10240xf32>
    %add3A_5 = arith.addf %add3A, %add3A_4 : vector<10240xf32>
    %rsqrt3A = math.rsqrt %add3A_5 : vector<10240xf32>
    %swap3A = arith.constant 0 : index
    %swap3A_6 = vector.load %arg1[%swap3A] : memref<10240xf32, #tpu.memory_space<vmem>>, vector<10240xf32>
    tpu.vector_store %arg1[%swap3A], %rsqrt3A {strides = array<i32>} : memref<10240xf32, #tpu.memory_space<vmem>>, vector<10240xf32>,
    return
  }
}

module attributes {stable_mosaic.version = 14 : i64} {
  func.func @_l1_body(%arg0: i32, %arg1: memref<1000x128xf32, #tpu.memory_space<vmem>>, %arg2: memref<128x128xf32, #tpu.memory_space<vmem>>, %arg3: memref<1000x1xf32, #tpu.memory_space<vmem>>, %arg4: memref<1000x128xf32, #tpu.memory_space<vmem>>) attributes {dimension_semantics = [#tpu.dimension_semantics<arbitrary>], iteration_bounds = array<i64: 10>, scalar_prefetch = 0 : i64, scratch_operands = 0 : i64, tpu.core_type = #tpu.core_type<tc>, window_params = [{transform_indices = @transform_0, window_bounds = array<i64: 1000, 128>}, {pipeline_mode = #tpu.pipeline_mode<synchronous>, transform_indices = @transform_1, window_bounds = array<i64: 128, 128>}, {transform_indices = @transform_2, window_bounds = array<i64: 1000, 1>}, {transform_indices = @transform_3, window_bounds = array<i64: 1000, 128>}]} {
    %get3A = arith.constant 0 : index
    %get3A_0 = arith.constant 0 : index
    %get3A_1 = vector.load %arg1[%get3A, %get3A_0] : memref<1000x128xf32, #tpu.memory_space<vmem>>, vector<1000x128xf32>
    %get3A_2 = arith.constant 0 : index
    %get3A_3 = arith.constant 0 : index
    %get3A_4 = vector.load %arg2[%get3A_2, %get3A_3] : memref<128x128xf32, #tpu.memory_space<vmem>>, vector<128x128xf32>
    %dot_general3A = arith.constant dense<0.000000e+00> : vector<1000x128xf32>
    %dot_general3A_5 = tpu.matmul %get3A_1, %get3A_4, %dot_general3A {dimension_numbers = #tpu.dot_dimension_numbers<[1], [0], [0], [1], [0, 0, 1, 1], [], []>, transpose_lhs_hint = false} : vector<1000x128xf32>, vector<128x128xf32>, vector<1000x128xf32> -> vector<1000x128xf32>
    %get3A_6 = arith.constant 0 : index
    %get3A_7 = arith.constant 0 : index
    %get3A_8 = vector.load %arg3[%get3A_6, %get3A_7] : memref<1000x1xf32, #tpu.memory_space<vmem>>, vector<1000x1xf32>
    %mul3A = vector.broadcast %get3A_8 : vector<1000x1xf32> to vector<1000x128xf32>
    %mul3A_9 = arith.mulf %dot_general3A_5, %mul3A : vector<1000x128xf32>
    %swap3A = arith.constant 0 : index
    %swap3A_10 = arith.constant 0 : index
    %swap3A_11 = vector.load %arg4[%swap3A, %swap3A_10] : memref<1000x128xf32, #tpu.memory_space<vmem>>, vector<1000x128xf32>
    tpu.vector_store %arg4[%swap3A, %swap3A_10], %mul3A_9 {strides = array<i32>} : memref<1000x128xf32, #tpu.memory_space<vmem>>, vector<1000x128xf32>,
    return
  }
  func.func @transform_0(%arg0: i32) -> (i32, i32) {
    %c0_i32 = arith.constant 0 : i32
    %c0_i32_0 = arith.constant 0 : i32
    return %arg0, %c0_i32 : i32, i32
  }
  func.func @transform_1(%arg0: i32) -> (i32, i32) {
    %c0_i32 = arith.constant 0 : i32
    %c0_i32_0 = arith.constant 0 : i32
    %c0_i32_1 = arith.constant 0 : i32
    return %c0_i32, %c0_i32_0 : i32, i32
  }
  func.func @transform_2(%arg0: i32) -> (i32, i32) {
    %c0_i32 = arith.constant 0 : i32
    %c0_i32_0 = arith.constant 0 : i32
    return %arg0, %c0_i32 : i32, i32
  }
  func.func @transform_3(%arg0: i32) -> (i32, i32) {
    %c0_i32 = arith.constant 0 : i32
    %c0_i32_0 = arith.constant 0 : i32
    return %arg0, %c0_i32 : i32, i32
  }
}

module attributes {stable_mosaic.version = 14 : i64} {
  func.func @_l2_body(%arg0: i32, %arg1: memref<2x1000x128xf32, #tpu.memory_space<vmem>>, %arg2: memref<1000x128xf32, #tpu.memory_space<vmem>>, %arg3: memref<1000x1xf32, #tpu.memory_space<vmem>>, %arg4: memref<1x128xf32, #tpu.memory_space<vmem>>, %arg5: memref<128x128xf32, #tpu.memory_space<vmem>>, %arg6: memref<1000x128xf32, #tpu.memory_space<vmem>>) attributes {dimension_semantics = [#tpu.dimension_semantics<arbitrary>], iteration_bounds = array<i64: 10>, scalar_prefetch = 0 : i64, scratch_operands = 0 : i64, tpu.core_type = #tpu.core_type<tc>, window_params = [{transform_indices = @transform_0, window_bounds = array<i64: 2, 1000, 128>}, {transform_indices = @transform_1, window_bounds = array<i64: 1000, 128>}, {transform_indices = @transform_2, window_bounds = array<i64: 1000, 1>}, {pipeline_mode = #tpu.pipeline_mode<synchronous>, transform_indices = @transform_3, window_bounds = array<i64: 1, 128>}, {pipeline_mode = #tpu.pipeline_mode<synchronous>, transform_indices = @transform_4, window_bounds = array<i64: 128, 128>}, {transform_indices = @transform_5, window_bounds = array<i64: 1000, 128>}]} {
    %get3A = arith.constant 0 : index
    %get3A_0 = arith.constant 0 : index
    %get3A_1 = arith.constant 0 : index
    %get3A_2 = vector.load %arg1[%get3A, %get3A_0, %get3A_1] : memref<2x1000x128xf32, #tpu.memory_space<vmem>>, vector<1x1000x128xf32>
    %get3A_3 = vector.shape_cast %get3A_2 : vector<1x1000x128xf32> to vector<1000x128xf32>
    %get3A_4 = arith.constant 1 : index
    %get3A_5 = arith.constant 0 : index
    %get3A_6 = arith.constant 0 : index
    %get3A_7 = vector.load %arg1[%get3A_4, %get3A_5, %get3A_6] : memref<2x1000x128xf32, #tpu.memory_space<vmem>>, vector<1x1000x128xf32>
    %get3A_8 = vector.shape_cast %get3A_7 : vector<1x1000x128xf32> to vector<1000x128xf32>
    %add3A = arith.addf %get3A_3, %get3A_8 : vector<1000x128xf32>
    %get3A_9 = arith.constant 0 : index
    %get3A_10 = arith.constant 0 : index
    %get3A_11 = vector.load %arg2[%get3A_9, %get3A_10] : memref<1000x128xf32, #tpu.memory_space<vmem>>, vector<1000x128xf32>
    %add3A_12 = arith.addf %add3A, %get3A_11 : vector<1000x128xf32>
    %get3A_13 = arith.constant 0 : index
    %get3A_14 = arith.constant 0 : index
    %get3A_15 = vector.load %arg3[%get3A_13, %get3A_14] : memref<1000x1xf32, #tpu.memory_space<vmem>>, vector<1000x1xf32>
    %mul3A = vector.broadcast %get3A_15 : vector<1000x1xf32> to vector<1000x128xf32>
    %mul3A_16 = arith.mulf %add3A_12, %mul3A : vector<1000x128xf32>
    %get3A_17 = arith.constant 0 : index
    %get3A_18 = arith.constant 0 : index
    %get3A_19 = vector.load %arg4[%get3A_17, %get3A_18] : memref<1x128xf32, #tpu.memory_space<vmem>>, vector<1x128xf32>
    %add3A_20 = vector.broadcast %get3A_19 : vector<1x128xf32> to vector<1000x128xf32>
    %add3A_21 = arith.addf %mul3A_16, %add3A_20 : vector<1000x128xf32>
    %max3A = arith.constant 0.000000e+00 : f32
    %max3A_22 = vector.broadcast %max3A : f32 to vector<1000x128xf32>
    %max3A_23 = arith.maximumf %add3A_21, %max3A_22 : vector<1000x128xf32>
    %get3A_24 = arith.constant 0 : index
    %get3A_25 = arith.constant 0 : index
    %get3A_26 = vector.load %arg5[%get3A_24, %get3A_25] : memref<128x128xf32, #tpu.memory_space<vmem>>, vector<128x128xf32>
    %dot_general3A = arith.constant dense<0.000000e+00> : vector<1000x128xf32>
    %dot_general3A_27 = tpu.matmul %max3A_23, %get3A_26, %dot_general3A {dimension_numbers = #tpu.dot_dimension_numbers<[1], [0], [0], [1], [0, 0, 1, 1], [], []>, transpose_lhs_hint = false} : vector<1000x128xf32>, vector<128x128xf32>, vector<1000x128xf32> -> vector<1000x128xf32>
    %get3A_28 = arith.constant 0 : index
    %get3A_29 = arith.constant 0 : index
    %get3A_30 = vector.load %arg3[%get3A_28, %get3A_29] : memref<1000x1xf32, #tpu.memory_space<vmem>>, vector<1000x1xf32>
    %mul3A_31 = vector.broadcast %get3A_30 : vector<1000x1xf32> to vector<1000x128xf32>
    %mul3A_32 = arith.mulf %dot_general3A_27, %mul3A_31 : vector<1000x128xf32>
    %swap3A = arith.constant 0 : index
    %swap3A_33 = arith.constant 0 : index
    %swap3A_34 = vector.load %arg6[%swap3A, %swap3A_33] : memref<1000x128xf32, #tpu.memory_space<vmem>>, vector<1000x128xf32>
    tpu.vector_store %arg6[%swap3A, %swap3A_33], %mul3A_32 {strides = array<i32>} : memref<1000x128xf32, #tpu.memory_space<vmem>>, vector<1000x128xf32>,
    return
  }
  func.func @transform_0(%arg0: i32) -> (i32, i32, i32) {
    %c0_i32 = arith.constant 0 : i32
    %c0_i32_0 = arith.constant 0 : i32
    %c0_i32_1 = arith.constant 0 : i32
    return %c0_i32, %arg0, %c0_i32_0 : i32, i32, i32
  }
  func.func @transform_1(%arg0: i32) -> (i32, i32) {
    %c0_i32 = arith.constant 0 : i32
    %c0_i32_0 = arith.constant 0 : i32
    return %arg0, %c0_i32 : i32, i32
  }
  func.func @transform_2(%arg0: i32) -> (i32, i32) {
    %c0_i32 = arith.constant 0 : i32
    %c0_i32_0 = arith.constant 0 : i32
    return %arg0, %c0_i32 : i32, i32
  }
  func.func @transform_3(%arg0: i32) -> (i32, i32) {
    %c0_i32 = arith.constant 0 : i32
    %c0_i32_0 = arith.constant 0 : i32
    %c0_i32_1 = arith.constant 0 : i32
    return %c0_i32, %c0_i32_0 : i32, i32
  }
  func.func @transform_4(%arg0: i32) -> (i32, i32) {
    %c0_i32 = arith.constant 0 : i32
    %c0_i32_0 = arith.constant 0 : i32
    %c0_i32_1 = arith.constant 0 : i32
    return %c0_i32, %c0_i32_0 : i32, i32
  }
  func.func @transform_5(%arg0: i32) -> (i32, i32) {
    %c0_i32 = arith.constant 0 : i32
    %c0_i32_0 = arith.constant 0 : i32
    return %arg0, %c0_i32 : i32, i32
  }
}

module attributes {stable_mosaic.version = 14 : i64} {
  func.func @_head_body(%arg0: i32, %arg1: memref<2x1000x128xf32, #tpu.memory_space<vmem>>, %arg2: memref<1000x128xf32, #tpu.memory_space<vmem>>, %arg3: memref<1000x1xf32, #tpu.memory_space<vmem>>, %arg4: memref<1x128xf32, #tpu.memory_space<vmem>>, %arg5: memref<128x16xf32, #tpu.memory_space<vmem>>, %arg6: memref<1x16xf32, #tpu.memory_space<vmem>>, %arg7: memref<1000x16xf32, #tpu.memory_space<vmem>>) attributes {dimension_semantics = [#tpu.dimension_semantics<arbitrary>], iteration_bounds = array<i64: 10>, scalar_prefetch = 0 : i64, scratch_operands = 0 : i64, tpu.core_type = #tpu.core_type<tc>, window_params = [{transform_indices = @transform_0, window_bounds = array<i64: 2, 1000, 128>}, {transform_indices = @transform_1, window_bounds = array<i64: 1000, 128>}, {transform_indices = @transform_2, window_bounds = array<i64: 1000, 1>}, {pipeline_mode = #tpu.pipeline_mode<synchronous>, transform_indices = @transform_3, window_bounds = array<i64: 1, 128>}, {pipeline_mode = #tpu.pipeline_mode<synchronous>, transform_indices = @transform_4, window_bounds = array<i64: 128, 16>}, {pipeline_mode = #tpu.pipeline_mode<synchronous>, transform_indices = @transform_5, window_bounds = array<i64: 1, 16>}, {transform_indices = @transform_6, window_bounds = array<i64: 1000, 16>}]} {
    %get3A = arith.constant 0 : index
    %get3A_0 = arith.constant 0 : index
    %get3A_1 = arith.constant 0 : index
    %get3A_2 = vector.load %arg1[%get3A, %get3A_0, %get3A_1] : memref<2x1000x128xf32, #tpu.memory_space<vmem>>, vector<1x1000x128xf32>
    %get3A_3 = vector.shape_cast %get3A_2 : vector<1x1000x128xf32> to vector<1000x128xf32>
    %get3A_4 = arith.constant 1 : index
    %get3A_5 = arith.constant 0 : index
    %get3A_6 = arith.constant 0 : index
    %get3A_7 = vector.load %arg1[%get3A_4, %get3A_5, %get3A_6] : memref<2x1000x128xf32, #tpu.memory_space<vmem>>, vector<1x1000x128xf32>
    %get3A_8 = vector.shape_cast %get3A_7 : vector<1x1000x128xf32> to vector<1000x128xf32>
    %add3A = arith.addf %get3A_3, %get3A_8 : vector<1000x128xf32>
    %get3A_9 = arith.constant 0 : index
    %get3A_10 = arith.constant 0 : index
    %get3A_11 = vector.load %arg2[%get3A_9, %get3A_10] : memref<1000x128xf32, #tpu.memory_space<vmem>>, vector<1000x128xf32>
    %add3A_12 = arith.addf %add3A, %get3A_11 : vector<1000x128xf32>
    %get3A_13 = arith.constant 0 : index
    %get3A_14 = arith.constant 0 : index
    %get3A_15 = vector.load %arg3[%get3A_13, %get3A_14] : memref<1000x1xf32, #tpu.memory_space<vmem>>, vector<1000x1xf32>
    %mul3A = vector.broadcast %get3A_15 : vector<1000x1xf32> to vector<1000x128xf32>
    %mul3A_16 = arith.mulf %add3A_12, %mul3A : vector<1000x128xf32>
    %get3A_17 = arith.constant 0 : index
    %get3A_18 = arith.constant 0 : index
    %get3A_19 = vector.load %arg4[%get3A_17, %get3A_18] : memref<1x128xf32, #tpu.memory_space<vmem>>, vector<1x128xf32>
    %add3A_20 = vector.broadcast %get3A_19 : vector<1x128xf32> to vector<1000x128xf32>
    %add3A_21 = arith.addf %mul3A_16, %add3A_20 : vector<1000x128xf32>
    %max3A = arith.constant 0.000000e+00 : f32
    %max3A_22 = vector.broadcast %max3A : f32 to vector<1000x128xf32>
    %max3A_23 = arith.maximumf %add3A_21, %max3A_22 : vector<1000x128xf32>
    %get3A_24 = arith.constant 0 : index
    %get3A_25 = arith.constant 0 : index
    %get3A_26 = vector.load %arg5[%get3A_24, %get3A_25] : memref<128x16xf32, #tpu.memory_space<vmem>>, vector<128x16xf32>
    %dot_general3A = arith.constant dense<0.000000e+00> : vector<1000x16xf32>
    %dot_general3A_27 = tpu.matmul %max3A_23, %get3A_26, %dot_general3A {dimension_numbers = #tpu.dot_dimension_numbers<[1], [0], [0], [1], [0, 0, 1, 1], [], []>, transpose_lhs_hint = false} : vector<1000x128xf32>, vector<128x16xf32>, vector<1000x16xf32> -> vector<1000x16xf32>
    %get3A_28 = arith.constant 0 : index
    %get3A_29 = arith.constant 0 : index
    %get3A_30 = vector.load %arg6[%get3A_28, %get3A_29] : memref<1x16xf32, #tpu.memory_space<vmem>>, vector<1x16xf32>
    %add3A_31 = vector.broadcast %get3A_30 : vector<1x16xf32> to vector<1000x16xf32>
    %add3A_32 = arith.addf %dot_general3A_27, %add3A_31 : vector<1000x16xf32>
    %swap3A = arith.constant 0 : index
    %swap3A_33 = arith.constant 0 : index
    %swap3A_34 = vector.load %arg7[%swap3A, %swap3A_33] : memref<1000x16xf32, #tpu.memory_space<vmem>>, vector<1000x16xf32>
    tpu.vector_store %arg7[%swap3A, %swap3A_33], %add3A_32 {strides = array<i32>} : memref<1000x16xf32, #tpu.memory_space<vmem>>, vector<1000x16xf32>,
    return
  }
  func.func @transform_0(%arg0: i32) -> (i32, i32, i32) {
    %c0_i32 = arith.constant 0 : i32
    %c0_i32_0 = arith.constant 0 : i32
    %c0_i32_1 = arith.constant 0 : i32
    return %c0_i32, %arg0, %c0_i32_0 : i32, i32, i32
  }
  func.func @transform_1(%arg0: i32) -> (i32, i32) {
    %c0_i32 = arith.constant 0 : i32
    %c0_i32_0 = arith.constant 0 : i32
    return %arg0, %c0_i32 : i32, i32
  }
  func.func @transform_2(%arg0: i32) -> (i32, i32) {
    %c0_i32 = arith.constant 0 : i32
    %c0_i32_0 = arith.constant 0 : i32
    return %arg0, %c0_i32 : i32, i32
  }
  func.func @transform_3(%arg0: i32) -> (i32, i32) {
    %c0_i32 = arith.constant 0 : i32
    %c0_i32_0 = arith.constant 0 : i32
    %c0_i32_1 = arith.constant 0 : i32
    return %c0_i32, %c0_i32_0 : i32, i32
  }
  func.func @transform_4(%arg0: i32) -> (i32, i32) {
    %c0_i32 = arith.constant 0 : i32
    %c0_i32_0 = arith.constant 0 : i32
    %c0_i32_1 = arith.constant 0 : i32
    return %c0_i32, %c0_i32_0 : i32, i32
  }
  func.func @transform_5(%arg0: i32) -> (i32, i32) {
    %c0_i32 = arith.constant 0 : i32
    %c0_i32_0 = arith.constant 0 : i32
    %c0_i32_1 = arith.constant 0 : i32
    return %c0_i32, %c0_i32_0 : i32, i32
  }
  func.func @transform_6(%arg0: i32) -> (i32, i32) {
    %c0_i32 = arith.constant 0 : i32
    %c0_i32_0 = arith.constant 0 : i32
    return %arg0, %c0_i32 : i32, i32
  }
}

</mosaic_0001>

<sc_bundles>
// kernel: kernel.12.cloned.1.call-start
scs
__scs_entry_jumppad:
0x0: {  	(pc) =	sbr.rel $0x88, $3  }
0x1: {  	(tag) =	ssettag $0x0;
	lr =	simm.s32 $0x1  }
0x2: {  	[smem:$0x3F99] =	sst lr;
	_ =	strace $0xD0000000  }
0x3: {  	_ = 	snop  }
0x4: {  	_ = 	snop  }
0x5: {  	_ = 	snop  }
0x6: {  	_ = 	snop  }
0x7: {  	_ = 	snop  }
__scs_overlays_trampoline_lowered:
0x8: {  	[smem:$0x3FA8] =	sst s0  }
0x9: {  	[smem:$0x3FA9] =	sst s1  }
0xa: {  	[smem:$0x3FAA] =	sst s2  }
0xb: {  	[smem:$0x3FAB] =	sst s3  }
0xc: {  	[smem:$0x3FAC] =	sst s4  }
0xd: {  	[smem:$0x3FAD] =	sst s5  }
0xe: {  	[smem:$0x3FAE] =	sst s6  }
0xf: {  	[smem:$0x3FAF] =	sst s7  }
0x10: {  	[smem:$0x3FB0] =	sst s8  }
0x11: {  	[smem:$0x3FB1] =	sst s9;
	s0 =	simm.s32 @!p0 $0x0  }
0x12: {  	s1 =	sld [smem:$0x3F97];
	s0 =	simm.s32 @p0 $0x1  }
0x13: {  	[smem:$0x3FB2] =	sst s0;
	s0 =	simm.s32 @!p1 $0x0  }
0x14: {  	s2 =	sld [smem:$0x3F96];
	s0 =	simm.s32 @p1 $0x1  }
0x15: {  	[smem:$0x3FB3] =	sst s0;
	s0 =	simm.s32 @!p2 $0x0  }
0x16: {  	s3 =	sld [smem:$0x3FDB];
	s0 =	simm.s32 @p2 $0x1  }
0x17: {  	s4 =	simm.s32 $0x1BF5;
	[smem:$0x3FB5] =	sst s0  }
0x18: {  	s0 =	sld [smem:$0x3F98];
	_ =	swait.ge [sflag:s4], $0x0  }
0x19: {  	s7 =	sld [smem:$0x3F99]  }
0x1a: {  	s8 =	sadd.s32 $0xFFFFE003, lr  }
0x1b: {  	s9 =	sadd.s32 $0xFFFFFEF7, lr;
	s5 =	simm.s32 $0xFFFFFFFF;
	p2 =	slt.u32 s8, $0xFFFFF086  }
0x1c: {  	p1 =	slt.u32 s9, $0xF7A;
	s5 =	simm.s32 @!p2 $0x0  }
0x1d: {  	s5 =	simm.s32 @p1 $0x1;
	p0 =	seq.s32 s7, s2  }
0x1e: {  	s7 =	smul.u32 @!p0 $0xF7A, s2;
	p2 =	seq.s32 @!p0 s5, $0x0  }
0x1f: {  	s9 =	smul.u32 $0xF7A, s1;
	s8 =	simm.s32 @!p0 $0x1BF5;
	p2 =	por !p2, p0  }
0x20: {  	[sflag:s8] =	ssyncset.s32 @!p0 $0xFFFFF086;
	s6 =	sadd.s32 @!p0 s3, s7;
	s7 =	simm.s32 @!p0 $0x108  }
0x21: {  	s3 =	sadd.s32 s3, s9;
	s6 =	sadd.s32 @!p0 $0x88, s6;
	s7 =	simm.s32 @p2 $0x1082  }
0x22: {  	[simem:s7], [sflag:s8] =	dma.local @!p0 [hbm:s6], $0xF7A  }
0x23: {  	s9 =	sor.u32 $0xD0000000, s2;
	s6 =	simm.s32 $0x108;
	_ =	swait.ge @!p0 [sflag:s8], $0x0  }
0x24: {  	s3 =	sadd.s32 $0x88, s3;
	s6 =	simm.s32 @!p1 $0x1082;
	[sflag:s4] =	ssyncset.s32 $0xFFFFF086  }
0x25: {  	[simem:s6], [sflag:s4] =	dma.local [hbm:s3], $0xF7A  }
0x26: {  	[smem:$0x3F99] =	sst s1;
	(tag) =	ssettag s2;
	_ =	strace s9  }
0x27: {  	s1 =	sld [smem:$0x3FA9]  }
0x28: {  	s2 =	sld [smem:$0x3FAA]  }
0x29: {  	s4 =	sld [smem:$0x3FAC]  }
0x2a: {  	p0 =	seq.s32 s5, $0x0;
	s5 =	sld [smem:$0x3FAD]  }
0x2b: {  	s6 =	sld [smem:$0x3FAE]  }
0x2c: {  	s7 =	sld [smem:$0x3FAF]  }
0x2d: {  	s3 =	simm.s32 $0x108;
	s8 =	sld [smem:$0x3FB0]  }
0x2e: {  	s3 =	simm.s32 @!p0 $0x1082;
	s9 =	sld [smem:$0x3FB1]  }
0x2f: {  	lr =	sadd.s32 s0, s3;
	s0 =	sld [smem:$0x3FA8]  }
0x30: {  	s3 =	sld [smem:$0x3FAB]  }
0x31: {  	[smem:$0x3FB4] =	sst s10  }
0x32: {  	s10 =	sld [smem:$0x3FB2];
	_ =	sdelay $0x3  }
0x33: {  	p0 =	seq.s32 s10, $0x1;
	s10 =	sld [smem:$0x3FB4];
	_ =	sdelay $0x3  }
0x34: {  	[smem:$0x3FB4] =	sst s10  }
0x35: {  	s10 =	sld [smem:$0x3FB3];
	_ =	sdelay $0x3  }
0x36: {  	p1 =	seq.s32 s10, $0x1;
	s10 =	sld [smem:$0x3FB4];
	_ =	sdelay $0x3  }
0x37: {  	[smem:$0x3FB4] =	sst s10  }
0x38: {  	s10 =	sld [smem:$0x3FB5]  }
0x39: {  	_ = 	snop;
	(pc) =	sbr.ind lr, $3  }
0x3a: {  	_ = 	snop  }
0x3b: {  	_ = 	snop  }
0x3c: {  	p2 =	seq.s32 s10, $0x1;
	s10 =	sld [smem:$0x3FB4]  }
0x3d: {  	_ =	shalt  }
0x3e: {  	_ =	shalt  }
0x3f: {  	_ =	shalt  }
0x40: {  	_ =	shalt  }
0x41: {  	_ =	shalt  }
0x42: {  	_ =	shalt  }
0x43: {  	_ =	shalt  }
0x44: {  	_ =	shalt  }
0x45: {  	_ =	shalt  }
0x46: {  	_ =	shalt  }
0x47: {  	_ =	shalt  }
0x48: {  	_ =	shalt  }
0x49: {  	_ =	shalt  }
0x4a: {  	_ =	shalt  }
0x4b: {  	_ =	shalt  }
0x4c: {  	_ =	shalt  }
0x4d: {  	_ =	shalt  }
0x4e: {  	_ =	shalt  }
0x4f: {  	_ =	shalt  }
0x50: {  	_ =	shalt  }
0x51: {  	_ =	shalt  }
0x52: {  	_ =	shalt  }
0x53: {  	_ =	shalt  }
0x54: {  	_ =	shalt  }
0x55: {  	_ =	shalt  }
0x56: {  	_ =	shalt  }
0x57: {  	_ =	shalt  }
0x58: {  	_ =	shalt  }
0x59: {  	_ =	shalt  }
0x5a: {  	_ =	shalt  }
0x5b: {  	_ =	shalt  }
0x5c: {  	_ =	shalt  }
0x5d: {  	_ =	shalt  }
0x5e: {  	_ =	shalt  }
0x5f: {  	_ =	shalt  }
0x60: {  	_ =	shalt  }
0x61: {  	_ =	shalt  }
0x62: {  	_ =	shalt  }
0x63: {  	_ =	shalt  }
0x64: {  	_ =	shalt  }
0x65: {  	_ =	shalt  }
0x66: {  	_ =	shalt  }
0x67: {  	_ =	shalt  }
0x68: {  	_ =	shalt  }
0x69: {  	_ =	shalt  }
0x6a: {  	_ =	shalt  }
0x6b: {  	_ =	shalt  }
0x6c: {  	_ =	shalt  }
0x6d: {  	_ =	shalt  }
0x6e: {  	_ =	shalt  }
0x6f: {  	_ =	shalt  }
0x70: {  	_ =	shalt  }
0x71: {  	_ =	shalt  }
0x72: {  	_ =	shalt  }
0x73: {  	_ =	shalt  }
0x74: {  	_ =	shalt  }
0x75: {  	_ =	shalt  }
0x76: {  	_ =	shalt  }
0x77: {  	_ =	shalt  }
0x78: {  	_ =	shalt  }
0x79: {  	_ =	shalt  }
0x7a: {  	_ =	shalt  }
0x7b: {  	_ =	shalt  }
0x7c: {  	_ =	shalt  }
0x7d: {  	_ =	shalt  }
0x7e: {  	_ =	shalt  }
0x7f: {  	_ =	shalt  }
0x80: {  	_ =	shalt  }
0x81: {  	_ =	shalt  }
0x82: {  	_ =	shalt  }
0x83: {  	_ =	shalt  }
0x84: {  	_ =	shalt  }
0x85: {  	_ =	shalt  }
0x86: {  	_ =	shalt  }
0x87: {  	_ =	shalt  }
.Lfunc_end0:
.L_simem_size_0:
called_computation.1_lowered:
.L_overlay_start_0:
0x88: {  	s2 =	sld [smem:$0x3FD9]  }
0x89: {  	s3 =	sld [smem:$0x3FFE];
	_ =	sdelay $0x1  }
0x8a: {  	s1 =	srdreg.scid  }
0x8b: {  	s0 =	sand.u32 $0x1, s1  }
0x8c: {  	s16 =	sshll.u32 s0, $0xA;
	s2 =	sadd.s32 s3, s2  }
0x8d: {  	s2 =	sadd.s32 s2, s16  }
0x8e: {  	[smem:$0x3FC0] =	sst s2  }
0x8f: {  	_ = 	snop  }
0x90: {  	(tm) =	ssettm $0x1  }
0x91: {  	s17 =	sld [smem:$0x3FFB];
	_ =	sdelay $0x3  }
0x92: {  	_ =	strace s17  }
0x93: {  	s2 =	sld [smem:$0x3FFC];
	_ =	sdelay $0x3  }
0x94: {  	_ =	strace s2  }
0x95: {  	s2 =	sld [smem:$0x3FFD];
	_ =	sdelay $0x3  }
0x96: {  	_ =	strace s2  }
0x97: {  	_ =	strace $0x8FFFFFFF  }
0x98: {  	s18 =	sld [smem:$0x3FDB];
	_ =	sdelay $0x1  }
0x99: {  	s19 =	simm.s32 $_scs_section_size  }
0x9a: {  	s4 =	simm.s32 $_size__tile_overlayer_lowered;
	s5 =	simm.s32 $_tile_overlayer_lowered  }
0x9b: {  	s22 =	simm.s32 $0x1BFF;
	s21 =	sshll.u32 s5, $0x1;
	s2 =	sadd.s32 s19, s18  }
0x9c: {  	s6 =	simm.s32 $0x0;
	s20 =	sshll.u32 s4, $0x1;
	s4 =	sadd.s32 s21, s2  }
0x9d: {  	[timem:s6], [sflag:s22] =	dma.local [hbm:s4], s20  }
0x9e: {  	_ =	swait.ge [sflag:s22], s20  }
0x9f: {  	s3 =	ssub.s32 $0x0, s20;
	[sflag:s22] =	ssyncset.done $0x0  }
0xa0: {  	[sflag:s22] =	ssyncadd.s32 s3;
	_ =	sdelay $0x1  }
0xa1: {  	s23 =	simm.s32 $0x1B8B  }
0xa2: {  	_ =	swait.ge [sflag:s23], $0x1  }
0xa3: {  	[sflag:s23] =	ssyncset.done $0x0  }
0xa4: {  	s25 =	simm.s32 $0x1B8E;
	s24 =	sld [smem:$0x3FFE];
	[sflag:s23] =	ssyncadd.s32 $0xFFFFFFFF  }
0xa5: {  	s26 =	simm.s32 $execute0_lowered;
	[smem:$0x3FD2] =	sst s25  }
0xa6: {  	s4 =	sshll.u32 s26, $0x1;
	_ =	strace $0x80000049;
	[dreg:$0x1] =	wrdreg $0xFFFFFFFF  }
0xa7: {  	s28 =	simm.s32 $_size_execute0_lowered;
	s2 =	sadd.s32 s2, s4;
	[dreg:$0x0] =	wrdreg $0x0  }
0xa8: {  	s4 =	sshll.u32 s28, $0x1;
	[dreg:$0x2] =	wrdreg s2  }
0xa9: {  	[dreg:$0x3] =	wrdreg s4  }
0xaa: {  	[dreg:$0x4] =	wrdreg $0xC0  }
0xab: {  	_ =	task [dreg:s6], $0x5FFFF  }
0xac: {  	[dreg:$0x1] =	wrdreg $0xFFFFFFFF  }
0xad: {  	[dreg:$0x0] =	wrdreg $0x60  }
0xae: {  	[dreg:$0x2] =	wrdreg s24  }
0xaf: {  	[dreg:$0x3] =	wrdreg $0x82000  }
0xb0: {  	[dreg:$0x4] =	wrdreg $0x9  }
0xb1: {  	_ =	task.clear_ibuf [dreg:s6], $0x5FFFF;
	_ =	strace $0x90000049  }
0xb2: {  	s29 =	simm.s32 $0x9;
	_ =	strace $0x8000004B  }
0xb3: {  	_ =	swait.ge [sflag:s29], $0x1  }
0xb4: {  	[sflag:s29] =	ssyncadd.s32 $0xFFFFFFFF  }
0xb5: {  	_ =	strace $0x9000004B  }
0xb6: {  	_ =	sfence  }
0xb7: {  	s30 =	sld [smem:$0x0];
	_ =	sdelay $0x2  }
0xb8: {  	s31 =	sshll.u32 s1, $0xD;
	s1 =	sshrl.u32 s1, $0x2  }
0xb9: {  	s3 =	sand.u32 $0x4000, s31;
	s1 =	sadd.s32 s1, s30  }
0xba: {  	s0 =	sor.u32 s3, s0;
	s1 =	sshll.u32 s1, $0x11  }
0xbb: {  	s0 =	sor.u32 s1, s0  }
0xbc: {  	s0 =	sadd.s32 $0x8F2B, s0  }
0xbd: {  	[sflag:s0] =	ssyncadd.remote.s32 $0x1  }
0xbe: {  	_ =	sfence.sel $0xFFFF  }
0xbf: {  	[dreg:$0x0] =	wrdreg $0xFFFFFFFF;
	(pc) =	sbr.abs _section_cstart, $3  }
0xc0: {  	[dreg:$0x1] =	wrdreg $0xFFFFFFFF  }
0xc1: {  	_ =	task.clear_ibuf [dreg:s6], $0x2FFFF;
	_ =	strace $0x9FFFFFFF  }
0xc2: {  	(tm) =	ssettm $0x7FFFFFFF  }
0xc3: {  	_ =	shalt  }
tec
execute0_lowered:
.L_overlay_start_1:
0x0: {  	(tag) =	ssettag $0x1  }
0x1: {  	s1 =	srdreg.scid;
	s5 =	rddreg [dreg:$0x0]  }
0x2: {  	s0 =	stileid.u32;
	s2 =	rddreg [dreg:$0x1]  }
0x3: {  	s3 =	simm.s32 $0x0;
	s19 =	simm.s32 $0x3;
	s20 =	simm.s32 $0x80  }
0x4: {  	s21 =	simm.s32 $0x4200;
	s22 =	simm.s32 $0x100;
	s23 =	simm.s32 $0x180  }
0x5: {  	s24 =	simm.s32 $0x1;
	s25 =	simm.s32 $0x2;
	s4 =	smul.u32 $0x5000, s0  }
0x6: {  	s26 =	simm.s32 $0x0;
	s6 =	sand.u32 $0x1, s1;
	s8 =	smul.u32 $0x50000, s0  }
0x7: {  	[smem:$0x7FF] =	sst s3;
	s10 =	smul.u32 $0x14000, s0;
	s14 =	sadd.s32 $0x3DC00, s5  }
0x8: {  	s7 =	smul.u32 $0x2800, s6;
	_ =	strace $0x8000004A;
	s28 =	ssub.s32 $0x2, s6  }
0x9: {  	s13 =	smul.u32 $0x140000, s6;
	s9 =	sshrl.u32 s28, $0x1;
	s8 =	sshrl.u32 s8, $0x2  }
0xa: {  	s29 =	sadd.s32 $0x4000, s10;
	s12 =	sadd.s32 $0x8000, s10;
	s16 =	sadd.s32 $0xC000, s10  }
0xb: {  	s18 =	sadd.s32 $0x10000, s10;
	s4 =	sadd.s32 s7, s4;
	s15 =	ssub.s32 s28, s9  }
0xc: {  	s6 =	sadd.s32 s29, s2;
	s11 =	sadd.s32 s10, s13;
	s9 =	sadd.s32 s13, s29  }
0xd: {  	s7 =	sshrl.u32 s4, $0x3;
	s4 =	sadd.s32 $0x16A00, s5;
	s30 =	sshrl.u32 s11, $0x3  }
0xe: {  	s31 =	sshrl.u32 s9, $0x3;
	s9 =	sadd.s32 s18, s2;
	s15 =	smax.u32 s15, $0x1  }
0xf: {  	s17 =	sadd.s32 s7, s5;
	s5 =	sadd.s32 s8, s2;
	s7 =	sadd.s32 s12, s2  }
0x10: {  	s8 =	sadd.s32 s16, s2;
	s10 =	sadd.s32 s14, s30;
	s11 =	sadd.s32 s14, s31  }
0x11: {  	s12 =	sadd.s32 s13, s12;
	s16 =	sadd.s32 s13, s16;
	s13 =	sadd.s32 s13, s18  }
0x12: {  	s12 =	sshrl.u32 s12, $0x3;
	s16 =	sshrl.u32 s16, $0x3;
	s18 =	sshrl.u32 s13, $0x3  }
0x13: {  	s12 =	sadd.s32 s14, s12;
	s13 =	sadd.s32 s14, s16;
	s14 =	sadd.s32 s14, s18  }
0x14: {  	v0 =	vimm.f32 $0.0e+00;
	s16 =	sadd.s32 $0xCA00, s17;
	s17 =	sadd.s32 $0x2A00, s17;
	s18 =	simm.s32 $0x200  }
.LBB2_1:
0x15: {  	s28 =	sand.u32 $0xFE00, s3  }
0x16: {  	s29 =	sand.u32 $0x70, s3;
	s30 =	sshrl.u32 s28, $0x2  }
0x17: {  	s28 =	simm.s32 $0x40;
	s30 =	sor.u32 s29, s30;
	s29 =	simm.s32 $0x0  }
.LBB2_2:
0x18: {  	p0 =	sne.s32 s28, $0xFFC0  }
0x19: {  	[tilespmem:s30+$0x200] =	vst v0;
	s29 =	sadd.s32 $0x10, s29;
	s30 =	smov.u32 s28;
	s28 =	sadd.s32 $0x40, s28  }
.Ltmp0:
0x1a: {  	(pc) =	sbr.rel @p0 .LBB2_2-.Ltmp0, $4  }
0x1b: {  	_ = 	snop  }
0x1c: {  	s30 =	sand.u32 $0xFE00, s30  }
0x1d: {  	s31 =	sand.u32 $0x70, s29;
	s30 =	sshrl.u32 s30, $0x2  }
0x1e: {  	s30 =	sor.u32 s31, s30  }
0x1f: {  	[tilespmem:s30+$0x200] =	vst v0  }
0x20: {  	[spmem:s5] =	stream.linear.scatter [tilespmem:s18], [sflag:$0x3], $0x4000, $0x38;
	[tilespmem:$0x1C200] =	vst v63  }
0x21: {  	_ =	swait.ge [sflag:s19], $0x4000  }
0x22: {  	[sflag:s19] =	ssyncset.done $0x0  }
0x23: {  	[sflag:s19] =	ssyncadd.s32 $0xFFFFC000  }
0x24: {  	[spmem:s6] =	stream.linear.scatter [tilespmem:s18], [sflag:$0x3], $0x4000, $0x38;
	[tilespmem:$0x1C200] =	vst v63  }
0x25: {  	_ =	swait.ge [sflag:s19], $0x4000  }
0x26: {  	[sflag:s19] =	ssyncset.done $0x0  }
0x27: {  	[sflag:s19] =	ssyncadd.s32 $0xFFFFC000  }
0x28: {  	[spmem:s7] =	stream.linear.scatter [tilespmem:s18], [sflag:$0x3], $0x4000, $0x38;
	[tilespmem:$0x1C200] =	vst v63  }
0x29: {  	_ =	swait.ge [sflag:s19], $0x4000  }
0x2a: {  	[sflag:s19] =	ssyncset.done $0x0  }
0x2b: {  	[sflag:s19] =	ssyncadd.s32 $0xFFFFC000  }
0x2c: {  	[spmem:s8] =	stream.linear.scatter [tilespmem:s18], [sflag:$0x3], $0x4000, $0x38;
	[tilespmem:$0x1C200] =	vst v63  }
0x2d: {  	_ =	swait.ge [sflag:s19], $0x4000  }
0x2e: {  	[sflag:s19] =	ssyncset.done $0x0  }
0x2f: {  	[sflag:s19] =	ssyncadd.s32 $0xFFFFC000  }
0x30: {  	[spmem:s9] =	stream.linear.scatter [tilespmem:s18], [sflag:$0x3], $0x4000, $0x38;
	[tilespmem:$0x1C200] =	vst v63  }
0x31: {  	_ =	swait.ge [sflag:s19], $0x4000  }
0x32: {  	[sflag:s19] =	ssyncset.done $0x0  }
0x33: {  	[sflag:s19] =	ssyncadd.s32 $0xFFFFC000  }
0x34: {  	[bflag:$0x0] =	sbarrier.arrive $0xFFFF  }
0x35: {  	_ =	sdelay $0x7ff  }
0x36: {  	_ =	sdelay $0x7ff  }
0x37: {  	_ =	sdelay $0x5ad  }
0x38: {  	s28 =	sadd.s32 $0x0, s16;
	[bflag:$0x0] =	sbarrier.arrive $0xFFFF  }
0x39: {  	[tilespmem:s3], [sflag:$0x3] =	stream.linear.gather [hbm4b:s28+s3], $0x80, $0x38;
	[tilespmem:$0x1C200] =	vst v63  }
0x3a: {  	_ =	swait.ge [sflag:s19], $0x80  }
0x3b: {  	[sflag:s19] =	ssyncset.done $0x0  }
0x3c: {  	s28 =	sadd.s32 $0x10, s28;
	[sflag:s19] =	ssyncadd.s32 $0xFFFFFF80  }
0x3d: {  	[tilespmem:s20], [sflag:$0x3] =	stream.linear.gather [hbm4b:s28+s3], $0x80, $0x38;
	[tilespmem:$0x1C200] =	vst v63  }
0x3e: {  	_ =	swait.ge [sflag:s19], $0x80  }
0x3f: {  	[sflag:s19] =	ssyncset.done $0x0  }
0x40: {  	[sflag:s19] =	ssyncadd.s32 $0xFFFFFF80  }
0x41: {  	[tilespmem:s18], [sflag:$0x1] =	stream.indirect.gather [hbm4b:s4+s20], $0x80, s3, s20, $0xb8;
	[tilespmem:$0x1C200] =	vst v63  }
0x42: {  	_ = 	snop  }
0x43: {  	[tilespmem:s21], [sflag:$0x2] =	stream.indirect.gather [hbm4b:s4+s20], $0x80, s20, s20, $0xb8;
	[tilespmem:$0x1C200] =	vst v63  }
0x44: {  	s28 =	sadd.s32 $0x0, s17  }
0x45: {  	[tilespmem:s22], [sflag:$0x3] =	stream.linear.gather [hbm4b:s28+s3], $0x80, $0x38;
	[tilespmem:$0x1C200] =	vst v63  }
0x46: {  	_ =	swait.ge [sflag:s19], $0x80  }
0x47: {  	[sflag:s19] =	ssyncset.done $0x0  }
0x48: {  	s28 =	sadd.s32 $0x10, s28;
	[sflag:s19] =	ssyncadd.s32 $0xFFFFFF80  }
0x49: {  	[tilespmem:s23], [sflag:$0x3] =	stream.linear.gather [hbm4b:s28+s3], $0x80, $0x38;
	[tilespmem:$0x1C200] =	vst v63  }
0x4a: {  	_ =	swait.ge [sflag:s19], $0x80  }
0x4b: {  	[sflag:s19] =	ssyncset.done $0x0  }
0x4c: {  	[sflag:s19] =	ssyncadd.s32 $0xFFFFFF80  }
0x4d: {  	_ =	swait.ge [sflag:s24], $0x4000  }
0x4e: {  	[sflag:s24] =	ssyncset.done $0x0  }
0x4f: {  	[sflag:s24] =	ssyncadd.s32 $0xFFFFC000  }
0x50: {  	[spmem:s2] =	stream.indirect.scatter.add.f32 [tilespmem:s18], [sflag:$0x3], $0x80, s22, s20, $0xb8;
	[tilespmem:$0x1C200] =	vst v63  }
0x51: {  	_ =	swait.ge [sflag:s19], $0x4000  }
0x52: {  	[sflag:s19] =	ssyncset.done $0x0  }
0x53: {  	[sflag:s19] =	ssyncadd.s32 $0xFFFFC000  }
0x54: {  	_ =	swait.ge [sflag:s25], $0x4000  }
0x55: {  	[sflag:s25] =	ssyncset.done $0x0  }
0x56: {  	[sflag:s25] =	ssyncadd.s32 $0xFFFFC000  }
0x57: {  	[spmem:s2] =	stream.indirect.scatter.add.f32 [tilespmem:s21], [sflag:$0x3], $0x80, s23, s20, $0xb8;
	[tilespmem:$0x1C200] =	vst v63  }
0x58: {  	_ =	swait.ge [sflag:s19], $0x4000  }
0x59: {  	s30 =	simm.s32 $0x40;
	s28 =	simm.s32 $0x20;
	[sflag:s19] =	ssyncset.done $0x0  }
.LBB2_4:
0x5a: {  	s31 =	sadd.s32 s28, s16  }
0x5b: {  	[sflag:s19] =	ssyncadd.s32 $0xFFFFC000;
	s1 =	smov.u32 s30;
	s29 =	sadd.s32 $0x20, s30  }
0x5c: {  	[tilespmem:s3], [sflag:$0x3] =	stream.linear.gather [hbm4b:s31+s3], $0x80, $0x38;
	[tilespmem:$0x1C200] =	vst v63  }
0x5d: {  	p0 =	sne.s32 s30, $0x4E0;
	_ =	swait.ge [sflag:s19], $0x80  }
0x5e: {  	[sflag:s19] =	ssyncset.done $0x0  }
0x5f: {  	s30 =	sadd.s32 $0x10, s31;
	[sflag:s19] =	ssyncadd.s32 $0xFFFFFF80  }
0x60: {  	[tilespmem:s20], [sflag:$0x3] =	stream.linear.gather [hbm4b:s30+s3], $0x80, $0x38;
	[tilespmem:$0x1C200] =	vst v63  }
0x61: {  	_ =	swait.ge [sflag:s19], $0x80  }
0x62: {  	[sflag:s19] =	ssyncset.done $0x0  }
0x63: {  	[sflag:s19] =	ssyncadd.s32 $0xFFFFFF80  }
0x64: {  	[tilespmem:s18], [sflag:$0x1] =	stream.indirect.gather [hbm4b:s4+s20], $0x80, s3, s20, $0xb8;
	[tilespmem:$0x1C200] =	vst v63  }
0x65: {  	_ = 	snop  }
0x66: {  	[tilespmem:s21], [sflag:$0x2] =	stream.indirect.gather [hbm4b:s4+s20], $0x80, s20, s20, $0xb8;
	[tilespmem:$0x1C200] =	vst v63  }
0x67: {  	s30 =	sadd.s32 s28, s17;
	s28 =	smov.u32 s1  }
0x68: {  	[tilespmem:s22], [sflag:$0x3] =	stream.linear.gather [hbm4b:s30+s3], $0x80, $0x38;
	[tilespmem:$0x1C200] =	vst v63  }
0x69: {  	_ =	swait.ge [sflag:s19], $0x80  }
0x6a: {  	[sflag:s19] =	ssyncset.done $0x0  }
0x6b: {  	s1 =	sadd.s32 $0x10, s30;
	[sflag:s19] =	ssyncadd.s32 $0xFFFFFF80  }
0x6c: {  	[tilespmem:s23], [sflag:$0x3] =	stream.linear.gather [hbm4b:s1+s3], $0x80, $0x38;
	[tilespmem:$0x1C200] =	vst v63  }
0x6d: {  	_ =	swait.ge [sflag:s19], $0x80  }
0x6e: {  	[sflag:s19] =	ssyncset.done $0x0  }
0x6f: {  	[sflag:s19] =	ssyncadd.s32 $0xFFFFFF80  }
0x70: {  	_ =	swait.ge [sflag:s24], $0x4000  }
0x71: {  	[sflag:s24] =	ssyncset.done $0x0  }
0x72: {  	[sflag:s24] =	ssyncadd.s32 $0xFFFFC000  }
0x73: {  	[spmem:s2] =	stream.indirect.scatter.add.f32 [tilespmem:s18], [sflag:$0x3], $0x80, s22, s20, $0xb8;
	[tilespmem:$0x1C200] =	vst v63  }
0x74: {  	_ =	swait.ge [sflag:s19], $0x4000  }
0x75: {  	[sflag:s19] =	ssyncset.done $0x0  }
0x76: {  	[sflag:s19] =	ssyncadd.s32 $0xFFFFC000  }
0x77: {  	_ =	swait.ge [sflag:s25], $0x4000  }
.Ltmp1:
0x78: {  	[sflag:s25] =	ssyncset.done $0x0;
	(pc) =	sbr.rel @p0 .LBB2_4-.Ltmp1, $4  }
0x79: {  	[sflag:s25] =	ssyncadd.s32 $0xFFFFC000  }
0x7a: {  	[spmem:s2] =	stream.indirect.scatter.add.f32 [tilespmem:s21], [sflag:$0x3], $0x80, s23, s20, $0xb8;
	[tilespmem:$0x1C200] =	vst v63  }
0x7b: {  	_ =	swait.ge [sflag:s19], $0x4000  }
0x7c: {  	s30 =	smov.u32 s29;
	[sflag:s19] =	ssyncset.done $0x0  }
0x7d: {  	s1 =	sadd.s32 s28, s16;
	[sflag:s19] =	ssyncadd.s32 $0xFFFFC000  }
0x7e: {  	[tilespmem:s3], [sflag:$0x3] =	stream.linear.gather [hbm4b:s1+s3], $0x80, $0x38;
	[tilespmem:$0x1C200] =	vst v63  }
0x7f: {  	_ =	swait.ge [sflag:s19], $0x80  }
0x80: {  	[sflag:s19] =	ssyncset.done $0x0  }
0x81: {  	s1 =	sadd.s32 $0x10, s1;
	[sflag:s19] =	ssyncadd.s32 $0xFFFFFF80  }
0x82: {  	[tilespmem:s20], [sflag:$0x3] =	stream.linear.gather [hbm4b:s1+s3], $0x80, $0x38;
	[tilespmem:$0x1C200] =	vst v63  }
0x83: {  	_ =	swait.ge [sflag:s19], $0x80  }
0x84: {  	[sflag:s19] =	ssyncset.done $0x0  }
0x85: {  	[sflag:s19] =	ssyncadd.s32 $0xFFFFFF80  }
0x86: {  	[tilespmem:s18], [sflag:$0x1] =	stream.indirect.gather [hbm4b:s4+s20], $0x80, s3, s20, $0xb8;
	[tilespmem:$0x1C200] =	vst v63  }
0x87: {  	_ = 	snop  }
0x88: {  	[tilespmem:s21], [sflag:$0x2] =	stream.indirect.gather [hbm4b:s4+s20], $0x80, s20, s20, $0xb8;
	[tilespmem:$0x1C200] =	vst v63  }
0x89: {  	s31 =	sadd.s32 s28, s17  }
0x8a: {  	[tilespmem:s22], [sflag:$0x3] =	stream.linear.gather [hbm4b:s31+s3], $0x80, $0x38;
	[tilespmem:$0x1C200] =	vst v63  }
0x8b: {  	_ =	swait.ge [sflag:s19], $0x80  }
0x8c: {  	[sflag:s19] =	ssyncset.done $0x0  }
0x8d: {  	s1 =	sadd.s32 $0x10, s31;
	[sflag:s19] =	ssyncadd.s32 $0xFFFFFF80  }
0x8e: {  	[tilespmem:s23], [sflag:$0x3] =	stream.linear.gather [hbm4b:s1+s3], $0x80, $0x38;
	[tilespmem:$0x1C200] =	vst v63  }
0x8f: {  	_ =	swait.ge [sflag:s19], $0x80  }
0x90: {  	[sflag:s19] =	ssyncset.done $0x0  }
0x91: {  	[sflag:s19] =	ssyncadd.s32 $0xFFFFFF80  }
0x92: {  	_ =	swait.ge [sflag:s24], $0x4000  }
0x93: {  	[sflag:s24] =	ssyncset.done $0x0  }
0x94: {  	[sflag:s24] =	ssyncadd.s32 $0xFFFFC000  }
0x95: {  	[spmem:s2] =	stream.indirect.scatter.add.f32 [tilespmem:s18], [sflag:$0x3], $0x80, s22, s20, $0xb8;
	[tilespmem:$0x1C200] =	vst v63  }
0x96: {  	_ =	swait.ge [sflag:s19], $0x4000  }
0x97: {  	[sflag:s19] =	ssyncset.done $0x0  }
0x98: {  	[sflag:s19] =	ssyncadd.s32 $0xFFFFC000  }
0x99: {  	_ =	swait.ge [sflag:s25], $0x4000  }
0x9a: {  	[sflag:s25] =	ssyncset.done $0x0  }
0x9b: {  	[sflag:s25] =	ssyncadd.s32 $0xFFFFC000  }
0x9c: {  	[spmem:s2] =	stream.indirect.scatter.add.f32 [tilespmem:s21], [sflag:$0x3], $0x80, s23, s20, $0xb8;
	[tilespmem:$0x1C200] =	vst v63  }
0x9d: {  	_ =	swait.ge [sflag:s19], $0x4000  }
0x9e: {  	[sflag:s19] =	ssyncset.done $0x0  }
0x9f: {  	[sflag:s19] =	ssyncadd.s32 $0xFFFFC000  }
0xa0: {  	[bflag:$0x0] =	sbarrier.arrive $0xFFFF  }
0xa1: {  	_ =	sdelay $0x7ff  }
0xa2: {  	_ =	sdelay $0x7ff  }
0xa3: {  	_ =	sdelay $0x5ad  }
0xa4: {  	[bflag:$0x0] =	sbarrier.arrive $0xFFFF  }
0xa5: {  	[tilespmem:s18], [sflag:$0x3] =	stream.linear.gather [spmem:s5], $0x4000, $0x38;
	[tilespmem:$0x1C200] =	vst v63  }
0xa6: {  	_ =	swait.ge [sflag:s19], $0x4000  }
0xa7: {  	[sflag:s19] =	ssyncset.done $0x0  }
0xa8: {  	[sflag:s19] =	ssyncadd.s32 $0xFFFFC000  }
0xa9: {  	[hbm4b:s10+s3] =	stream.linear.scatter [tilespmem:s18], [sflag:$0x3], $0x4000, $0x38;
	[tilespmem:$0x1C200] =	vst v63  }
0xaa: {  	_ =	swait.ge [sflag:s19], $0x4000  }
0xab: {  	[sflag:s19] =	ssyncset.done $0x0  }
0xac: {  	[sflag:s19] =	ssyncadd.s32 $0xFFFFC000  }
0xad: {  	[tilespmem:s18], [sflag:$0x3] =	stream.linear.gather [spmem:s6], $0x4000, $0x38;
	[tilespmem:$0x1C200] =	vst v63  }
0xae: {  	_ =	swait.ge [sflag:s19], $0x4000  }
0xaf: {  	[sflag:s19] =	ssyncset.done $0x0  }
0xb0: {  	[sflag:s19] =	ssyncadd.s32 $0xFFFFC000  }
0xb1: {  	[hbm4b:s11+s3] =	stream.linear.scatter [tilespmem:s18], [sflag:$0x3], $0x4000, $0x38;
	[tilespmem:$0x1C200] =	vst v63  }
0xb2: {  	_ =	swait.ge [sflag:s19], $0x4000  }
0xb3: {  	[sflag:s19] =	ssyncset.done $0x0  }
0xb4: {  	[sflag:s19] =	ssyncadd.s32 $0xFFFFC000  }
0xb5: {  	[tilespmem:s18], [sflag:$0x3] =	stream.linear.gather [spmem:s7], $0x4000, $0x38;
	[tilespmem:$0x1C200] =	vst v63  }
0xb6: {  	_ =	swait.ge [sflag:s19], $0x4000  }
0xb7: {  	[sflag:s19] =	ssyncset.done $0x0  }
0xb8: {  	[sflag:s19] =	ssyncadd.s32 $0xFFFFC000  }
0xb9: {  	[hbm4b:s12+s3] =	stream.linear.scatter [tilespmem:s18], [sflag:$0x3], $0x4000, $0x38;
	[tilespmem:$0x1C200] =	vst v63  }
0xba: {  	_ =	swait.ge [sflag:s19], $0x4000  }
0xbb: {  	[sflag:s19] =	ssyncset.done $0x0  }
0xbc: {  	[sflag:s19] =	ssyncadd.s32 $0xFFFFC000  }
0xbd: {  	[tilespmem:s18], [sflag:$0x3] =	stream.linear.gather [spmem:s8], $0x4000, $0x38;
	[tilespmem:$0x1C200] =	vst v63  }
0xbe: {  	_ =	swait.ge [sflag:s19], $0x4000  }
0xbf: {  	[sflag:s19] =	ssyncset.done $0x0  }
0xc0: {  	[sflag:s19] =	ssyncadd.s32 $0xFFFFC000  }
0xc1: {  	[hbm4b:s13+s3] =	stream.linear.scatter [tilespmem:s18], [sflag:$0x3], $0x4000, $0x38;
	[tilespmem:$0x1C200] =	vst v63  }
0xc2: {  	_ =	swait.ge [sflag:s19], $0x4000  }
0xc3: {  	[sflag:s19] =	ssyncset.done $0x0  }
0xc4: {  	[sflag:s19] =	ssyncadd.s32 $0xFFFFC000  }
0xc5: {  	[tilespmem:s18], [sflag:$0x3] =	stream.linear.gather [spmem:s9], $0x4000, $0x38;
	[tilespmem:$0x1C200] =	vst v63  }
0xc6: {  	s26 =	sadd.s32 $0x1, s26;
	_ =	swait.ge [sflag:s19], $0x4000  }
0xc7: {  	p0 =	sne.s32 s26, s15;
	[sflag:s19] =	ssyncset.done $0x0  }
.Ltmp2:
0xc8: {  	[sflag:s19] =	ssyncadd.s32 $0xFFFFC000;
	(pc) =	sbr.rel @p0 .LBB2_1-.Ltmp2, $4  }
0xc9: {  	[hbm4b:s14+s3] =	stream.linear.scatter [tilespmem:s18], [sflag:$0x3], $0x4000, $0x38;
	[tilespmem:$0x1C200] =	vst v63  }
0xca: {  	_ =	swait.ge [sflag:s19], $0x4000  }
0xcb: {  	[sflag:s19] =	ssyncset.done $0x0  }
0xcc: {  	[sflag:s19] =	ssyncadd.s32 $0xFFFFC000  }
0xcd: {  	_ =	sfence.sel $0x180000  }
0xce: {  	[bflag:$0x0] =	sbarrier.arrive $0xFFFF  }
0xcf: {  	_ =	strace $0x9000004A  }
0xd0: {  	[bflag:$0x2] =	sbarrier.arrive $0xFFFF  }
0xd1: {  	p0 =	sne.s32 s0, $0x0;
	s0 =	rddreg [dreg:$0x2]  }
0xd2: {  	s0 =	sadd.s32 @!p0 $0x100000, s0  }
0xd3: {  	[sflag:s0] =	ssyncadd.tile.s32 @!p0 $0x1;
	_ =	shalt  }
.Lfunc_end2:
_tile_overlayer_lowered:
.L_overlay_start_2:
0xd4: {  	(tag) =	ssettag $0x2  }
0xd5: {  	s0 =	rddreg [dreg:$0x0];
	s2 =	stileid.u32  }
0xd6: {  	s1 =	rddreg [dreg:$0x1];
	p0 =	sne.s32 s2, $0x0  }
0xd7: {  	s3 =	rddreg [dreg:$0x2];
	[bflag:$0x3] =	sbarrier.arrive $0xFFFF;
	s2 =	simm.s32 @!p0 $0x1C03  }
0xd8: {  	[timem:s3], [sflag:s2] =	dma.local @!p0 [hbm:s0], s1  }
0xd9: {  	s0 =	simm.s32 @!p0 $0x3  }
0xda: {  	_ =	swait.ge @!p0 [sflag:s0], s1  }
0xdb: {  	s1 =	ssub.s32 @!p0 $0x0, s1;
	[sflag:s0] =	ssyncset.done @!p0 $0x0  }
0xdc: {  	[sflag:s0] =	ssyncadd.s32 @!p0 s1  }
0xdd: {  	[bflag:$0x3] =	sbarrier.arrive $0xFFFF  }
0xde: {  	_ =	shalt  }

// kernel: kernel.15.cloned.1.call-start
scs
__scs_entry_jumppad:
0x0: {  	(pc) =	sbr.rel $0x88, $3  }
0x1: {  	(tag) =	ssettag $0x0;
	lr =	simm.s32 $0x1  }
0x2: {  	[smem:$0x3F99] =	sst lr;
	_ =	strace $0xD0000000  }
0x3: {  	_ = 	snop  }
0x4: {  	_ = 	snop  }
0x5: {  	_ = 	snop  }
0x6: {  	_ = 	snop  }
0x7: {  	_ = 	snop  }
__scs_overlays_trampoline_lowered:
0x8: {  	[smem:$0x3FA8] =	sst s0  }
0x9: {  	[smem:$0x3FA9] =	sst s1  }
0xa: {  	[smem:$0x3FAA] =	sst s2  }
0xb: {  	[smem:$0x3FAB] =	sst s3  }
0xc: {  	[smem:$0x3FAC] =	sst s4  }
0xd: {  	[smem:$0x3FAD] =	sst s5  }
0xe: {  	[smem:$0x3FAE] =	sst s6  }
0xf: {  	[smem:$0x3FAF] =	sst s7  }
0x10: {  	[smem:$0x3FB0] =	sst s8  }
0x11: {  	[smem:$0x3FB1] =	sst s9;
	s0 =	simm.s32 @!p0 $0x0  }
0x12: {  	s1 =	sld [smem:$0x3F97];
	s0 =	simm.s32 @p0 $0x1  }
0x13: {  	[smem:$0x3FB2] =	sst s0;
	s0 =	simm.s32 @!p1 $0x0  }
0x14: {  	s2 =	sld [smem:$0x3F96];
	s0 =	simm.s32 @p1 $0x1  }
0x15: {  	[smem:$0x3FB3] =	sst s0;
	s0 =	simm.s32 @!p2 $0x0  }
0x16: {  	s3 =	sld [smem:$0x3FDB];
	s0 =	simm.s32 @p2 $0x1  }
0x17: {  	s4 =	simm.s32 $0x1BF5;
	[smem:$0x3FB5] =	sst s0  }
0x18: {  	s0 =	sld [smem:$0x3F98];
	_ =	swait.ge [sflag:s4], $0x0  }
0x19: {  	s7 =	sld [smem:$0x3F99]  }
0x1a: {  	s8 =	sadd.s32 $0xFFFFE003, lr  }
0x1b: {  	s9 =	sadd.s32 $0xFFFFFEF7, lr;
	s5 =	simm.s32 $0xFFFFFFFF;
	p2 =	slt.u32 s8, $0xFFFFF086  }
0x1c: {  	p1 =	slt.u32 s9, $0xF7A;
	s5 =	simm.s32 @!p2 $0x0  }
0x1d: {  	s5 =	simm.s32 @p1 $0x1;
	p0 =	seq.s32 s7, s2  }
0x1e: {  	s7 =	smul.u32 @!p0 $0xF7A, s2;
	p2 =	seq.s32 @!p0 s5, $0x0  }
0x1f: {  	s9 =	smul.u32 $0xF7A, s1;
	s8 =	simm.s32 @!p0 $0x1BF5;
	p2 =	por !p2, p0  }
0x20: {  	[sflag:s8] =	ssyncset.s32 @!p0 $0xFFFFF086;
	s6 =	sadd.s32 @!p0 s3, s7;
	s7 =	simm.s32 @!p0 $0x108  }
0x21: {  	s3 =	sadd.s32 s3, s9;
	s6 =	sadd.s32 @!p0 $0x88, s6;
	s7 =	simm.s32 @p2 $0x1082  }
0x22: {  	[simem:s7], [sflag:s8] =	dma.local @!p0 [hbm:s6], $0xF7A  }
0x23: {  	s9 =	sor.u32 $0xD0000000, s2;
	s6 =	simm.s32 $0x108;
	_ =	swait.ge @!p0 [sflag:s8], $0x0  }
0x24: {  	s3 =	sadd.s32 $0x88, s3;
	s6 =	simm.s32 @!p1 $0x1082;
	[sflag:s4] =	ssyncset.s32 $0xFFFFF086  }
0x25: {  	[simem:s6], [sflag:s4] =	dma.local [hbm:s3], $0xF7A  }
0x26: {  	[smem:$0x3F99] =	sst s1;
	(tag) =	ssettag s2;
	_ =	strace s9  }
0x27: {  	s1 =	sld [smem:$0x3FA9]  }
0x28: {  	s2 =	sld [smem:$0x3FAA]  }
0x29: {  	s4 =	sld [smem:$0x3FAC]  }
0x2a: {  	p0 =	seq.s32 s5, $0x0;
	s5 =	sld [smem:$0x3FAD]  }
0x2b: {  	s6 =	sld [smem:$0x3FAE]  }
0x2c: {  	s7 =	sld [smem:$0x3FAF]  }
0x2d: {  	s3 =	simm.s32 $0x108;
	s8 =	sld [smem:$0x3FB0]  }
0x2e: {  	s3 =	simm.s32 @!p0 $0x1082;
	s9 =	sld [smem:$0x3FB1]  }
0x2f: {  	lr =	sadd.s32 s0, s3;
	s0 =	sld [smem:$0x3FA8]  }
0x30: {  	s3 =	sld [smem:$0x3FAB]  }
0x31: {  	[smem:$0x3FB4] =	sst s10  }
0x32: {  	s10 =	sld [smem:$0x3FB2];
	_ =	sdelay $0x3  }
0x33: {  	p0 =	seq.s32 s10, $0x1;
	s10 =	sld [smem:$0x3FB4];
	_ =	sdelay $0x3  }
0x34: {  	[smem:$0x3FB4] =	sst s10  }
0x35: {  	s10 =	sld [smem:$0x3FB3];
	_ =	sdelay $0x3  }
0x36: {  	p1 =	seq.s32 s10, $0x1;
	s10 =	sld [smem:$0x3FB4];
	_ =	sdelay $0x3  }
0x37: {  	[smem:$0x3FB4] =	sst s10  }
0x38: {  	s10 =	sld [smem:$0x3FB5]  }
0x39: {  	_ = 	snop;
	(pc) =	sbr.ind lr, $3  }
0x3a: {  	_ = 	snop  }
0x3b: {  	_ = 	snop  }
0x3c: {  	p2 =	seq.s32 s10, $0x1;
	s10 =	sld [smem:$0x3FB4]  }
0x3d: {  	_ =	shalt  }
0x3e: {  	_ =	shalt  }
0x3f: {  	_ =	shalt  }
0x40: {  	_ =	shalt  }
0x41: {  	_ =	shalt  }
0x42: {  	_ =	shalt  }
0x43: {  	_ =	shalt  }
0x44: {  	_ =	shalt  }
0x45: {  	_ =	shalt  }
0x46: {  	_ =	shalt  }
0x47: {  	_ =	shalt  }
0x48: {  	_ =	shalt  }
0x49: {  	_ =	shalt  }
0x4a: {  	_ =	shalt  }
0x4b: {  	_ =	shalt  }
0x4c: {  	_ =	shalt  }
0x4d: {  	_ =	shalt  }
0x4e: {  	_ =	shalt  }
0x4f: {  	_ =	shalt  }
0x50: {  	_ =	shalt  }
0x51: {  	_ =	shalt  }
0x52: {  	_ =	shalt  }
0x53: {  	_ =	shalt  }
0x54: {  	_ =	shalt  }
0x55: {  	_ =	shalt  }
0x56: {  	_ =	shalt  }
0x57: {  	_ =	shalt  }
0x58: {  	_ =	shalt  }
0x59: {  	_ =	shalt  }
0x5a: {  	_ =	shalt  }
0x5b: {  	_ =	shalt  }
0x5c: {  	_ =	shalt  }
0x5d: {  	_ =	shalt  }
0x5e: {  	_ =	shalt  }
0x5f: {  	_ =	shalt  }
0x60: {  	_ =	shalt  }
0x61: {  	_ =	shalt  }
0x62: {  	_ =	shalt  }
0x63: {  	_ =	shalt  }
0x64: {  	_ =	shalt  }
0x65: {  	_ =	shalt  }
0x66: {  	_ =	shalt  }
0x67: {  	_ =	shalt  }
0x68: {  	_ =	shalt  }
0x69: {  	_ =	shalt  }
0x6a: {  	_ =	shalt  }
0x6b: {  	_ =	shalt  }
0x6c: {  	_ =	shalt  }
0x6d: {  	_ =	shalt  }
0x6e: {  	_ =	shalt  }
0x6f: {  	_ =	shalt  }
0x70: {  	_ =	shalt  }
0x71: {  	_ =	shalt  }
0x72: {  	_ =	shalt  }
0x73: {  	_ =	shalt  }
0x74: {  	_ =	shalt  }
0x75: {  	_ =	shalt  }
0x76: {  	_ =	shalt  }
0x77: {  	_ =	shalt  }
0x78: {  	_ =	shalt  }
0x79: {  	_ =	shalt  }
0x7a: {  	_ =	shalt  }
0x7b: {  	_ =	shalt  }
0x7c: {  	_ =	shalt  }
0x7d: {  	_ =	shalt  }
0x7e: {  	_ =	shalt  }
0x7f: {  	_ =	shalt  }
0x80: {  	_ =	shalt  }
0x81: {  	_ =	shalt  }
0x82: {  	_ =	shalt  }
0x83: {  	_ =	shalt  }
0x84: {  	_ =	shalt  }
0x85: {  	_ =	shalt  }
0x86: {  	_ =	shalt  }
0x87: {  	_ =	shalt  }
.Lfunc_end0:
.L_simem_size_0:
called_computation.2_lowered:
.L_overlay_start_0:
0x88: {  	s2 =	sld [smem:$0x3FD9]  }
0x89: {  	s3 =	sld [smem:$0x3FFE];
	_ =	sdelay $0x1  }
0x8a: {  	s1 =	srdreg.scid  }
0x8b: {  	s0 =	sand.u32 $0x1, s1  }
0x8c: {  	s16 =	sshll.u32 s0, $0xA;
	s2 =	sadd.s32 s3, s2  }
0x8d: {  	s2 =	sadd.s32 s2, s16  }
0x8e: {  	[smem:$0x3FC0] =	sst s2  }
0x8f: {  	_ = 	snop  }
0x90: {  	(tm) =	ssettm $0x1  }
0x91: {  	s17 =	sld [smem:$0x3FFB];
	_ =	sdelay $0x3  }
0x92: {  	_ =	strace s17  }
0x93: {  	s2 =	sld [smem:$0x3FFC];
	_ =	sdelay $0x3  }
0x94: {  	_ =	strace s2  }
0x95: {  	s2 =	sld [smem:$0x3FFD];
	_ =	sdelay $0x3  }
0x96: {  	_ =	strace s2  }
0x97: {  	_ =	strace $0x8FFFFFFF  }
0x98: {  	s18 =	sld [smem:$0x3FDB];
	_ =	sdelay $0x1  }
0x99: {  	s19 =	simm.s32 $_scs_section_size  }
0x9a: {  	s4 =	simm.s32 $_size__tile_overlayer_lowered;
	s5 =	simm.s32 $_tile_overlayer_lowered  }
0x9b: {  	s22 =	simm.s32 $0x1BFF;
	s21 =	sshll.u32 s5, $0x1;
	s2 =	sadd.s32 s19, s18  }
0x9c: {  	s6 =	simm.s32 $0x0;
	s20 =	sshll.u32 s4, $0x1;
	s4 =	sadd.s32 s21, s2  }
0x9d: {  	[timem:s6], [sflag:s22] =	dma.local [hbm:s4], s20  }
0x9e: {  	_ =	swait.ge [sflag:s22], s20  }
0x9f: {  	s3 =	ssub.s32 $0x0, s20;
	[sflag:s22] =	ssyncset.done $0x0  }
0xa0: {  	[sflag:s22] =	ssyncadd.s32 s3;
	_ =	sdelay $0x1  }
0xa1: {  	s23 =	simm.s32 $0x1B8B  }
0xa2: {  	_ =	swait.ge [sflag:s23], $0x1  }
0xa3: {  	[sflag:s23] =	ssyncset.done $0x0  }
0xa4: {  	s25 =	simm.s32 $0x1B8E;
	s24 =	sld [smem:$0x3FFE];
	[sflag:s23] =	ssyncadd.s32 $0xFFFFFFFF  }
0xa5: {  	s26 =	simm.s32 $execute0_lowered;
	[smem:$0x3FD2] =	sst s25  }
0xa6: {  	s4 =	sshll.u32 s26, $0x1;
	_ =	strace $0x8000004C;
	[dreg:$0x1] =	wrdreg $0xFFFFFFFF  }
0xa7: {  	s28 =	simm.s32 $_size_execute0_lowered;
	s2 =	sadd.s32 s2, s4;
	[dreg:$0x0] =	wrdreg $0x0  }
0xa8: {  	s4 =	sshll.u32 s28, $0x1;
	[dreg:$0x2] =	wrdreg s2  }
0xa9: {  	[dreg:$0x3] =	wrdreg s4  }
0xaa: {  	[dreg:$0x4] =	wrdreg $0xC0  }
0xab: {  	_ =	task [dreg:s6], $0x5FFFF  }
0xac: {  	[dreg:$0x1] =	wrdreg $0xFFFFFFFF  }
0xad: {  	[dreg:$0x0] =	wrdreg $0x60  }
0xae: {  	[dreg:$0x2] =	wrdreg s24  }
0xaf: {  	[dreg:$0x3] =	wrdreg $0x82000  }
0xb0: {  	[dreg:$0x4] =	wrdreg $0x9  }
0xb1: {  	_ =	task.clear_ibuf [dreg:s6], $0x5FFFF;
	_ =	strace $0x9000004C  }
0xb2: {  	s29 =	simm.s32 $0x9;
	_ =	strace $0x8000004E  }
0xb3: {  	_ =	swait.ge [sflag:s29], $0x1  }
0xb4: {  	[sflag:s29] =	ssyncadd.s32 $0xFFFFFFFF  }
0xb5: {  	_ =	strace $0x9000004E  }
0xb6: {  	_ =	sfence  }
0xb7: {  	s30 =	sld [smem:$0x0];
	_ =	sdelay $0x2  }
0xb8: {  	s31 =	sshll.u32 s1, $0xD;
	s1 =	sshrl.u32 s1, $0x2  }
0xb9: {  	s3 =	sand.u32 $0x4000, s31;
	s1 =	sadd.s32 s1, s30  }
0xba: {  	s0 =	sor.u32 s3, s0;
	s1 =	sshll.u32 s1, $0x11  }
0xbb: {  	s0 =	sor.u32 s1, s0  }
0xbc: {  	s0 =	sadd.s32 $0x8F2B, s0  }
0xbd: {  	[sflag:s0] =	ssyncadd.remote.s32 $0x1  }
0xbe: {  	_ =	sfence.sel $0xFFFF  }
0xbf: {  	[dreg:$0x0] =	wrdreg $0xFFFFFFFF;
	(pc) =	sbr.abs _section_cstart, $3  }
0xc0: {  	[dreg:$0x1] =	wrdreg $0xFFFFFFFF  }
0xc1: {  	_ =	task.clear_ibuf [dreg:s6], $0x2FFFF;
	_ =	strace $0x9FFFFFFF  }
0xc2: {  	(tm) =	ssettm $0x7FFFFFFF  }
0xc3: {  	_ =	shalt  }
tec
execute0_lowered:
.L_overlay_start_1:
0x0: {  	(tag) =	ssettag $0x1  }
0x1: {  	s1 =	srdreg.scid;
	s5 =	rddreg [dreg:$0x0]  }
0x2: {  	s0 =	stileid.u32;
	s2 =	rddreg [dreg:$0x1]  }
0x3: {  	s3 =	simm.s32 $0x0;
	s19 =	simm.s32 $0x3;
	s20 =	simm.s32 $0x80  }
0x4: {  	s21 =	simm.s32 $0x4200;
	s22 =	simm.s32 $0x100;
	s23 =	simm.s32 $0x180  }
0x5: {  	s24 =	simm.s32 $0x1;
	s25 =	simm.s32 $0x2;
	s4 =	smul.u32 $0x5000, s0  }
0x6: {  	s26 =	simm.s32 $0x0;
	s6 =	sand.u32 $0x1, s1;
	s8 =	smul.u32 $0x50000, s0  }
0x7: {  	[smem:$0x7FF] =	sst s3;
	s10 =	smul.u32 $0x14000, s0;
	s14 =	sadd.s32 $0x3DC00, s5  }
0x8: {  	s7 =	smul.u32 $0x2800, s6;
	_ =	strace $0x8000004D;
	s28 =	ssub.s32 $0x2, s6  }
0x9: {  	s13 =	smul.u32 $0x140000, s6;
	s9 =	sshrl.u32 s28, $0x1;
	s8 =	sshrl.u32 s8, $0x2  }
0xa: {  	s29 =	sadd.s32 $0x4000, s10;
	s12 =	sadd.s32 $0x8000, s10;
	s16 =	sadd.s32 $0xC000, s10  }
0xb: {  	s18 =	sadd.s32 $0x10000, s10;
	s4 =	sadd.s32 s7, s4;
	s15 =	ssub.s32 s28, s9  }
0xc: {  	s6 =	sadd.s32 s29, s2;
	s11 =	sadd.s32 s10, s13;
	s9 =	sadd.s32 s13, s29  }
0xd: {  	s7 =	sshrl.u32 s4, $0x3;
	s4 =	sadd.s32 $0x16A00, s5;
	s30 =	sshrl.u32 s11, $0x3  }
0xe: {  	s31 =	sshrl.u32 s9, $0x3;
	s9 =	sadd.s32 s18, s2;
	s15 =	smax.u32 s15, $0x1  }
0xf: {  	s17 =	sadd.s32 s7, s5;
	s5 =	sadd.s32 s8, s2;
	s7 =	sadd.s32 s12, s2  }
0x10: {  	s8 =	sadd.s32 s16, s2;
	s10 =	sadd.s32 s14, s30;
	s11 =	sadd.s32 s14, s31  }
0x11: {  	s12 =	sadd.s32 s13, s12;
	s16 =	sadd.s32 s13, s16;
	s13 =	sadd.s32 s13, s18  }
0x12: {  	s12 =	sshrl.u32 s12, $0x3;
	s16 =	sshrl.u32 s16, $0x3;
	s18 =	sshrl.u32 s13, $0x3  }
0x13: {  	s12 =	sadd.s32 s14, s12;
	s13 =	sadd.s32 s14, s16;
	s14 =	sadd.s32 s14, s18  }
0x14: {  	v0 =	vimm.f32 $0.0e+00;
	s16 =	sadd.s32 $0xCA00, s17;
	s17 =	sadd.s32 $0x2A00, s17;
	s18 =	simm.s32 $0x200  }
.LBB2_1:
0x15: {  	s28 =	sand.u32 $0xFE00, s3  }
0x16: {  	s29 =	sand.u32 $0x70, s3;
	s30 =	sshrl.u32 s28, $0x2  }
0x17: {  	s28 =	simm.s32 $0x40;
	s30 =	sor.u32 s29, s30;
	s29 =	simm.s32 $0x0  }
.LBB2_2:
0x18: {  	p0 =	sne.s32 s28, $0xFFC0  }
0x19: {  	[tilespmem:s30+$0x200] =	vst v0;
	s29 =	sadd.s32 $0x10, s29;
	s30 =	smov.u32 s28;
	s28 =	sadd.s32 $0x40, s28  }
.Ltmp0:
0x1a: {  	(pc) =	sbr.rel @p0 .LBB2_2-.Ltmp0, $4  }
0x1b: {  	_ = 	snop  }
0x1c: {  	s30 =	sand.u32 $0xFE00, s30  }
0x1d: {  	s31 =	sand.u32 $0x70, s29;
	s30 =	sshrl.u32 s30, $0x2  }
0x1e: {  	s30 =	sor.u32 s31, s30  }
0x1f: {  	[tilespmem:s30+$0x200] =	vst v0  }
0x20: {  	[spmem:s5] =	stream.linear.scatter [tilespmem:s18], [sflag:$0x3], $0x4000, $0x38;
	[tilespmem:$0x1C200] =	vst v63  }
0x21: {  	_ =	swait.ge [sflag:s19], $0x4000  }
0x22: {  	[sflag:s19] =	ssyncset.done $0x0  }
0x23: {  	[sflag:s19] =	ssyncadd.s32 $0xFFFFC000  }
0x24: {  	[spmem:s6] =	stream.linear.scatter [tilespmem:s18], [sflag:$0x3], $0x4000, $0x38;
	[tilespmem:$0x1C200] =	vst v63  }
0x25: {  	_ =	swait.ge [sflag:s19], $0x4000  }
0x26: {  	[sflag:s19] =	ssyncset.done $0x0  }
0x27: {  	[sflag:s19] =	ssyncadd.s32 $0xFFFFC000  }
0x28: {  	[spmem:s7] =	stream.linear.scatter [tilespmem:s18], [sflag:$0x3], $0x4000, $0x38;
	[tilespmem:$0x1C200] =	vst v63  }
0x29: {  	_ =	swait.ge [sflag:s19], $0x4000  }
0x2a: {  	[sflag:s19] =	ssyncset.done $0x0  }
0x2b: {  	[sflag:s19] =	ssyncadd.s32 $0xFFFFC000  }
0x2c: {  	[spmem:s8] =	stream.linear.scatter [tilespmem:s18], [sflag:$0x3], $0x4000, $0x38;
	[tilespmem:$0x1C200] =	vst v63  }
0x2d: {  	_ =	swait.ge [sflag:s19], $0x4000  }
0x2e: {  	[sflag:s19] =	ssyncset.done $0x0  }
0x2f: {  	[sflag:s19] =	ssyncadd.s32 $0xFFFFC000  }
0x30: {  	[spmem:s9] =	stream.linear.scatter [tilespmem:s18], [sflag:$0x3], $0x4000, $0x38;
	[tilespmem:$0x1C200] =	vst v63  }
0x31: {  	_ =	swait.ge [sflag:s19], $0x4000  }
0x32: {  	[sflag:s19] =	ssyncset.done $0x0  }
0x33: {  	[sflag:s19] =	ssyncadd.s32 $0xFFFFC000  }
0x34: {  	[bflag:$0x0] =	sbarrier.arrive $0xFFFF  }
0x35: {  	_ =	sdelay $0x7ff  }
0x36: {  	_ =	sdelay $0x7ff  }
0x37: {  	_ =	sdelay $0x5ad  }
0x38: {  	s28 =	sadd.s32 $0x0, s16;
	[bflag:$0x0] =	sbarrier.arrive $0xFFFF  }
0x39: {  	[tilespmem:s3], [sflag:$0x3] =	stream.linear.gather [hbm4b:s28+s3], $0x80, $0x38;
	[tilespmem:$0x1C200] =	vst v63  }
0x3a: {  	_ =	swait.ge [sflag:s19], $0x80  }
0x3b: {  	[sflag:s19] =	ssyncset.done $0x0  }
0x3c: {  	s28 =	sadd.s32 $0x10, s28;
	[sflag:s19] =	ssyncadd.s32 $0xFFFFFF80  }
0x3d: {  	[tilespmem:s20], [sflag:$0x3] =	stream.linear.gather [hbm4b:s28+s3], $0x80, $0x38;
	[tilespmem:$0x1C200] =	vst v63  }
0x3e: {  	_ =	swait.ge [sflag:s19], $0x80  }
0x3f: {  	[sflag:s19] =	ssyncset.done $0x0  }
0x40: {  	[sflag:s19] =	ssyncadd.s32 $0xFFFFFF80  }
0x41: {  	[tilespmem:s18], [sflag:$0x1] =	stream.indirect.gather [hbm4b:s4+s20], $0x80, s3, s20, $0xb8;
	[tilespmem:$0x1C200] =	vst v63  }
0x42: {  	_ = 	snop  }
0x43: {  	[tilespmem:s21], [sflag:$0x2] =	stream.indirect.gather [hbm4b:s4+s20], $0x80, s20, s20, $0xb8;
	[tilespmem:$0x1C200] =	vst v63  }
0x44: {  	s28 =	sadd.s32 $0x0, s17  }
0x45: {  	[tilespmem:s22], [sflag:$0x3] =	stream.linear.gather [hbm4b:s28+s3], $0x80, $0x38;
	[tilespmem:$0x1C200] =	vst v63  }
0x46: {  	_ =	swait.ge [sflag:s19], $0x80  }
0x47: {  	[sflag:s19] =	ssyncset.done $0x0  }
0x48: {  	s28 =	sadd.s32 $0x10, s28;
	[sflag:s19] =	ssyncadd.s32 $0xFFFFFF80  }
0x49: {  	[tilespmem:s23], [sflag:$0x3] =	stream.linear.gather [hbm4b:s28+s3], $0x80, $0x38;
	[tilespmem:$0x1C200] =	vst v63  }
0x4a: {  	_ =	swait.ge [sflag:s19], $0x80  }
0x4b: {  	[sflag:s19] =	ssyncset.done $0x0  }
0x4c: {  	[sflag:s19] =	ssyncadd.s32 $0xFFFFFF80  }
0x4d: {  	_ =	swait.ge [sflag:s24], $0x4000  }
0x4e: {  	[sflag:s24] =	ssyncset.done $0x0  }
0x4f: {  	[sflag:s24] =	ssyncadd.s32 $0xFFFFC000  }
0x50: {  	[spmem:s2] =	stream.indirect.scatter.add.f32 [tilespmem:s18], [sflag:$0x3], $0x80, s22, s20, $0xb8;
	[tilespmem:$0x1C200] =	vst v63  }
0x51: {  	_ =	swait.ge [sflag:s19], $0x4000  }
0x52: {  	[sflag:s19] =	ssyncset.done $0x0  }
0x53: {  	[sflag:s19] =	ssyncadd.s32 $0xFFFFC000  }
0x54: {  	_ =	swait.ge [sflag:s25], $0x4000  }
0x55: {  	[sflag:s25] =	ssyncset.done $0x0  }
0x56: {  	[sflag:s25] =	ssyncadd.s32 $0xFFFFC000  }
0x57: {  	[spmem:s2] =	stream.indirect.scatter.add.f32 [tilespmem:s21], [sflag:$0x3], $0x80, s23, s20, $0xb8;
	[tilespmem:$0x1C200] =	vst v63  }
0x58: {  	_ =	swait.ge [sflag:s19], $0x4000  }
0x59: {  	s30 =	simm.s32 $0x40;
	s28 =	simm.s32 $0x20;
	[sflag:s19] =	ssyncset.done $0x0  }
.LBB2_4:
0x5a: {  	s31 =	sadd.s32 s28, s16  }
0x5b: {  	[sflag:s19] =	ssyncadd.s32 $0xFFFFC000;
	s1 =	smov.u32 s30;
	s29 =	sadd.s32 $0x20, s30  }
0x5c: {  	[tilespmem:s3], [sflag:$0x3] =	stream.linear.gather [hbm4b:s31+s3], $0x80, $0x38;
	[tilespmem:$0x1C200] =	vst v63  }
0x5d: {  	p0 =	sne.s32 s30, $0x4E0;
	_ =	swait.ge [sflag:s19], $0x80  }
0x5e: {  	[sflag:s19] =	ssyncset.done $0x0  }
0x5f: {  	s30 =	sadd.s32 $0x10, s31;
	[sflag:s19] =	ssyncadd.s32 $0xFFFFFF80  }
0x60: {  	[tilespmem:s20], [sflag:$0x3] =	stream.linear.gather [hbm4b:s30+s3], $0x80, $0x38;
	[tilespmem:$0x1C200] =	vst v63  }
0x61: {  	_ =	swait.ge [sflag:s19], $0x80  }
0x62: {  	[sflag:s19] =	ssyncset.done $0x0  }
0x63: {  	[sflag:s19] =	ssyncadd.s32 $0xFFFFFF80  }
0x64: {  	[tilespmem:s18], [sflag:$0x1] =	stream.indirect.gather [hbm4b:s4+s20], $0x80, s3, s20, $0xb8;
	[tilespmem:$0x1C200] =	vst v63  }
0x65: {  	_ = 	snop  }
0x66: {  	[tilespmem:s21], [sflag:$0x2] =	stream.indirect.gather [hbm4b:s4+s20], $0x80, s20, s20, $0xb8;
	[tilespmem:$0x1C200] =	vst v63  }
0x67: {  	s30 =	sadd.s32 s28, s17;
	s28 =	smov.u32 s1  }
0x68: {  	[tilespmem:s22], [sflag:$0x3] =	stream.linear.gather [hbm4b:s30+s3], $0x80, $0x38;
	[tilespmem:$0x1C200] =	vst v63  }
0x69: {  	_ =	swait.ge [sflag:s19], $0x80  }
0x6a: {  	[sflag:s19] =	ssyncset.done $0x0  }
0x6b: {  	s1 =	sadd.s32 $0x10, s30;
	[sflag:s19] =	ssyncadd.s32 $0xFFFFFF80  }
0x6c: {  	[tilespmem:s23], [sflag:$0x3] =	stream.linear.gather [hbm4b:s1+s3], $0x80, $0x38;
	[tilespmem:$0x1C200] =	vst v63  }
0x6d: {  	_ =	swait.ge [sflag:s19], $0x80  }
0x6e: {  	[sflag:s19] =	ssyncset.done $0x0  }
0x6f: {  	[sflag:s19] =	ssyncadd.s32 $0xFFFFFF80  }
0x70: {  	_ =	swait.ge [sflag:s24], $0x4000  }
0x71: {  	[sflag:s24] =	ssyncset.done $0x0  }
0x72: {  	[sflag:s24] =	ssyncadd.s32 $0xFFFFC000  }
0x73: {  	[spmem:s2] =	stream.indirect.scatter.add.f32 [tilespmem:s18], [sflag:$0x3], $0x80, s22, s20, $0xb8;
	[tilespmem:$0x1C200] =	vst v63  }
0x74: {  	_ =	swait.ge [sflag:s19], $0x4000  }
0x75: {  	[sflag:s19] =	ssyncset.done $0x0  }
0x76: {  	[sflag:s19] =	ssyncadd.s32 $0xFFFFC000  }
0x77: {  	_ =	swait.ge [sflag:s25], $0x4000  }
.Ltmp1:
0x78: {  	[sflag:s25] =	ssyncset.done $0x0;
	(pc) =	sbr.rel @p0 .LBB2_4-.Ltmp1, $4  }
0x79: {  	[sflag:s25] =	ssyncadd.s32 $0xFFFFC000  }
0x7a: {  	[spmem:s2] =	stream.indirect.scatter.add.f32 [tilespmem:s21], [sflag:$0x3], $0x80, s23, s20, $0xb8;
	[tilespmem:$0x1C200] =	vst v63  }
0x7b: {  	_ =	swait.ge [sflag:s19], $0x4000  }
0x7c: {  	s30 =	smov.u32 s29;
	[sflag:s19] =	ssyncset.done $0x0  }
0x7d: {  	s1 =	sadd.s32 s28, s16;
	[sflag:s19] =	ssyncadd.s32 $0xFFFFC000  }
0x7e: {  	[tilespmem:s3], [sflag:$0x3] =	stream.linear.gather [hbm4b:s1+s3], $0x80, $0x38;
	[tilespmem:$0x1C200] =	vst v63  }
0x7f: {  	_ =	swait.ge [sflag:s19], $0x80  }
0x80: {  	[sflag:s19] =	ssyncset.done $0x0  }
0x81: {  	s1 =	sadd.s32 $0x10, s1;
	[sflag:s19] =	ssyncadd.s32 $0xFFFFFF80  }
0x82: {  	[tilespmem:s20], [sflag:$0x3] =	stream.linear.gather [hbm4b:s1+s3], $0x80, $0x38;
	[tilespmem:$0x1C200] =	vst v63  }
0x83: {  	_ =	swait.ge [sflag:s19], $0x80  }
0x84: {  	[sflag:s19] =	ssyncset.done $0x0  }
0x85: {  	[sflag:s19] =	ssyncadd.s32 $0xFFFFFF80  }
0x86: {  	[tilespmem:s18], [sflag:$0x1] =	stream.indirect.gather [hbm4b:s4+s20], $0x80, s3, s20, $0xb8;
	[tilespmem:$0x1C200] =	vst v63  }
0x87: {  	_ = 	snop  }
0x88: {  	[tilespmem:s21], [sflag:$0x2] =	stream.indirect.gather [hbm4b:s4+s20], $0x80, s20, s20, $0xb8;
	[tilespmem:$0x1C200] =	vst v63  }
0x89: {  	s31 =	sadd.s32 s28, s17  }
0x8a: {  	[tilespmem:s22], [sflag:$0x3] =	stream.linear.gather [hbm4b:s31+s3], $0x80, $0x38;
	[tilespmem:$0x1C200] =	vst v63  }
0x8b: {  	_ =	swait.ge [sflag:s19], $0x80  }
0x8c: {  	[sflag:s19] =	ssyncset.done $0x0  }
0x8d: {  	s1 =	sadd.s32 $0x10, s31;
	[sflag:s19] =	ssyncadd.s32 $0xFFFFFF80  }
0x8e: {  	[tilespmem:s23], [sflag:$0x3] =	stream.linear.gather [hbm4b:s1+s3], $0x80, $0x38;
	[tilespmem:$0x1C200] =	vst v63  }
0x8f: {  	_ =	swait.ge [sflag:s19], $0x80  }
0x90: {  	[sflag:s19] =	ssyncset.done $0x0  }
0x91: {  	[sflag:s19] =	ssyncadd.s32 $0xFFFFFF80  }
0x92: {  	_ =	swait.ge [sflag:s24], $0x4000  }
0x93: {  	[sflag:s24] =	ssyncset.done $0x0  }
0x94: {  	[sflag:s24] =	ssyncadd.s32 $0xFFFFC000  }
0x95: {  	[spmem:s2] =	stream.indirect.scatter.add.f32 [tilespmem:s18], [sflag:$0x3], $0x80, s22, s20, $0xb8;
	[tilespmem:$0x1C200] =	vst v63  }
0x96: {  	_ =	swait.ge [sflag:s19], $0x4000  }
0x97: {  	[sflag:s19] =	ssyncset.done $0x0  }
0x98: {  	[sflag:s19] =	ssyncadd.s32 $0xFFFFC000  }
0x99: {  	_ =	swait.ge [sflag:s25], $0x4000  }
0x9a: {  	[sflag:s25] =	ssyncset.done $0x0  }
0x9b: {  	[sflag:s25] =	ssyncadd.s32 $0xFFFFC000  }
0x9c: {  	[spmem:s2] =	stream.indirect.scatter.add.f32 [tilespmem:s21], [sflag:$0x3], $0x80, s23, s20, $0xb8;
	[tilespmem:$0x1C200] =	vst v63  }
0x9d: {  	_ =	swait.ge [sflag:s19], $0x4000  }
0x9e: {  	[sflag:s19] =	ssyncset.done $0x0  }
0x9f: {  	[sflag:s19] =	ssyncadd.s32 $0xFFFFC000  }
0xa0: {  	[bflag:$0x0] =	sbarrier.arrive $0xFFFF  }
0xa1: {  	_ =	sdelay $0x7ff  }
0xa2: {  	_ =	sdelay $0x7ff  }
0xa3: {  	_ =	sdelay $0x5ad  }
0xa4: {  	[bflag:$0x0] =	sbarrier.arrive $0xFFFF  }
0xa5: {  	[tilespmem:s18], [sflag:$0x3] =	stream.linear.gather [spmem:s5], $0x4000, $0x38;
	[tilespmem:$0x1C200] =	vst v63  }
0xa6: {  	_ =	swait.ge [sflag:s19], $0x4000  }
0xa7: {  	[sflag:s19] =	ssyncset.done $0x0  }
0xa8: {  	[sflag:s19] =	ssyncadd.s32 $0xFFFFC000  }
0xa9: {  	[hbm4b:s10+s3] =	stream.linear.scatter [tilespmem:s18], [sflag:$0x3], $0x4000, $0x38;
	[tilespmem:$0x1C200] =	vst v63  }
0xaa: {  	_ =	swait.ge [sflag:s19], $0x4000  }
0xab: {  	[sflag:s19] =	ssyncset.done $0x0  }
0xac: {  	[sflag:s19] =	ssyncadd.s32 $0xFFFFC000  }
0xad: {  	[tilespmem:s18], [sflag:$0x3] =	stream.linear.gather [spmem:s6], $0x4000, $0x38;
	[tilespmem:$0x1C200] =	vst v63  }
0xae: {  	_ =	swait.ge [sflag:s19], $0x4000  }
0xaf: {  	[sflag:s19] =	ssyncset.done $0x0  }
0xb0: {  	[sflag:s19] =	ssyncadd.s32 $0xFFFFC000  }
0xb1: {  	[hbm4b:s11+s3] =	stream.linear.scatter [tilespmem:s18], [sflag:$0x3], $0x4000, $0x38;
	[tilespmem:$0x1C200] =	vst v63  }
0xb2: {  	_ =	swait.ge [sflag:s19], $0x4000  }
0xb3: {  	[sflag:s19] =	ssyncset.done $0x0  }
0xb4: {  	[sflag:s19] =	ssyncadd.s32 $0xFFFFC000  }
0xb5: {  	[tilespmem:s18], [sflag:$0x3] =	stream.linear.gather [spmem:s7], $0x4000, $0x38;
	[tilespmem:$0x1C200] =	vst v63  }
0xb6: {  	_ =	swait.ge [sflag:s19], $0x4000  }
0xb7: {  	[sflag:s19] =	ssyncset.done $0x0  }
0xb8: {  	[sflag:s19] =	ssyncadd.s32 $0xFFFFC000  }
0xb9: {  	[hbm4b:s12+s3] =	stream.linear.scatter [tilespmem:s18], [sflag:$0x3], $0x4000, $0x38;
	[tilespmem:$0x1C200] =	vst v63  }
0xba: {  	_ =	swait.ge [sflag:s19], $0x4000  }
0xbb: {  	[sflag:s19] =	ssyncset.done $0x0  }
0xbc: {  	[sflag:s19] =	ssyncadd.s32 $0xFFFFC000  }
0xbd: {  	[tilespmem:s18], [sflag:$0x3] =	stream.linear.gather [spmem:s8], $0x4000, $0x38;
	[tilespmem:$0x1C200] =	vst v63  }
0xbe: {  	_ =	swait.ge [sflag:s19], $0x4000  }
0xbf: {  	[sflag:s19] =	ssyncset.done $0x0  }
0xc0: {  	[sflag:s19] =	ssyncadd.s32 $0xFFFFC000  }
0xc1: {  	[hbm4b:s13+s3] =	stream.linear.scatter [tilespmem:s18], [sflag:$0x3], $0x4000, $0x38;
	[tilespmem:$0x1C200] =	vst v63  }
0xc2: {  	_ =	swait.ge [sflag:s19], $0x4000  }
0xc3: {  	[sflag:s19] =	ssyncset.done $0x0  }
0xc4: {  	[sflag:s19] =	ssyncadd.s32 $0xFFFFC000  }
0xc5: {  	[tilespmem:s18], [sflag:$0x3] =	stream.linear.gather [spmem:s9], $0x4000, $0x38;
	[tilespmem:$0x1C200] =	vst v63  }
0xc6: {  	s26 =	sadd.s32 $0x1, s26;
	_ =	swait.ge [sflag:s19], $0x4000  }
0xc7: {  	p0 =	sne.s32 s26, s15;
	[sflag:s19] =	ssyncset.done $0x0  }
.Ltmp2:
0xc8: {  	[sflag:s19] =	ssyncadd.s32 $0xFFFFC000;
	(pc) =	sbr.rel @p0 .LBB2_1-.Ltmp2, $4  }
0xc9: {  	[hbm4b:s14+s3] =	stream.linear.scatter [tilespmem:s18], [sflag:$0x3], $0x4000, $0x38;
	[tilespmem:$0x1C200] =	vst v63  }
0xca: {  	_ =	swait.ge [sflag:s19], $0x4000  }
0xcb: {  	[sflag:s19] =	ssyncset.done $0x0  }
0xcc: {  	[sflag:s19] =	ssyncadd.s32 $0xFFFFC000  }
0xcd: {  	_ =	sfence.sel $0x180000  }
0xce: {  	[bflag:$0x0] =	sbarrier.arrive $0xFFFF  }
0xcf: {  	_ =	strace $0x9000004D  }
0xd0: {  	[bflag:$0x2] =	sbarrier.arrive $0xFFFF  }
0xd1: {  	p0 =	sne.s32 s0, $0x0;
	s0 =	rddreg [dreg:$0x2]  }
0xd2: {  	s0 =	sadd.s32 @!p0 $0x100000, s0  }
0xd3: {  	[sflag:s0] =	ssyncadd.tile.s32 @!p0 $0x1;
	_ =	shalt  }
.Lfunc_end2:
_tile_overlayer_lowered:
.L_overlay_start_2:
0xd4: {  	(tag) =	ssettag $0x2  }
0xd5: {  	s0 =	rddreg [dreg:$0x0];
	s2 =	stileid.u32  }
0xd6: {  	s1 =	rddreg [dreg:$0x1];
	p0 =	sne.s32 s2, $0x0  }
0xd7: {  	s3 =	rddreg [dreg:$0x2];
	[bflag:$0x3] =	sbarrier.arrive $0xFFFF;
	s2 =	simm.s32 @!p0 $0x1C03  }
0xd8: {  	[timem:s3], [sflag:s2] =	dma.local @!p0 [hbm:s0], s1  }
0xd9: {  	s0 =	simm.s32 @!p0 $0x3  }
0xda: {  	_ =	swait.ge @!p0 [sflag:s0], s1  }
0xdb: {  	s1 =	ssub.s32 @!p0 $0x0, s1;
	[sflag:s0] =	ssyncset.done @!p0 $0x0  }
0xdc: {  	[sflag:s0] =	ssyncadd.s32 @!p0 s1  }
0xdd: {  	[bflag:$0x3] =	sbarrier.arrive $0xFFFF  }
0xde: {  	_ =	shalt  }

// kernel: kernel.9.cloned.1.call-start
scs
__scs_entry_jumppad:
0x0: {  	(pc) =	sbr.rel $0x88, $3  }
0x1: {  	(tag) =	ssettag $0x0;
	lr =	simm.s32 $0x1  }
0x2: {  	[smem:$0x3F99] =	sst lr;
	_ =	strace $0xD0000000  }
0x3: {  	_ = 	snop  }
0x4: {  	_ = 	snop  }
0x5: {  	_ = 	snop  }
0x6: {  	_ = 	snop  }
0x7: {  	_ = 	snop  }
__scs_overlays_trampoline_lowered:
0x8: {  	[smem:$0x3FA8] =	sst s0  }
0x9: {  	[smem:$0x3FA9] =	sst s1  }
0xa: {  	[smem:$0x3FAA] =	sst s2  }
0xb: {  	[smem:$0x3FAB] =	sst s3  }
0xc: {  	[smem:$0x3FAC] =	sst s4  }
0xd: {  	[smem:$0x3FAD] =	sst s5  }
0xe: {  	[smem:$0x3FAE] =	sst s6  }
0xf: {  	[smem:$0x3FAF] =	sst s7  }
0x10: {  	[smem:$0x3FB0] =	sst s8  }
0x11: {  	[smem:$0x3FB1] =	sst s9;
	s0 =	simm.s32 @!p0 $0x0  }
0x12: {  	s1 =	sld [smem:$0x3F97];
	s0 =	simm.s32 @p0 $0x1  }
0x13: {  	[smem:$0x3FB2] =	sst s0;
	s0 =	simm.s32 @!p1 $0x0  }
0x14: {  	s2 =	sld [smem:$0x3F96];
	s0 =	simm.s32 @p1 $0x1  }
0x15: {  	[smem:$0x3FB3] =	sst s0;
	s0 =	simm.s32 @!p2 $0x0  }
0x16: {  	s3 =	sld [smem:$0x3FDB];
	s0 =	simm.s32 @p2 $0x1  }
0x17: {  	s4 =	simm.s32 $0x1BF5;
	[smem:$0x3FB5] =	sst s0  }
0x18: {  	s0 =	sld [smem:$0x3F98];
	_ =	swait.ge [sflag:s4], $0x0  }
0x19: {  	s7 =	sld [smem:$0x3F99]  }
0x1a: {  	s8 =	sadd.s32 $0xFFFFE003, lr  }
0x1b: {  	s9 =	sadd.s32 $0xFFFFFEF7, lr;
	s5 =	simm.s32 $0xFFFFFFFF;
	p2 =	slt.u32 s8, $0xFFFFF086  }
0x1c: {  	p1 =	slt.u32 s9, $0xF7A;
	s5 =	simm.s32 @!p2 $0x0  }
0x1d: {  	s5 =	simm.s32 @p1 $0x1;
	p0 =	seq.s32 s7, s2  }
0x1e: {  	s7 =	smul.u32 @!p0 $0xF7A, s2;
	p2 =	seq.s32 @!p0 s5, $0x0  }
0x1f: {  	s9 =	smul.u32 $0xF7A, s1;
	s8 =	simm.s32 @!p0 $0x1BF5;
	p2 =	por !p2, p0  }
0x20: {  	[sflag:s8] =	ssyncset.s32 @!p0 $0xFFFFF086;
	s6 =	sadd.s32 @!p0 s3, s7;
	s7 =	simm.s32 @!p0 $0x108  }
0x21: {  	s3 =	sadd.s32 s3, s9;
	s6 =	sadd.s32 @!p0 $0x88, s6;
	s7 =	simm.s32 @p2 $0x1082  }
0x22: {  	[simem:s7], [sflag:s8] =	dma.local @!p0 [hbm:s6], $0xF7A  }
0x23: {  	s9 =	sor.u32 $0xD0000000, s2;
	s6 =	simm.s32 $0x108;
	_ =	swait.ge @!p0 [sflag:s8], $0x0  }
0x24: {  	s3 =	sadd.s32 $0x88, s3;
	s6 =	simm.s32 @!p1 $0x1082;
	[sflag:s4] =	ssyncset.s32 $0xFFFFF086  }
0x25: {  	[simem:s6], [sflag:s4] =	dma.local [hbm:s3], $0xF7A  }
0x26: {  	[smem:$0x3F99] =	sst s1;
	(tag) =	ssettag s2;
	_ =	strace s9  }
0x27: {  	s1 =	sld [smem:$0x3FA9]  }
0x28: {  	s2 =	sld [smem:$0x3FAA]  }
0x29: {  	s4 =	sld [smem:$0x3FAC]  }
0x2a: {  	p0 =	seq.s32 s5, $0x0;
	s5 =	sld [smem:$0x3FAD]  }
0x2b: {  	s6 =	sld [smem:$0x3FAE]  }
0x2c: {  	s7 =	sld [smem:$0x3FAF]  }
0x2d: {  	s3 =	simm.s32 $0x108;
	s8 =	sld [smem:$0x3FB0]  }
0x2e: {  	s3 =	simm.s32 @!p0 $0x1082;
	s9 =	sld [smem:$0x3FB1]  }
0x2f: {  	lr =	sadd.s32 s0, s3;
	s0 =	sld [smem:$0x3FA8]  }
0x30: {  	s3 =	sld [smem:$0x3FAB]  }
0x31: {  	[smem:$0x3FB4] =	sst s10  }
0x32: {  	s10 =	sld [smem:$0x3FB2];
	_ =	sdelay $0x3  }
0x33: {  	p0 =	seq.s32 s10, $0x1;
	s10 =	sld [smem:$0x3FB4];
	_ =	sdelay $0x3  }
0x34: {  	[smem:$0x3FB4] =	sst s10  }
0x35: {  	s10 =	sld [smem:$0x3FB3];
	_ =	sdelay $0x3  }
0x36: {  	p1 =	seq.s32 s10, $0x1;
	s10 =	sld [smem:$0x3FB4];
	_ =	sdelay $0x3  }
0x37: {  	[smem:$0x3FB4] =	sst s10  }
0x38: {  	s10 =	sld [smem:$0x3FB5]  }
0x39: {  	_ = 	snop;
	(pc) =	sbr.ind lr, $3  }
0x3a: {  	_ = 	snop  }
0x3b: {  	_ = 	snop  }
0x3c: {  	p2 =	seq.s32 s10, $0x1;
	s10 =	sld [smem:$0x3FB4]  }
0x3d: {  	_ =	shalt  }
0x3e: {  	_ =	shalt  }
0x3f: {  	_ =	shalt  }
0x40: {  	_ =	shalt  }
0x41: {  	_ =	shalt  }
0x42: {  	_ =	shalt  }
0x43: {  	_ =	shalt  }
0x44: {  	_ =	shalt  }
0x45: {  	_ =	shalt  }
0x46: {  	_ =	shalt  }
0x47: {  	_ =	shalt  }
0x48: {  	_ =	shalt  }
0x49: {  	_ =	shalt  }
0x4a: {  	_ =	shalt  }
0x4b: {  	_ =	shalt  }
0x4c: {  	_ =	shalt  }
0x4d: {  	_ =	shalt  }
0x4e: {  	_ =	shalt  }
0x4f: {  	_ =	shalt  }
0x50: {  	_ =	shalt  }
0x51: {  	_ =	shalt  }
0x52: {  	_ =	shalt  }
0x53: {  	_ =	shalt  }
0x54: {  	_ =	shalt  }
0x55: {  	_ =	shalt  }
0x56: {  	_ =	shalt  }
0x57: {  	_ =	shalt  }
0x58: {  	_ =	shalt  }
0x59: {  	_ =	shalt  }
0x5a: {  	_ =	shalt  }
0x5b: {  	_ =	shalt  }
0x5c: {  	_ =	shalt  }
0x5d: {  	_ =	shalt  }
0x5e: {  	_ =	shalt  }
0x5f: {  	_ =	shalt  }
0x60: {  	_ =	shalt  }
0x61: {  	_ =	shalt  }
0x62: {  	_ =	shalt  }
0x63: {  	_ =	shalt  }
0x64: {  	_ =	shalt  }
0x65: {  	_ =	shalt  }
0x66: {  	_ =	shalt  }
0x67: {  	_ =	shalt  }
0x68: {  	_ =	shalt  }
0x69: {  	_ =	shalt  }
0x6a: {  	_ =	shalt  }
0x6b: {  	_ =	shalt  }
0x6c: {  	_ =	shalt  }
0x6d: {  	_ =	shalt  }
0x6e: {  	_ =	shalt  }
0x6f: {  	_ =	shalt  }
0x70: {  	_ =	shalt  }
0x71: {  	_ =	shalt  }
0x72: {  	_ =	shalt  }
0x73: {  	_ =	shalt  }
0x74: {  	_ =	shalt  }
0x75: {  	_ =	shalt  }
0x76: {  	_ =	shalt  }
0x77: {  	_ =	shalt  }
0x78: {  	_ =	shalt  }
0x79: {  	_ =	shalt  }
0x7a: {  	_ =	shalt  }
0x7b: {  	_ =	shalt  }
0x7c: {  	_ =	shalt  }
0x7d: {  	_ =	shalt  }
0x7e: {  	_ =	shalt  }
0x7f: {  	_ =	shalt  }
0x80: {  	_ =	shalt  }
0x81: {  	_ =	shalt  }
0x82: {  	_ =	shalt  }
0x83: {  	_ =	shalt  }
0x84: {  	_ =	shalt  }
0x85: {  	_ =	shalt  }
0x86: {  	_ =	shalt  }
0x87: {  	_ =	shalt  }
.Lfunc_end0:
.L_simem_size_0:
called_computation_lowered:
.L_overlay_start_0:
0x88: {  	s2 =	sld [smem:$0x3FD9]  }
0x89: {  	s3 =	sld [smem:$0x3FFE];
	_ =	sdelay $0x1  }
0x8a: {  	s1 =	srdreg.scid  }
0x8b: {  	s0 =	sand.u32 $0x1, s1  }
0x8c: {  	s17 =	sshll.u32 s0, $0xA;
	s2 =	sadd.s32 s3, s2  }
0x8d: {  	s2 =	sadd.s32 s2, s17  }
0x8e: {  	[smem:$0x3FC0] =	sst s2  }
0x8f: {  	_ = 	snop  }
0x90: {  	s2 =	sld [smem:$0x3FD0];
	(tm) =	ssettm $0x1  }
0x91: {  	s18 =	sld [smem:$0x3FFB];
	_ =	sdelay $0x3  }
0x92: {  	_ =	strace s18  }
0x93: {  	s3 =	sld [smem:$0x3FFC];
	_ =	sdelay $0x3  }
0x94: {  	_ =	strace s3  }
0x95: {  	s3 =	sld [smem:$0x3FFD];
	_ =	sdelay $0x3  }
0x96: {  	_ =	strace s3  }
0x97: {  	_ =	strace $0x8FFFFFFF  }
0x98: {  	s19 =	sld [smem:$0x3FDB];
	_ =	sdelay $0x1  }
0x99: {  	s4 =	simm.s32 $_scs_section_size  }
0x9a: {  	s5 =	simm.s32 $_size__tile_overlayer_lowered;
	s6 =	simm.s32 $_tile_overlayer_lowered  }
0x9b: {  	s22 =	simm.s32 $0x1BFF;
	s21 =	sshll.u32 s6, $0x1;
	s3 =	sadd.s32 s4, s19  }
0x9c: {  	s7 =	simm.s32 $0x0;
	s20 =	sshll.u32 s5, $0x1;
	s5 =	sadd.s32 s21, s3  }
0x9d: {  	[timem:s7], [sflag:s22] =	dma.local [hbm:s5], s20  }
0x9e: {  	_ =	swait.ge [sflag:s22], s20  }
0x9f: {  	s4 =	ssub.s32 $0x0, s20;
	[sflag:s22] =	ssyncset.done $0x0  }
0xa0: {  	[sflag:s22] =	ssyncadd.s32 s4;
	_ =	sdelay $0x1  }
0xa1: {  	s23 =	simm.s32 $0x1B8B  }
0xa2: {  	_ =	swait.ge [sflag:s23], $0x1  }
0xa3: {  	[sflag:s23] =	ssyncset.done $0x0  }
0xa4: {  	s25 =	simm.s32 $0x1B8E;
	s24 =	sld [smem:$0x3FFE];
	[sflag:s23] =	ssyncadd.s32 $0xFFFFFFFF  }
0xa5: {  	s26 =	simm.s32 $execute0_lowered;
	[smem:$0x3FD2] =	sst s25  }
0xa6: {  	s5 =	sshll.u32 s26, $0x1;
	_ =	strace $0x80000046;
	[dreg:$0x1] =	wrdreg $0xFFFFFFFF  }
0xa7: {  	s28 =	simm.s32 $_size_execute0_lowered;
	s3 =	sadd.s32 s3, s5;
	[dreg:$0x0] =	wrdreg $0x0  }
0xa8: {  	s5 =	sshll.u32 s28, $0x1;
	[dreg:$0x2] =	wrdreg s3  }
0xa9: {  	[dreg:$0x3] =	wrdreg s5  }
0xaa: {  	[dreg:$0x4] =	wrdreg $0xC0  }
0xab: {  	_ =	task [dreg:s7], $0x5FFFF  }
0xac: {  	[dreg:$0x1] =	wrdreg $0xFFFFFFFF  }
0xad: {  	[dreg:$0x0] =	wrdreg $0x60  }
0xae: {  	[dreg:$0x2] =	wrdreg s24  }
0xaf: {  	[dreg:$0x3] =	wrdreg s2  }
0xb0: {  	[dreg:$0x4] =	wrdreg $0x2B000  }
0xb1: {  	[dreg:$0x5] =	wrdreg $0x9  }
0xb2: {  	_ =	task.clear_ibuf [dreg:s7], $0x6FFFF;
	_ =	strace $0x90000046  }
0xb3: {  	s29 =	simm.s32 $0x9;
	_ =	strace $0x80000048  }
0xb4: {  	_ =	swait.ge [sflag:s29], $0x1  }
0xb5: {  	[sflag:s29] =	ssyncadd.s32 $0xFFFFFFFF  }
0xb6: {  	_ =	strace $0x90000048  }
0xb7: {  	_ =	sfence  }
0xb8: {  	s30 =	sld [smem:$0x0];
	_ =	sdelay $0x2  }
0xb9: {  	s31 =	sshll.u32 s1, $0xD;
	s1 =	sshrl.u32 s1, $0x2  }
0xba: {  	s3 =	sand.u32 $0x4000, s31;
	s1 =	sadd.s32 s1, s30  }
0xbb: {  	s0 =	sor.u32 s3, s0;
	s1 =	sshll.u32 s1, $0x11  }
0xbc: {  	s0 =	sor.u32 s1, s0  }
0xbd: {  	s0 =	sadd.s32 $0x8F2B, s0  }
0xbe: {  	[sflag:s0] =	ssyncadd.remote.s32 $0x1  }
0xbf: {  	_ =	sfence.sel $0xFFFF  }
0xc0: {  	[dreg:$0x0] =	wrdreg $0xFFFFFFFF;
	(pc) =	sbr.abs _section_cstart, $3  }
0xc1: {  	[dreg:$0x1] =	wrdreg $0xFFFFFFFF  }
0xc2: {  	_ =	task.clear_ibuf [dreg:s7], $0x2FFFF;
	_ =	strace $0x9FFFFFFF  }
0xc3: {  	(tm) =	ssettm $0x7FFFFFFF  }
tec
execute0_lowered:
.L_overlay_start_1:
0x0: {  	(tag) =	ssettag $0x1  }
0x1: {  	s1 =	srdreg.scid;
	s4 =	rddreg [dreg:$0x0]  }
0x2: {  	s0 =	stileid.u32;
	s6 =	rddreg [dreg:$0x1]  }
0x3: {  	s2 =	rddreg [dreg:$0x2];
	s3 =	simm.s32 $0x0;
	s11 =	simm.s32 $0x2800  }
0x4: {  	s12 =	simm.s32 $0x1;
	s13 =	simm.s32 $0x2;
	s14 =	simm.s32 $0x3  }
0x5: {  	s15 =	simm.s32 $0x4;
	s16 =	simm.s32 $0x0;
	s5 =	sand.u32 $0x1, s1  }
0x6: {  	s29 =	sshll.u32 s0, $0x1;
	s8 =	smul.u32 $0x280, s0;
	[smem:$0x7FF] =	sst s3  }
0x7: {  	s1 =	sor.u32 s5, s29;
	s9 =	smul.u32 $0x2800, s5;
	s5 =	ssub.s32 $0x2, s5  }
0x8: {  	s7 =	smul.u32 $0x500, s1;
	s1 =	rddreg [dreg:$0x3];
	s30 =	sshrl.u32 s5, $0x1  }
0x9: {  	_ =	strace $0x80000047;
	s9 =	sadd.s32 s8, s9;
	s10 =	ssub.s32 s5, s30  }
0xa: {  	s7 =	sadd.s32 s7, s4;
	s4 =	sadd.s32 s8, s2;
	s31 =	sshrl.u32 s9, $0x3  }
0xb: {  	s8 =	simm.s32 $0x2880;
	s9 =	simm.s32 $0x5;
	s5 =	sadd.s32 $0x2A00, s7  }
0xc: {  	v0 =	vimm.f32 $1.000000000e+00;
	v1 =	vimm.f32 $0.0e+00;
	s6 =	sadd.s32 s6, s31;
	s7 =	smax.u32 s10, $0x1;
	s10 =	simm.s32 $0x80  }
.LBB2_1:
0xd: {  	[tilespmem:$0x2800] =	vst v0  }
0xe: {  	[tilespmem:$0x2810] =	vst v0  }
0xf: {  	[tilespmem:$0x2820] =	vst v0  }
0x10: {  	[tilespmem:$0x2830] =	vst v0  }
0x11: {  	[tilespmem:$0x2840] =	vst v0  }
0x12: {  	[tilespmem:$0x2850] =	vst v0  }
0x13: {  	[tilespmem:$0x2860] =	vst v0  }
0x14: {  	[tilespmem:$0x2870] =	vst v0  }
0x15: {  	[tilespmem:$0x2880] =	vst v1  }
0x16: {  	[tilespmem:$0x2890] =	vst v1  }
0x17: {  	[tilespmem:$0x28A0] =	vst v1  }
0x18: {  	[tilespmem:$0x28B0] =	vst v1  }
0x19: {  	[tilespmem:$0x28C0] =	vst v1  }
0x1a: {  	[tilespmem:$0x28D0] =	vst v1  }
0x1b: {  	[tilespmem:$0x28E0] =	vst v1  }
0x1c: {  	[tilespmem:$0x28F0] =	vst v1  }
0x1d: {  	[tilespmem:$0x2900] =	vst v1  }
0x1e: {  	[tilespmem:$0x2910] =	vst v1  }
0x1f: {  	[tilespmem:$0x2920] =	vst v1  }
0x20: {  	[tilespmem:$0x2930] =	vst v1  }
0x21: {  	[tilespmem:$0x2940] =	vst v1  }
0x22: {  	[tilespmem:$0x2950] =	vst v1  }
0x23: {  	[tilespmem:$0x2960] =	vst v1  }
0x24: {  	[tilespmem:$0x2970] =	vst v1  }
0x25: {  	[tilespmem:$0x2980] =	vst v1  }
0x26: {  	[tilespmem:$0x2990] =	vst v1  }
0x27: {  	[tilespmem:$0x29A0] =	vst v1  }
0x28: {  	[tilespmem:$0x29B0] =	vst v1  }
0x29: {  	[tilespmem:$0x29C0] =	vst v1  }
0x2a: {  	[tilespmem:$0x29D0] =	vst v1  }
0x2b: {  	[tilespmem:$0x29E0] =	vst v1  }
0x2c: {  	[tilespmem:$0x29F0] =	vst v1  }
0x2d: {  	[tilespmem:$0x2A00] =	vst v1  }
0x2e: {  	[tilespmem:$0x2A10] =	vst v1  }
0x2f: {  	[tilespmem:$0x2A20] =	vst v1  }
0x30: {  	[tilespmem:$0x2A30] =	vst v1  }
0x31: {  	[tilespmem:$0x2A40] =	vst v1  }
0x32: {  	[tilespmem:$0x2A50] =	vst v1  }
0x33: {  	[tilespmem:$0x2A60] =	vst v1  }
0x34: {  	[tilespmem:$0x2A70] =	vst v1  }
0x35: {  	[tilespmem:$0x2A80] =	vst v1  }
0x36: {  	[tilespmem:$0x2A90] =	vst v1  }
0x37: {  	[tilespmem:$0x2AA0] =	vst v1  }
0x38: {  	[tilespmem:$0x2AB0] =	vst v1  }
0x39: {  	[tilespmem:$0x2AC0] =	vst v1  }
0x3a: {  	[tilespmem:$0x2AD0] =	vst v1  }
0x3b: {  	[tilespmem:$0x2AE0] =	vst v1  }
0x3c: {  	[tilespmem:$0x2AF0] =	vst v1  }
0x3d: {  	[spmem:s4] =	stream.linear.scatter [tilespmem:s8], [sflag:$0x5], $0x280, $0x38;
	[tilespmem:$0x2D80] =	vst v63  }
0x3e: {  	_ =	swait.ge [sflag:s9], $0x280  }
0x3f: {  	[sflag:s9] =	ssyncset.done $0x0  }
0x40: {  	[sflag:s9] =	ssyncadd.s32 $0xFFFFFD80  }
0x41: {  	[tilespmem:s3], [sflag:$0x5] =	stream.linear.gather [hbm4b:s5+s3], $0x2800, $0x38;
	[tilespmem:$0x2D80] =	vst v63  }
0x42: {  	_ =	swait.ge [sflag:s9], $0x2800  }
0x43: {  	[sflag:s9] =	ssyncset.done $0x0  }
0x44: {  	[sflag:s9] =	ssyncadd.s32 $0xFFFFD800  }
0x45: {  	[bflag:$0x0] =	sbarrier.arrive $0xFFFF  }
0x46: {  	_ =	sdelay $0x7ff  }
0x47: {  	_ =	sdelay $0x7ff  }
0x48: {  	_ =	sdelay $0x5ad  }
0x49: {  	s17 =	simm.s32 $0x0;
	[bflag:$0x0] =	sbarrier.arrive $0xFFFF  }
0x4a: {  	[spmem:s2] =	stream.indirect.scatter.add.f32 [tilespmem:s11], [sflag:$0x1], $0x1, s17, s10, $0xb8;
	[tilespmem:$0x2D80] =	vst v63  }
0x4b: {  	s29 =	simm.s32 $0x80  }
0x4c: {  	[spmem:s2] =	stream.indirect.scatter.add.f32 [tilespmem:s11], [sflag:$0x2], $0x1, s29, s10, $0xb8;
	[tilespmem:$0x2D80] =	vst v63  }
0x4d: {  	s30 =	simm.s32 $0x100  }
0x4e: {  	[spmem:s2] =	stream.indirect.scatter.add.f32 [tilespmem:s11], [sflag:$0x3], $0x1, s30, s10, $0xb8;
	[tilespmem:$0x2D80] =	vst v63  }
0x4f: {  	s31 =	simm.s32 $0x180  }
0x50: {  	[spmem:s2] =	stream.indirect.scatter.add.f32 [tilespmem:s11], [sflag:$0x4], $0x1, s31, s10, $0xb8;
	[tilespmem:$0x2D80] =	vst v63  }
0x51: {  	_ =	swait.ge [sflag:s12], $0x80  }
0x52: {  	[sflag:s12] =	ssyncset.done $0x0  }
0x53: {  	[sflag:s12] =	ssyncadd.s32 $0xFFFFFF80  }
0x54: {  	_ =	swait.ge [sflag:s13], $0x80  }
0x55: {  	[sflag:s13] =	ssyncset.done $0x0  }
0x56: {  	[sflag:s13] =	ssyncadd.s32 $0xFFFFFF80  }
0x57: {  	_ =	swait.ge [sflag:s14], $0x80  }
0x58: {  	[sflag:s14] =	ssyncset.done $0x0  }
0x59: {  	[sflag:s14] =	ssyncadd.s32 $0xFFFFFF80  }
0x5a: {  	_ =	swait.ge [sflag:s15], $0x80  }
0x5b: {  	s18 =	simm.s32 $0x1000;
	s17 =	simm.s32 $0x800;
	[sflag:s15] =	ssyncset.done $0x0  }
.LBB2_2:
0x5c: {  	s19 =	sshra.s32 s17, $0x2  }
0x5d: {  	[sflag:s15] =	ssyncadd.s32 $0xFFFFFF80;
	s17 =	smov.u32 s18;
	s20 =	sadd.s32 $0x800, s18  }
0x5e: {  	[spmem:s2] =	stream.indirect.scatter.add.f32 [tilespmem:s11], [sflag:$0x1], $0x1, s19, s10, $0xb8;
	[tilespmem:$0x2D80] =	vst v63  }
0x5f: {  	p0 =	sne.s32 s18, $0x9800;
	s18 =	sadd.s32 $0x80, s19  }
0x60: {  	[spmem:s2] =	stream.indirect.scatter.add.f32 [tilespmem:s11], [sflag:$0x2], $0x1, s18, s10, $0xb8;
	[tilespmem:$0x2D80] =	vst v63  }
0x61: {  	s18 =	sadd.s32 $0x100, s19  }
0x62: {  	[spmem:s2] =	stream.indirect.scatter.add.f32 [tilespmem:s11], [sflag:$0x3], $0x1, s18, s10, $0xb8;
	[tilespmem:$0x2D80] =	vst v63  }
0x63: {  	s18 =	sadd.s32 $0x180, s19  }
0x64: {  	[spmem:s2] =	stream.indirect.scatter.add.f32 [tilespmem:s11], [sflag:$0x4], $0x1, s18, s10, $0xb8;
	[tilespmem:$0x2D80] =	vst v63  }
0x65: {  	_ =	swait.ge [sflag:s12], $0x80  }
0x66: {  	[sflag:s12] =	ssyncset.done $0x0  }
0x67: {  	[sflag:s12] =	ssyncadd.s32 $0xFFFFFF80  }
0x68: {  	_ =	swait.ge [sflag:s13], $0x80  }
0x69: {  	[sflag:s13] =	ssyncset.done $0x0  }
0x6a: {  	[sflag:s13] =	ssyncadd.s32 $0xFFFFFF80  }
.Ltmp0:
0x6b: {  	_ =	swait.ge [sflag:s14], $0x80;
	(pc) =	sbr.rel @p0 .LBB2_2-.Ltmp0, $4  }
0x6c: {  	[sflag:s14] =	ssyncset.done $0x0  }
0x6d: {  	[sflag:s14] =	ssyncadd.s32 $0xFFFFFF80  }
0x6e: {  	_ =	swait.ge [sflag:s15], $0x80  }
0x6f: {  	s18 =	smov.u32 s20;
	[sflag:s15] =	ssyncset.done $0x0  }
0x70: {  	s17 =	sshra.s32 s17, $0x2;
	[sflag:s15] =	ssyncadd.s32 $0xFFFFFF80  }
0x71: {  	[spmem:s2] =	stream.indirect.scatter.add.f32 [tilespmem:s11], [sflag:$0x1], $0x1, s17, s10, $0xb8;
	[tilespmem:$0x2D80] =	vst v63  }
0x72: {  	s18 =	sadd.s32 $0x80, s17  }
0x73: {  	[spmem:s2] =	stream.indirect.scatter.add.f32 [tilespmem:s11], [sflag:$0x2], $0x1, s18, s10, $0xb8;
	[tilespmem:$0x2D80] =	vst v63  }
0x74: {  	s31 =	sadd.s32 $0x100, s17  }
0x75: {  	[spmem:s2] =	stream.indirect.scatter.add.f32 [tilespmem:s11], [sflag:$0x3], $0x1, s31, s10, $0xb8;
	[tilespmem:$0x2D80] =	vst v63  }
0x76: {  	s17 =	sadd.s32 $0x180, s17  }
0x77: {  	[spmem:s2] =	stream.indirect.scatter.add.f32 [tilespmem:s11], [sflag:$0x4], $0x1, s17, s10, $0xb8;
	[tilespmem:$0x2D80] =	vst v63  }
0x78: {  	_ =	swait.ge [sflag:s12], $0x80  }
0x79: {  	[sflag:s12] =	ssyncset.done $0x0  }
0x7a: {  	[sflag:s12] =	ssyncadd.s32 $0xFFFFFF80  }
0x7b: {  	_ =	swait.ge [sflag:s13], $0x80  }
0x7c: {  	[sflag:s13] =	ssyncset.done $0x0  }
0x7d: {  	[sflag:s13] =	ssyncadd.s32 $0xFFFFFF80  }
0x7e: {  	_ =	swait.ge [sflag:s14], $0x80  }
0x7f: {  	[sflag:s14] =	ssyncset.done $0x0  }
0x80: {  	[sflag:s14] =	ssyncadd.s32 $0xFFFFFF80  }
0x81: {  	_ =	swait.ge [sflag:s15], $0x80  }
0x82: {  	[sflag:s15] =	ssyncset.done $0x0  }
0x83: {  	[sflag:s15] =	ssyncadd.s32 $0xFFFFFF80  }
0x84: {  	[bflag:$0x0] =	sbarrier.arrive $0xFFFF  }
0x85: {  	_ =	sdelay $0x7ff  }
0x86: {  	_ =	sdelay $0x7ff  }
0x87: {  	_ =	sdelay $0x5ad  }
0x88: {  	[bflag:$0x0] =	sbarrier.arrive $0xFFFF  }
0x89: {  	[tilespmem:s8], [sflag:$0x5] =	stream.linear.gather [spmem:s4], $0x280, $0x38;
	[tilespmem:$0x2D80] =	vst v63  }
0x8a: {  	s16 =	sadd.s32 $0x1, s16;
	_ =	swait.ge [sflag:s9], $0x280  }
0x8b: {  	p0 =	sne.s32 s16, s7;
	[sflag:s9] =	ssyncset.done $0x0  }
.Ltmp1:
0x8c: {  	[sflag:s9] =	ssyncadd.s32 $0xFFFFFD80;
	(pc) =	sbr.rel @p0 .LBB2_1-.Ltmp1, $4  }
0x8d: {  	[hbm4b:s6+s3] =	stream.linear.scatter [tilespmem:s8], [sflag:$0x5], $0x280, $0x38;
	[tilespmem:$0x2D80] =	vst v63  }
0x8e: {  	_ =	swait.ge [sflag:s9], $0x280  }
0x8f: {  	[sflag:s9] =	ssyncset.done $0x0  }
0x90: {  	[sflag:s9] =	ssyncadd.s32 $0xFFFFFD80  }
0x91: {  	_ =	sfence.sel $0x180000  }
0x92: {  	[bflag:$0x0] =	sbarrier.arrive $0xFFFF  }
0x93: {  	p0 =	sne.s32 s0, $0x0;
	_ =	strace $0x90000047  }
0x94: {  	s0 =	sadd.s32 @!p0 $0x100000, s1;
	[bflag:$0x2] =	sbarrier.arrive $0xFFFF  }
0x95: {  	[sflag:s0] =	ssyncadd.tile.s32 @!p0 $0x1;
	_ =	shalt  }
.Lfunc_end2:
_tile_overlayer_lowered:
.L_overlay_start_2:
0x96: {  	(tag) =	ssettag $0x2  }
0x97: {  	s0 =	rddreg [dreg:$0x0];
	s2 =	stileid.u32  }
0x98: {  	s1 =	rddreg [dreg:$0x1];
	p0 =	sne.s32 s2, $0x0  }
0x99: {  	s3 =	rddreg [dreg:$0x2];
	[bflag:$0x3] =	sbarrier.arrive $0xFFFF;
	s2 =	simm.s32 @!p0 $0x1C05  }
0x9a: {  	[timem:s3], [sflag:s2] =	dma.local @!p0 [hbm:s0], s1  }
0x9b: {  	s0 =	simm.s32 @!p0 $0x5  }
0x9c: {  	_ =	swait.ge @!p0 [sflag:s0], s1  }
0x9d: {  	s1 =	ssub.s32 @!p0 $0x0, s1;
	[sflag:s0] =	ssyncset.done @!p0 $0x0  }
0x9e: {  	[sflag:s0] =	ssyncadd.s32 @!p0 s1  }
0x9f: {  	[bflag:$0x3] =	sbarrier.arrive $0xFFFF  }
0xa0: {  	_ =	shalt  }

</sc_bundles>
